<compile_context>
chip_gen: v7x
topology: tpu7x:2x2x1
jax: 0.10.2.dev20260603
libtpu: 0.0.44.dev20260713+nightly
codegen_flags: <defaults>
</compile_context>

<pallas_src>
import functools

import jax
import jax.numpy as jnp
from jax import lax
from jax.experimental import pallas as pl
from jax.experimental.pallas import tpu as pltpu
from jax.experimental.pallas import tpu_sc as plsc

_D = 64
_NW = 32
_CHUNK = 128
_NBUF = 4
_LOOK = 2
_EPS = 1e-5


def _rsqrt(x):
    i = plsc.bitcast(x, jnp.int32)
    i = jnp.int32(0x5F3759DF) - lax.shift_right_arithmetic(i, 1)
    y = plsc.bitcast(i, jnp.float32)
    h = x * 0.5
    for _ in range(3):
        y = y * (1.5 - h * y * y)
    return y


def _make_kernel(n_chunks):
    mesh = plsc.VectorSubcoreMesh(core_axis_name="c", subcore_axis_name="s")

    @functools.partial(
        pl.kernel,
        out_type=jax.ShapeDtypeStruct((_NW, n_chunks, _CHUNK, _D), jnp.float32),
        mesh=mesh,
        compiler_params=pltpu.CompilerParams(
            needs_layout_passes=False, use_tc_tiling_on_sc=False
        ),
        scratch_types=[
            pltpu.VMEM((n_chunks, _CHUNK), jnp.int32),
            [pltpu.VMEM((_CHUNK, _D), jnp.float32) for _ in range(_NBUF)],
            pltpu.VMEM((_D,), jnp.float32),
            pltpu.VMEM((_D,), jnp.float32),
            [pltpu.SemaphoreType.DMA for _ in range(_NBUF)],
            [pltpu.SemaphoreType.DMA for _ in range(_NBUF)],
        ],
    )
    def kern(idx_hbm, table_hbm, gamma_hbm, beta_hbm, out_hbm,
             idx_v, rows, gamma_v, beta_v, gsem, ssem):
        wid = lax.axis_index("s") * 2 + lax.axis_index("c")
        pltpu.sync_copy(gamma_hbm, gamma_v)
        pltpu.sync_copy(beta_hbm, beta_v)
        pltpu.sync_copy(idx_hbm.at[wid], idx_v)
        gam = [gamma_v[pl.ds(16 * i, 16)] for i in range(_D // 16)]
        bet = [beta_v[pl.ds(16 * i, 16)] for i in range(_D // 16)]

        def gather(c, b):
            return pltpu.make_async_copy(
                table_hbm.at[idx_v.at[c]], rows[b], gsem[b]
            )

        def scatter(c, b):
            return pltpu.make_async_copy(rows[b], out_hbm.at[wid, c], ssem[b])

        def compute(b):
            @plsc.parallel_loop(0, _CHUNK, unroll=4)
            def row_body(r):
                vs = [rows[b][r, pl.ds(16 * i, 16)] for i in range(_D // 16)]
                s = jnp.sum(vs[0] + vs[1] + vs[2] + vs[3])
                q = jnp.sum(
                    vs[0] * vs[0] + vs[1] * vs[1] + vs[2] * vs[2] + vs[3] * vs[3]
                )
                mean = s * (1.0 / _D)
                var = q * (1.0 / _D) - mean * mean
                var_v = jnp.full((16,), var, jnp.float32) + _EPS
                rstd = _rsqrt(var_v)
                mrs = jnp.full((16,), mean, jnp.float32) * rstd
                for i in range(_D // 16):
                    o = (vs[i] * rstd - mrs) * gam[i] + bet[i]
                    rows[b][r, pl.ds(16 * i, 16)] = o

        gather(0, 0).start()
        gather(1, 1).start()

        def ring_body(cc, carry):
            for b in range(_NBUF):
                c = cc * _NBUF + b
                nb = (b + _LOOK) % _NBUF

                @pl.when(c + _LOOK < n_chunks)
                def _():
                    @pl.when(c >= _NBUF - _LOOK)
                    def _():
                        scatter(c - (_NBUF - _LOOK), nb).wait()

                    gather(c + _LOOK, nb).start()

                gather(c, b).wait()
                compute(b)
                scatter(c, b).start()
            return carry

        lax.fori_loop(0, n_chunks // _NBUF, ring_body, 0)
        for b in range(_NBUF):
            scatter(n_chunks - _NBUF + b, b).wait()

    return kern


@jax.jit
def kernel(place_ids, table, gamma, beta):
    batch, hist = place_ids.shape
    total = batch * hist
    n_chunks = total // (_NW * _CHUNK)
    idx = place_ids.astype(jnp.int32).reshape(_NW, n_chunks, _CHUNK)
    out = _make_kernel(n_chunks)(idx, table, gamma, beta)
    return out.reshape(batch, hist, _D)

# --- scband reference (transcript-rebuilt; emitter-appended) ---
"""Pipeline reference for scband-place-embeddings-49065706389671 (READ-ONLY COPY).

The authoritative reference and input builder live on the scoring server;
editing this copy changes nothing except your own understanding.
"""

import jax, jax.numpy as jnp
import numpy as np

NUM_PLACES = 1000000
EMBED_DIM = 64
BATCH = 16384
HIST = 50
EPS = 1e-5


def setup_inputs(seed: int = 0) -> dict:
    key = jax.random.key(seed)
    k1, k2 = jax.random.split(key)
    place_ids = jax.random.randint(k1, (BATCH, HIST), 0, NUM_PLACES, dtype=jnp.int64 if jax.config.jax_enable_x64 else jnp.int32)
    table = jax.random.normal(k2, (NUM_PLACES, EMBED_DIM), dtype=jnp.float32)
    gamma = jnp.ones((EMBED_DIM,), dtype=jnp.float32)
    beta = jnp.zeros((EMBED_DIM,), dtype=jnp.float32)
    return {"place_ids": place_ids, "table": table, "gamma": gamma, "beta": beta}


def reference(place_ids, table, gamma, beta):
    # Embedding lookup (SparseCore gather)
    x = jnp.take(table, place_ids, axis=0)  # [B, L, D]
    # LayerNorm over last dim (eps matches torch default 1e-5)
    mean = jnp.mean(x, axis=-1, keepdims=True)
    var = jnp.mean((x - mean) ** 2, axis=-1, keepdims=True)
    x = (x - mean) / jnp.sqrt(var + EPS)
    x = x * gamma + beta
    # Dropout is identity in eval mode
    return x

if __name__ == "__main__":
    import jax
    _d = setup_inputs()
    print(jax.jit(kernel)(*tuple(_d.values())))

</pallas_src>

<mosaic_0001>
#map = affine_map<(d0, d1) -> (0, 0, 0)>
#map1 = affine_map<(d0, d1) -> (0, 0)>
#map2 = affine_map<(d0, d1) -> (0)>
#map3 = affine_map<(d0, d1) -> (0, 0, 0, 0)>
module attributes {stable_mosaic.version = 14 : i64} {
  func.func @kern(%arg0: i32, %arg1: i32, %arg2: memref<32x200x128xi32, #tpu.memory_space<hbm>>, %arg3: memref<1000000x64xf32, #tpu.memory_space<hbm>>, %arg4: memref<64xf32, #tpu.memory_space<hbm>>, %arg5: memref<64xf32, #tpu.memory_space<hbm>>, %arg6: memref<32x200x128x64xf32, #tpu.memory_space<hbm>>, %arg7: memref<200x128xi32, #tpu.memory_space<vmem>>, %arg8: memref<128x64xf32, #tpu.memory_space<vmem>>, %arg9: memref<128x64xf32, #tpu.memory_space<vmem>>, %arg10: memref<128x64xf32, #tpu.memory_space<vmem>>, %arg11: memref<128x64xf32, #tpu.memory_space<vmem>>, %arg12: memref<64xf32, #tpu.memory_space<vmem>>, %arg13: memref<64xf32, #tpu.memory_space<vmem>>, %arg14: memref<!tpu.dma_semaphore, #tpu.memory_space<semaphore_mem>>, %arg15: memref<!tpu.dma_semaphore, #tpu.memory_space<semaphore_mem>>, %arg16: memref<!tpu.dma_semaphore, #tpu.memory_space<semaphore_mem>>, %arg17: memref<!tpu.dma_semaphore, #tpu.memory_space<semaphore_mem>>, %arg18: memref<!tpu.dma_semaphore, #tpu.memory_space<semaphore_mem>>, %arg19: memref<!tpu.dma_semaphore, #tpu.memory_space<semaphore_mem>>, %arg20: memref<!tpu.dma_semaphore, #tpu.memory_space<semaphore_mem>>, %arg21: memref<!tpu.dma_semaphore, #tpu.memory_space<semaphore_mem>>) attributes {dimension_semantics = [#tpu.dimension_semantics<core_parallel>, #tpu.dimension_semantics<subcore_parallel>], iteration_bounds = array<i64: 2, 16>, scalar_prefetch = 0 : i64, scratch_operands = 15 : i64, tpu.core_type = #tpu.core_type<sc_vector_subcore>, window_params = [{transform_indices = #map}, {transform_indices = #map1}, {transform_indices = #map2}, {transform_indices = #map2}, {transform_indices = #map3}]} {
    %mul3A = arith.constant 2 : i32
    %mul3A_0 = arith.muli %arg1, %mul3A : i32
    %add3A = arith.addi %mul3A_0, %arg0 : i32
    "tpu.region"() ({
      %run_scoped3A = tpu.sem_alloc : memref<!tpu.dma_semaphore, #tpu.memory_space<semaphore_mem>>
      tpu.enqueue_dma source(%arg4 : memref<64xf32, #tpu.memory_space<hbm>>) target(%arg12 : memref<64xf32, #tpu.memory_space<vmem>>) target_semaphore(%run_scoped3A : memref<!tpu.dma_semaphore, #tpu.memory_space<semaphore_mem>>)
      tpu.wait_dma2 semaphore(%run_scoped3A : memref<!tpu.dma_semaphore, #tpu.memory_space<semaphore_mem>>) src(%arg4 : memref<64xf32, #tpu.memory_space<hbm>>) dst(%arg12 : memref<64xf32, #tpu.memory_space<vmem>>)
      tpu.yield
    }) : () -> ()
    "tpu.region"() ({
      %run_scoped3A = tpu.sem_alloc : memref<!tpu.dma_semaphore, #tpu.memory_space<semaphore_mem>>
      tpu.enqueue_dma source(%arg5 : memref<64xf32, #tpu.memory_space<hbm>>) target(%arg13 : memref<64xf32, #tpu.memory_space<vmem>>) target_semaphore(%run_scoped3A : memref<!tpu.dma_semaphore, #tpu.memory_space<semaphore_mem>>)
      tpu.wait_dma2 semaphore(%run_scoped3A : memref<!tpu.dma_semaphore, #tpu.memory_space<semaphore_mem>>) src(%arg5 : memref<64xf32, #tpu.memory_space<hbm>>) dst(%arg13 : memref<64xf32, #tpu.memory_space<vmem>>)
      tpu.yield
    }) : () -> ()
    "tpu.region"() ({
      %run_scoped3A = tpu.sem_alloc : memref<!tpu.dma_semaphore, #tpu.memory_space<semaphore_mem>>
      %dma_start3A_69 = arith.constant 0 : i32
      %dma_start3A_70 = arith.constant 0 : i32
      %dma_start3A_71 = tpu.memref_slice %arg2[%add3A, %dma_start3A_69, %dma_start3A_70] : memref<32x200x128xi32, #tpu.memory_space<hbm>> -> memref<1x200x128xi32, #tpu.memory_space<hbm>>
      %dma_start3A_72 = tpu.memref_squeeze %dma_start3A_71 : memref<1x200x128xi32, #tpu.memory_space<hbm>> -> memref<200x128xi32, #tpu.memory_space<hbm>>
      %dma_start3A_73 = arith.constant 0 : i32
      %dma_start3A_74 = arith.constant 0 : i32
      %dma_start3A_75 = tpu.memref_slice %arg2[%add3A, %dma_start3A_73, %dma_start3A_74] : memref<32x200x128xi32, #tpu.memory_space<hbm>> -> memref<1x200x128xi32, #tpu.memory_space<hbm>>
      %dma_start3A_76 = tpu.memref_squeeze %dma_start3A_75 : memref<1x200x128xi32, #tpu.memory_space<hbm>> -> memref<200x128xi32, #tpu.memory_space<hbm>>
      tpu.enqueue_dma source(%dma_start3A_76 : memref<200x128xi32, #tpu.memory_space<hbm>>) target(%arg7 : memref<200x128xi32, #tpu.memory_space<vmem>>) target_semaphore(%run_scoped3A : memref<!tpu.dma_semaphore, #tpu.memory_space<semaphore_mem>>)
      %dma_wait3A_77 = arith.constant 0 : i32
      %dma_wait3A_78 = arith.constant 0 : i32
      %dma_wait3A_79 = tpu.memref_slice %arg2[%add3A, %dma_wait3A_77, %dma_wait3A_78] : memref<32x200x128xi32, #tpu.memory_space<hbm>> -> memref<1x200x128xi32, #tpu.memory_space<hbm>>
      %dma_wait3A_80 = tpu.memref_squeeze %dma_wait3A_79 : memref<1x200x128xi32, #tpu.memory_space<hbm>> -> memref<200x128xi32, #tpu.memory_space<hbm>>
      %dma_wait3A_81 = arith.constant 0 : i32
      %dma_wait3A_82 = arith.constant 0 : i32
      %dma_wait3A_83 = tpu.memref_slice %arg2[%add3A, %dma_wait3A_81, %dma_wait3A_82] : memref<32x200x128xi32, #tpu.memory_space<hbm>> -> memref<1x200x128xi32, #tpu.memory_space<hbm>>
      %dma_wait3A_84 = tpu.memref_squeeze %dma_wait3A_83 : memref<1x200x128xi32, #tpu.memory_space<hbm>> -> memref<200x128xi32, #tpu.memory_space<hbm>>
      tpu.wait_dma2 semaphore(%run_scoped3A : memref<!tpu.dma_semaphore, #tpu.memory_space<semaphore_mem>>) src(%dma_wait3A_84 : memref<200x128xi32, #tpu.memory_space<hbm>>) dst(%arg7 : memref<200x128xi32, #tpu.memory_space<vmem>>)
      tpu.yield
    }) : () -> ()
    %get3A = arith.constant 0 : index
    %get3A_1 = tpu.vector_load %arg12[%get3A] {strides = array<i32>} : memref<64xf32, #tpu.memory_space<vmem>>, vector<16xf32>,
    %get3A_2 = arith.constant 16 : index
    %get3A_3 = tpu.vector_load %arg12[%get3A_2] {strides = array<i32>} : memref<64xf32, #tpu.memory_space<vmem>>, vector<16xf32>,
    %get3A_4 = arith.constant 32 : index
    %get3A_5 = tpu.vector_load %arg12[%get3A_4] {strides = array<i32>} : memref<64xf32, #tpu.memory_space<vmem>>, vector<16xf32>,
    %get3A_6 = arith.constant 48 : index
    %get3A_7 = tpu.vector_load %arg12[%get3A_6] {strides = array<i32>} : memref<64xf32, #tpu.memory_space<vmem>>, vector<16xf32>,
    %get3A_8 = arith.constant 0 : index
    %get3A_9 = tpu.vector_load %arg13[%get3A_8] {strides = array<i32>} : memref<64xf32, #tpu.memory_space<vmem>>, vector<16xf32>,
    %get3A_10 = arith.constant 16 : index
    %get3A_11 = tpu.vector_load %arg13[%get3A_10] {strides = array<i32>} : memref<64xf32, #tpu.memory_space<vmem>>, vector<16xf32>,
    %get3A_12 = arith.constant 32 : index
    %get3A_13 = tpu.vector_load %arg13[%get3A_12] {strides = array<i32>} : memref<64xf32, #tpu.memory_space<vmem>>, vector<16xf32>,
    %get3A_14 = arith.constant 48 : index
    %get3A_15 = tpu.vector_load %arg13[%get3A_14] {strides = array<i32>} : memref<64xf32, #tpu.memory_space<vmem>>, vector<16xf32>,
    %dma_start3A = arith.constant 0 : i32
    %dma_start3A_16 = arith.constant 0 : i32
    %dma_start3A_17 = tpu.memref_slice %arg7[%dma_start3A, %dma_start3A_16] : memref<200x128xi32, #tpu.memory_space<vmem>> -> memref<1x128xi32, #tpu.memory_space<vmem>>
    %dma_start3A_18 = tpu.memref_squeeze %dma_start3A_17 : memref<1x128xi32, #tpu.memory_space<vmem>> -> memref<128xi32, #tpu.memory_space<vmem>>
    %dma_start3A_19 = arith.constant 0 : i32
    %dma_start3A_20 = arith.constant 0 : i32
    %dma_start3A_21 = tpu.memref_slice %arg3[%dma_start3A_19, %dma_start3A_20] : memref<1000000x64xf32, #tpu.memory_space<hbm>> -> memref<1000000x64xf32, #tpu.memory_space<hbm>>
    tpu.enqueue_indirect_dma source(%dma_start3A_21 : memref<1000000x64xf32, #tpu.memory_space<hbm>>) target(%arg8 : memref<128x64xf32, #tpu.memory_space<vmem>>) offsets(%dma_start3A_18 : memref<128xi32, #tpu.memory_space<vmem>>) semaphore(%arg14 : memref<!tpu.dma_semaphore, #tpu.memory_space<semaphore_mem>>)
    %dma_start3A_22 = arith.constant 1 : i32
    %dma_start3A_23 = arith.constant 0 : i32
    %dma_start3A_24 = tpu.memref_slice %arg7[%dma_start3A_22, %dma_start3A_23] : memref<200x128xi32, #tpu.memory_space<vmem>> -> memref<1x128xi32, #tpu.memory_space<vmem>>
    %dma_start3A_25 = tpu.memref_squeeze %dma_start3A_24 : memref<1x128xi32, #tpu.memory_space<vmem>> -> memref<128xi32, #tpu.memory_space<vmem>>
    %dma_start3A_26 = arith.constant 0 : i32
    %dma_start3A_27 = arith.constant 0 : i32
    %dma_start3A_28 = tpu.memref_slice %arg3[%dma_start3A_26, %dma_start3A_27] : memref<1000000x64xf32, #tpu.memory_space<hbm>> -> memref<1000000x64xf32, #tpu.memory_space<hbm>>
    tpu.enqueue_indirect_dma source(%dma_start3A_28 : memref<1000000x64xf32, #tpu.memory_space<hbm>>) target(%arg9 : memref<128x64xf32, #tpu.memory_space<vmem>>) offsets(%dma_start3A_25 : memref<128xi32, #tpu.memory_space<vmem>>) semaphore(%arg15 : memref<!tpu.dma_semaphore, #tpu.memory_space<semaphore_mem>>)
    %scan3A = arith.constant 0 : i32
    %scan3A_29 = arith.constant 0 : i32
    %scan3A_30 = arith.constant 50 : i32
    %scan3A_31 = arith.addi %scan3A_29, %scan3A_30 : i32
    %scan3A_32 = arith.constant 1 : i32
    scf.for %scan3A_69 = %scan3A_29 to %scan3A_31 step %scan3A_32  : i32 {
      %mul3A_70 = arith.constant 4 : i32
      %mul3A_71 = arith.muli %scan3A_69, %mul3A_70 : i32
      %add3A_72 = arith.constant 0 : i32
      %add3A_73 = arith.addi %mul3A_71, %add3A_72 : i32
      %add3A_74 = arith.constant 2 : i32
      %add3A_75 = arith.addi %add3A_73, %add3A_74 : i32
      %lt3A = arith.constant 200 : i32
      %lt3A_76 = arith.cmpi slt, %add3A_75, %lt3A : i32
      %convert_element_type3A = arith.extui %lt3A_76 : i1 to i32
      %cond3A = arith.constant 0 : i32
      %cond3A_77 = arith.cmpi ne, %convert_element_type3A, %cond3A : i32
      scf.if %cond3A_77 {
        %ge3A = arith.constant 2 : i32
        %ge3A_178 = arith.cmpi sge, %add3A_73, %ge3A : i32
        %convert_element_type3A_179 = arith.extui %ge3A_178 : i1 to i32
        %cond3A_180 = arith.constant 0 : i32
        %cond3A_181 = arith.cmpi ne, %convert_element_type3A_179, %cond3A_180 : i32
        scf.if %cond3A_181 {
          %sub3A = arith.constant 2 : i32
          %sub3A_190 = arith.subi %add3A_73, %sub3A : i32
          %dma_wait3A_191 = arith.constant 0 : i32
          %dma_wait3A_192 = arith.constant 0 : i32
          %dma_wait3A_193 = tpu.memref_slice %arg6[%add3A, %sub3A_190, %dma_wait3A_191, %dma_wait3A_192] : memref<32x200x128x64xf32, #tpu.memory_space<hbm>> -> memref<1x1x128x64xf32, #tpu.memory_space<hbm>>
          %dma_wait3A_194 = tpu.memref_squeeze %dma_wait3A_193 : memref<1x1x128x64xf32, #tpu.memory_space<hbm>> -> memref<128x64xf32, #tpu.memory_space<hbm>>
          %dma_wait3A_195 = arith.constant 0 : i32
          %dma_wait3A_196 = arith.constant 0 : i32
          %dma_wait3A_197 = tpu.memref_slice %arg6[%add3A, %sub3A_190, %dma_wait3A_195, %dma_wait3A_196] : memref<32x200x128x64xf32, #tpu.memory_space<hbm>> -> memref<1x1x128x64xf32, #tpu.memory_space<hbm>>
          %dma_wait3A_198 = tpu.memref_squeeze %dma_wait3A_197 : memref<1x1x128x64xf32, #tpu.memory_space<hbm>> -> memref<128x64xf32, #tpu.memory_space<hbm>>
          tpu.wait_dma2 semaphore(%arg20 : memref<!tpu.dma_semaphore, #tpu.memory_space<semaphore_mem>>) src(%arg10 : memref<128x64xf32, #tpu.memory_space<vmem>>) dst(%dma_wait3A_198 : memref<128x64xf32, #tpu.memory_space<hbm>>)
        } else {
        }
        %add3A_182 = arith.constant 2 : i32
        %add3A_183 = arith.addi %add3A_73, %add3A_182 : i32
        %dma_start3A_184 = arith.constant 0 : i32
        %dma_start3A_185 = tpu.memref_slice %arg7[%add3A_183, %dma_start3A_184] : memref<200x128xi32, #tpu.memory_space<vmem>> -> memref<1x128xi32, #tpu.memory_space<vmem>>
        %dma_start3A_186 = tpu.memref_squeeze %dma_start3A_185 : memref<1x128xi32, #tpu.memory_space<vmem>> -> memref<128xi32, #tpu.memory_space<vmem>>
        %dma_start3A_187 = arith.constant 0 : i32
        %dma_start3A_188 = arith.constant 0 : i32
        %dma_start3A_189 = tpu.memref_slice %arg3[%dma_start3A_187, %dma_start3A_188] : memref<1000000x64xf32, #tpu.memory_space<hbm>> -> memref<1000000x64xf32, #tpu.memory_space<hbm>>
        tpu.enqueue_indirect_dma source(%dma_start3A_189 : memref<1000000x64xf32, #tpu.memory_space<hbm>>) target(%arg10 : memref<128x64xf32, #tpu.memory_space<vmem>>) offsets(%dma_start3A_186 : memref<128xi32, #tpu.memory_space<vmem>>) semaphore(%arg16 : memref<!tpu.dma_semaphore, #tpu.memory_space<semaphore_mem>>)
      } else {
      }
      %dma_wait3A_78 = arith.constant 0 : i32
      %dma_wait3A_79 = tpu.memref_slice %arg7[%add3A_73, %dma_wait3A_78] : memref<200x128xi32, #tpu.memory_space<vmem>> -> memref<1x128xi32, #tpu.memory_space<vmem>>
      %dma_wait3A_80 = tpu.memref_squeeze %dma_wait3A_79 : memref<1x128xi32, #tpu.memory_space<vmem>> -> memref<128xi32, #tpu.memory_space<vmem>>
      %dma_wait3A_81 = arith.constant 0 : i32
      %dma_wait3A_82 = arith.constant 0 : i32
      %dma_wait3A_83 = tpu.memref_slice %arg3[%dma_wait3A_81, %dma_wait3A_82] : memref<1000000x64xf32, #tpu.memory_space<hbm>> -> memref<1000000x64xf32, #tpu.memory_space<hbm>>
      tpu.wait_indirect_dma semaphore(%arg14 : memref<!tpu.dma_semaphore, #tpu.memory_space<semaphore_mem>>) src(%dma_wait3A_83 : memref<1000000x64xf32, #tpu.memory_space<hbm>>) dst(%arg8 : memref<128x64xf32, #tpu.memory_space<vmem>>)
      %parallel_loop3A = arith.constant 0 : i32
      %parallel_loop3A_84 = arith.constant 128 : i32
      %parallel_loop3A_85 = arith.constant 1 : i32
      scf.for %parallel_loop3A_178 = %parallel_loop3A to %parallel_loop3A_84 step %parallel_loop3A_85  : i32 {
        %parallel_loop3A_179 = arith.index_cast %parallel_loop3A_178 : i32 to index
        %parallel_loop3A_180 = arith.constant 0 : index
        %parallel_loop3A_181 = tpu.vector_load %arg8[%parallel_loop3A_179, %parallel_loop3A_180] {strides = array<i32>} : memref<128x64xf32, #tpu.memory_space<vmem>>, vector<16xf32>,
        %parallel_loop3A_182 = arith.index_cast %parallel_loop3A_178 : i32 to index
        %parallel_loop3A_183 = arith.constant 16 : index
        %parallel_loop3A_184 = tpu.vector_load %arg8[%parallel_loop3A_182, %parallel_loop3A_183] {strides = array<i32>} : memref<128x64xf32, #tpu.memory_space<vmem>>, vector<16xf32>,
        %parallel_loop3A_185 = arith.index_cast %parallel_loop3A_178 : i32 to index
        %parallel_loop3A_186 = arith.constant 32 : index
        %parallel_loop3A_187 = tpu.vector_load %arg8[%parallel_loop3A_185, %parallel_loop3A_186] {strides = array<i32>} : memref<128x64xf32, #tpu.memory_space<vmem>>, vector<16xf32>,
        %parallel_loop3A_188 = arith.index_cast %parallel_loop3A_178 : i32 to index
        %parallel_loop3A_189 = arith.constant 48 : index
        %parallel_loop3A_190 = tpu.vector_load %arg8[%parallel_loop3A_188, %parallel_loop3A_189] {strides = array<i32>} : memref<128x64xf32, #tpu.memory_space<vmem>>, vector<16xf32>,
        %parallel_loop3A_191 = arith.addf %parallel_loop3A_181, %parallel_loop3A_184 : vector<16xf32>
        %parallel_loop3A_192 = arith.addf %parallel_loop3A_191, %parallel_loop3A_187 : vector<16xf32>
        %parallel_loop3A_193 = arith.addf %parallel_loop3A_192, %parallel_loop3A_190 : vector<16xf32>
        %parallel_loop3A_194 = arith.constant true
        %parallel_loop3A_195 = vector.broadcast %parallel_loop3A_194 : i1 to vector<16xi1>
        %parallel_loop3A_196 = tpu.scan <sum>, %parallel_loop3A_193 masked %parallel_loop3A_195 : vector<16xf32>, vector<16xi1> -> vector<16xf32>
        %parallel_loop3A_197 = vector.extract %parallel_loop3A_196[15] : f32 from vector<16xf32>
        %parallel_loop3A_198 = arith.mulf %parallel_loop3A_181, %parallel_loop3A_181 : vector<16xf32>
        %parallel_loop3A_199 = arith.mulf %parallel_loop3A_184, %parallel_loop3A_184 : vector<16xf32>
        %parallel_loop3A_200 = arith.addf %parallel_loop3A_198, %parallel_loop3A_199 : vector<16xf32>
        %parallel_loop3A_201 = arith.mulf %parallel_loop3A_187, %parallel_loop3A_187 : vector<16xf32>
        %parallel_loop3A_202 = arith.addf %parallel_loop3A_200, %parallel_loop3A_201 : vector<16xf32>
        %parallel_loop3A_203 = arith.mulf %parallel_loop3A_190, %parallel_loop3A_190 : vector<16xf32>
        %parallel_loop3A_204 = arith.addf %parallel_loop3A_202, %parallel_loop3A_203 : vector<16xf32>
        %parallel_loop3A_205 = arith.constant true
        %parallel_loop3A_206 = vector.broadcast %parallel_loop3A_205 : i1 to vector<16xi1>
        %parallel_loop3A_207 = tpu.scan <sum>, %parallel_loop3A_204 masked %parallel_loop3A_206 : vector<16xf32>, vector<16xi1> -> vector<16xf32>
        %parallel_loop3A_208 = vector.extract %parallel_loop3A_207[15] : f32 from vector<16xf32>
        %parallel_loop3A_209 = arith.constant 1.562500e-02 : f32
        %parallel_loop3A_210 = arith.mulf %parallel_loop3A_197, %parallel_loop3A_209 : f32
        %parallel_loop3A_211 = arith.constant 1.562500e-02 : f32
        %parallel_loop3A_212 = arith.mulf %parallel_loop3A_208, %parallel_loop3A_211 : f32
        %parallel_loop3A_213 = arith.mulf %parallel_loop3A_210, %parallel_loop3A_210 : f32
        %parallel_loop3A_214 = arith.subf %parallel_loop3A_212, %parallel_loop3A_213 : f32
        %parallel_loop3A_215 = vector.broadcast %parallel_loop3A_214 : f32 to vector<16xf32>
        %parallel_loop3A_216 = arith.constant 9.99999974E-6 : f32
        %parallel_loop3A_217 = vector.broadcast %parallel_loop3A_216 : f32 to vector<16xf32>
        %parallel_loop3A_218 = arith.addf %parallel_loop3A_215, %parallel_loop3A_217 : vector<16xf32>
        %parallel_loop3A_219 = vector.bitcast %parallel_loop3A_218 : vector<16xf32> to vector<16xi32>
        %parallel_loop3A_220 = arith.constant 1 : i32
        %parallel_loop3A_221 = vector.broadcast %parallel_loop3A_220 : i32 to vector<16xi32>
        %parallel_loop3A_222 = arith.shrsi %parallel_loop3A_219, %parallel_loop3A_221 : vector<16xi32>
        %parallel_loop3A_223 = arith.constant 1597463007 : i32
        %parallel_loop3A_224 = vector.broadcast %parallel_loop3A_223 : i32 to vector<16xi32>
        %parallel_loop3A_225 = arith.subi %parallel_loop3A_224, %parallel_loop3A_222 : vector<16xi32>
        %parallel_loop3A_226 = vector.bitcast %parallel_loop3A_225 : vector<16xi32> to vector<16xf32>
        %parallel_loop3A_227 = arith.constant 5.000000e-01 : f32
        %parallel_loop3A_228 = vector.broadcast %parallel_loop3A_227 : f32 to vector<16xf32>
        %parallel_loop3A_229 = arith.mulf %parallel_loop3A_218, %parallel_loop3A_228 : vector<16xf32>
        %parallel_loop3A_230 = arith.mulf %parallel_loop3A_229, %parallel_loop3A_226 : vector<16xf32>
        %parallel_loop3A_231 = arith.mulf %parallel_loop3A_230, %parallel_loop3A_226 : vector<16xf32>
        %parallel_loop3A_232 = arith.constant 1.500000e+00 : f32
        %parallel_loop3A_233 = vector.broadcast %parallel_loop3A_232 : f32 to vector<16xf32>
        %parallel_loop3A_234 = arith.subf %parallel_loop3A_233, %parallel_loop3A_231 : vector<16xf32>
        %parallel_loop3A_235 = arith.mulf %parallel_loop3A_226, %parallel_loop3A_234 : vector<16xf32>
        %parallel_loop3A_236 = arith.mulf %parallel_loop3A_229, %parallel_loop3A_235 : vector<16xf32>
        %parallel_loop3A_237 = arith.mulf %parallel_loop3A_236, %parallel_loop3A_235 : vector<16xf32>
        %parallel_loop3A_238 = arith.constant 1.500000e+00 : f32
        %parallel_loop3A_239 = vector.broadcast %parallel_loop3A_238 : f32 to vector<16xf32>
        %parallel_loop3A_240 = arith.subf %parallel_loop3A_239, %parallel_loop3A_237 : vector<16xf32>
        %parallel_loop3A_241 = arith.mulf %parallel_loop3A_235, %parallel_loop3A_240 : vector<16xf32>
        %parallel_loop3A_242 = arith.mulf %parallel_loop3A_229, %parallel_loop3A_241 : vector<16xf32>
        %parallel_loop3A_243 = arith.mulf %parallel_loop3A_242, %parallel_loop3A_241 : vector<16xf32>
        %parallel_loop3A_244 = arith.constant 1.500000e+00 : f32
        %parallel_loop3A_245 = vector.broadcast %parallel_loop3A_244 : f32 to vector<16xf32>
        %parallel_loop3A_246 = arith.subf %parallel_loop3A_245, %parallel_loop3A_243 : vector<16xf32>
        %parallel_loop3A_247 = arith.mulf %parallel_loop3A_241, %parallel_loop3A_246 : vector<16xf32>
        %parallel_loop3A_248 = vector.broadcast %parallel_loop3A_210 : f32 to vector<16xf32>
        %parallel_loop3A_249 = arith.mulf %parallel_loop3A_248, %parallel_loop3A_247 : vector<16xf32>
        %parallel_loop3A_250 = arith.mulf %parallel_loop3A_181, %parallel_loop3A_247 : vector<16xf32>
        %parallel_loop3A_251 = arith.subf %parallel_loop3A_250, %parallel_loop3A_249 : vector<16xf32>
        %parallel_loop3A_252 = arith.mulf %parallel_loop3A_251, %get3A_1 : vector<16xf32>
        %parallel_loop3A_253 = arith.addf %parallel_loop3A_252, %get3A_9 : vector<16xf32>
        %parallel_loop3A_254 = arith.index_cast %parallel_loop3A_178 : i32 to index
        %parallel_loop3A_255 = arith.constant 0 : index
        %parallel_loop3A_256 = tpu.vector_load %arg8[%parallel_loop3A_254, %parallel_loop3A_255] {strides = array<i32>} : memref<128x64xf32, #tpu.memory_space<vmem>>, vector<16xf32>,
        tpu.vector_store %arg8[%parallel_loop3A_254, %parallel_loop3A_255], %parallel_loop3A_253 {strides = array<i32>} : memref<128x64xf32, #tpu.memory_space<vmem>>, vector<16xf32>,
        %parallel_loop3A_257 = arith.mulf %parallel_loop3A_184, %parallel_loop3A_247 : vector<16xf32>
        %parallel_loop3A_258 = arith.subf %parallel_loop3A_257, %parallel_loop3A_249 : vector<16xf32>
        %parallel_loop3A_259 = arith.mulf %parallel_loop3A_258, %get3A_3 : vector<16xf32>
        %parallel_loop3A_260 = arith.addf %parallel_loop3A_259, %get3A_11 : vector<16xf32>
        %parallel_loop3A_261 = arith.index_cast %parallel_loop3A_178 : i32 to index
        %parallel_loop3A_262 = arith.constant 16 : index
        %parallel_loop3A_263 = tpu.vector_load %arg8[%parallel_loop3A_261, %parallel_loop3A_262] {strides = array<i32>} : memref<128x64xf32, #tpu.memory_space<vmem>>, vector<16xf32>,
        tpu.vector_store %arg8[%parallel_loop3A_261, %parallel_loop3A_262], %parallel_loop3A_260 {strides = array<i32>} : memref<128x64xf32, #tpu.memory_space<vmem>>, vector<16xf32>,
        %parallel_loop3A_264 = arith.mulf %parallel_loop3A_187, %parallel_loop3A_247 : vector<16xf32>
        %parallel_loop3A_265 = arith.subf %parallel_loop3A_264, %parallel_loop3A_249 : vector<16xf32>
        %parallel_loop3A_266 = arith.mulf %parallel_loop3A_265, %get3A_5 : vector<16xf32>
        %parallel_loop3A_267 = arith.addf %parallel_loop3A_266, %get3A_13 : vector<16xf32>
        %parallel_loop3A_268 = arith.index_cast %parallel_loop3A_178 : i32 to index
        %parallel_loop3A_269 = arith.constant 32 : index
        %parallel_loop3A_270 = tpu.vector_load %arg8[%parallel_loop3A_268, %parallel_loop3A_269] {strides = array<i32>} : memref<128x64xf32, #tpu.memory_space<vmem>>, vector<16xf32>,
        tpu.vector_store %arg8[%parallel_loop3A_268, %parallel_loop3A_269], %parallel_loop3A_267 {strides = array<i32>} : memref<128x64xf32, #tpu.memory_space<vmem>>, vector<16xf32>,
        %parallel_loop3A_271 = arith.mulf %parallel_loop3A_190, %parallel_loop3A_247 : vector<16xf32>
        %parallel_loop3A_272 = arith.subf %parallel_loop3A_271, %parallel_loop3A_249 : vector<16xf32>
        %parallel_loop3A_273 = arith.mulf %parallel_loop3A_272, %get3A_7 : vector<16xf32>
        %parallel_loop3A_274 = arith.addf %parallel_loop3A_273, %get3A_15 : vector<16xf32>
        %parallel_loop3A_275 = arith.index_cast %parallel_loop3A_178 : i32 to index
        %parallel_loop3A_276 = arith.constant 48 : index
        %parallel_loop3A_277 = tpu.vector_load %arg8[%parallel_loop3A_275, %parallel_loop3A_276] {strides = array<i32>} : memref<128x64xf32, #tpu.memory_space<vmem>>, vector<16xf32>,
        tpu.vector_store %arg8[%parallel_loop3A_275, %parallel_loop3A_276], %parallel_loop3A_274 {strides = array<i32>} : memref<128x64xf32, #tpu.memory_space<vmem>>, vector<16xf32>,
      } {sc.loop_unroll_factor = 4 : i64, sc.parallel_access}
      %dma_start3A_86 = arith.constant 0 : i32
      %dma_start3A_87 = arith.constant 0 : i32
      %dma_start3A_88 = tpu.memref_slice %arg6[%add3A, %add3A_73, %dma_start3A_86, %dma_start3A_87] : memref<32x200x128x64xf32, #tpu.memory_space<hbm>> -> memref<1x1x128x64xf32, #tpu.memory_space<hbm>>
      %dma_start3A_89 = tpu.memref_squeeze %dma_start3A_88 : memref<1x1x128x64xf32, #tpu.memory_space<hbm>> -> memref<128x64xf32, #tpu.memory_space<hbm>>
      %dma_start3A_90 = arith.constant 0 : i32
      %dma_start3A_91 = arith.constant 0 : i32
      %dma_start3A_92 = tpu.memref_slice %arg6[%add3A, %add3A_73, %dma_start3A_90, %dma_start3A_91] : memref<32x200x128x64xf32, #tpu.memory_space<hbm>> -> memref<1x1x128x64xf32, #tpu.memory_space<hbm>>
      %dma_start3A_93 = tpu.memref_squeeze %dma_start3A_92 : memref<1x1x128x64xf32, #tpu.memory_space<hbm>> -> memref<128x64xf32, #tpu.memory_space<hbm>>
      tpu.enqueue_dma source(%arg8 : memref<128x64xf32, #tpu.memory_space<vmem>>) target(%dma_start3A_93 : memref<128x64xf32, #tpu.memory_space<hbm>>) target_semaphore(%arg18 : memref<!tpu.dma_semaphore, #tpu.memory_space<semaphore_mem>>)
      %mul3A_94 = arith.constant 4 : i32
      %mul3A_95 = arith.muli %scan3A_69, %mul3A_94 : i32
      %add3A_96 = arith.constant 1 : i32
      %add3A_97 = arith.addi %mul3A_95, %add3A_96 : i32
      %add3A_98 = arith.constant 2 : i32
      %add3A_99 = arith.addi %add3A_97, %add3A_98 : i32
      %lt3A_100 = arith.constant 200 : i32
      %lt3A_101 = arith.cmpi slt, %add3A_99, %lt3A_100 : i32
      %convert_element_type3A_102 = arith.extui %lt3A_101 : i1 to i32
      %cond3A_103 = arith.constant 0 : i32
      %cond3A_104 = arith.cmpi ne, %convert_element_type3A_102, %cond3A_103 : i32
      scf.if %cond3A_104 {
        %ge3A = arith.constant 2 : i32
        %ge3A_178 = arith.cmpi sge, %add3A_97, %ge3A : i32
        %convert_element_type3A_179 = arith.extui %ge3A_178 : i1 to i32
        %cond3A_180 = arith.constant 0 : i32
        %cond3A_181 = arith.cmpi ne, %convert_element_type3A_179, %cond3A_180 : i32
        scf.if %cond3A_181 {
          %sub3A = arith.constant 2 : i32
          %sub3A_190 = arith.subi %add3A_97, %sub3A : i32
          %dma_wait3A_191 = arith.constant 0 : i32
          %dma_wait3A_192 = arith.constant 0 : i32
          %dma_wait3A_193 = tpu.memref_slice %arg6[%add3A, %sub3A_190, %dma_wait3A_191, %dma_wait3A_192] : memref<32x200x128x64xf32, #tpu.memory_space<hbm>> -> memref<1x1x128x64xf32, #tpu.memory_space<hbm>>
          %dma_wait3A_194 = tpu.memref_squeeze %dma_wait3A_193 : memref<1x1x128x64xf32, #tpu.memory_space<hbm>> -> memref<128x64xf32, #tpu.memory_space<hbm>>
          %dma_wait3A_195 = arith.constant 0 : i32
          %dma_wait3A_196 = arith.constant 0 : i32
          %dma_wait3A_197 = tpu.memref_slice %arg6[%add3A, %sub3A_190, %dma_wait3A_195, %dma_wait3A_196] : memref<32x200x128x64xf32, #tpu.memory_space<hbm>> -> memref<1x1x128x64xf32, #tpu.memory_space<hbm>>
          %dma_wait3A_198 = tpu.memref_squeeze %dma_wait3A_197 : memref<1x1x128x64xf32, #tpu.memory_space<hbm>> -> memref<128x64xf32, #tpu.memory_space<hbm>>
          tpu.wait_dma2 semaphore(%arg21 : memref<!tpu.dma_semaphore, #tpu.memory_space<semaphore_mem>>) src(%arg11 : memref<128x64xf32, #tpu.memory_space<vmem>>) dst(%dma_wait3A_198 : memref<128x64xf32, #tpu.memory_space<hbm>>)
        } else {
        }
        %add3A_182 = arith.constant 2 : i32
        %add3A_183 = arith.addi %add3A_97, %add3A_182 : i32
        %dma_start3A_184 = arith.constant 0 : i32
        %dma_start3A_185 = tpu.memref_slice %arg7[%add3A_183, %dma_start3A_184] : memref<200x128xi32, #tpu.memory_space<vmem>> -> memref<1x128xi32, #tpu.memory_space<vmem>>
        %dma_start3A_186 = tpu.memref_squeeze %dma_start3A_185 : memref<1x128xi32, #tpu.memory_space<vmem>> -> memref<128xi32, #tpu.memory_space<vmem>>
        %dma_start3A_187 = arith.constant 0 : i32
        %dma_start3A_188 = arith.constant 0 : i32
        %dma_start3A_189 = tpu.memref_slice %arg3[%dma_start3A_187, %dma_start3A_188] : memref<1000000x64xf32, #tpu.memory_space<hbm>> -> memref<1000000x64xf32, #tpu.memory_space<hbm>>
        tpu.enqueue_indirect_dma source(%dma_start3A_189 : memref<1000000x64xf32, #tpu.memory_space<hbm>>) target(%arg11 : memref<128x64xf32, #tpu.memory_space<vmem>>) offsets(%dma_start3A_186 : memref<128xi32, #tpu.memory_space<vmem>>) semaphore(%arg17 : memref<!tpu.dma_semaphore, #tpu.memory_space<semaphore_mem>>)
      } else {
      }
      %dma_wait3A_105 = arith.constant 0 : i32
      %dma_wait3A_106 = tpu.memref_slice %arg7[%add3A_97, %dma_wait3A_105] : memref<200x128xi32, #tpu.memory_space<vmem>> -> memref<1x128xi32, #tpu.memory_space<vmem>>
      %dma_wait3A_107 = tpu.memref_squeeze %dma_wait3A_106 : memref<1x128xi32, #tpu.memory_space<vmem>> -> memref<128xi32, #tpu.memory_space<vmem>>
      %dma_wait3A_108 = arith.constant 0 : i32
      %dma_wait3A_109 = arith.constant 0 : i32
      %dma_wait3A_110 = tpu.memref_slice %arg3[%dma_wait3A_108, %dma_wait3A_109] : memref<1000000x64xf32, #tpu.memory_space<hbm>> -> memref<1000000x64xf32, #tpu.memory_space<hbm>>
      tpu.wait_indirect_dma semaphore(%arg15 : memref<!tpu.dma_semaphore, #tpu.memory_space<semaphore_mem>>) src(%dma_wait3A_110 : memref<1000000x64xf32, #tpu.memory_space<hbm>>) dst(%arg9 : memref<128x64xf32, #tpu.memory_space<vmem>>)
      %parallel_loop3A_111 = arith.constant 0 : i32
      %parallel_loop3A_112 = arith.constant 128 : i32
      %parallel_loop3A_113 = arith.constant 1 : i32
      scf.for %parallel_loop3A_178 = %parallel_loop3A_111 to %parallel_loop3A_112 step %parallel_loop3A_113  : i32 {
        %parallel_loop3A_179 = arith.index_cast %parallel_loop3A_178 : i32 to index
        %parallel_loop3A_180 = arith.constant 0 : index
        %parallel_loop3A_181 = tpu.vector_load %arg9[%parallel_loop3A_179, %parallel_loop3A_180] {strides = array<i32>} : memref<128x64xf32, #tpu.memory_space<vmem>>, vector<16xf32>,
        %parallel_loop3A_182 = arith.index_cast %parallel_loop3A_178 : i32 to index
        %parallel_loop3A_183 = arith.constant 16 : index
        %parallel_loop3A_184 = tpu.vector_load %arg9[%parallel_loop3A_182, %parallel_loop3A_183] {strides = array<i32>} : memref<128x64xf32, #tpu.memory_space<vmem>>, vector<16xf32>,
        %parallel_loop3A_185 = arith.index_cast %parallel_loop3A_178 : i32 to index
        %parallel_loop3A_186 = arith.constant 32 : index
        %parallel_loop3A_187 = tpu.vector_load %arg9[%parallel_loop3A_185, %parallel_loop3A_186] {strides = array<i32>} : memref<128x64xf32, #tpu.memory_space<vmem>>, vector<16xf32>,
        %parallel_loop3A_188 = arith.index_cast %parallel_loop3A_178 : i32 to index
        %parallel_loop3A_189 = arith.constant 48 : index
        %parallel_loop3A_190 = tpu.vector_load %arg9[%parallel_loop3A_188, %parallel_loop3A_189] {strides = array<i32>} : memref<128x64xf32, #tpu.memory_space<vmem>>, vector<16xf32>,
        %parallel_loop3A_191 = arith.addf %parallel_loop3A_181, %parallel_loop3A_184 : vector<16xf32>
        %parallel_loop3A_192 = arith.addf %parallel_loop3A_191, %parallel_loop3A_187 : vector<16xf32>
        %parallel_loop3A_193 = arith.addf %parallel_loop3A_192, %parallel_loop3A_190 : vector<16xf32>
        %parallel_loop3A_194 = arith.constant true
        %parallel_loop3A_195 = vector.broadcast %parallel_loop3A_194 : i1 to vector<16xi1>
        %parallel_loop3A_196 = tpu.scan <sum>, %parallel_loop3A_193 masked %parallel_loop3A_195 : vector<16xf32>, vector<16xi1> -> vector<16xf32>
        %parallel_loop3A_197 = vector.extract %parallel_loop3A_196[15] : f32 from vector<16xf32>
        %parallel_loop3A_198 = arith.mulf %parallel_loop3A_181, %parallel_loop3A_181 : vector<16xf32>
        %parallel_loop3A_199 = arith.mulf %parallel_loop3A_184, %parallel_loop3A_184 : vector<16xf32>
        %parallel_loop3A_200 = arith.addf %parallel_loop3A_198, %parallel_loop3A_199 : vector<16xf32>
        %parallel_loop3A_201 = arith.mulf %parallel_loop3A_187, %parallel_loop3A_187 : vector<16xf32>
        %parallel_loop3A_202 = arith.addf %parallel_loop3A_200, %parallel_loop3A_201 : vector<16xf32>
        %parallel_loop3A_203 = arith.mulf %parallel_loop3A_190, %parallel_loop3A_190 : vector<16xf32>
        %parallel_loop3A_204 = arith.addf %parallel_loop3A_202, %parallel_loop3A_203 : vector<16xf32>
        %parallel_loop3A_205 = arith.constant true
        %parallel_loop3A_206 = vector.broadcast %parallel_loop3A_205 : i1 to vector<16xi1>
        %parallel_loop3A_207 = tpu.scan <sum>, %parallel_loop3A_204 masked %parallel_loop3A_206 : vector<16xf32>, vector<16xi1> -> vector<16xf32>
        %parallel_loop3A_208 = vector.extract %parallel_loop3A_207[15] : f32 from vector<16xf32>
        %parallel_loop3A_209 = arith.constant 1.562500e-02 : f32
        %parallel_loop3A_210 = arith.mulf %parallel_loop3A_197, %parallel_loop3A_209 : f32
        %parallel_loop3A_211 = arith.constant 1.562500e-02 : f32
        %parallel_loop3A_212 = arith.mulf %parallel_loop3A_208, %parallel_loop3A_211 : f32
        %parallel_loop3A_213 = arith.mulf %parallel_loop3A_210, %parallel_loop3A_210 : f32
        %parallel_loop3A_214 = arith.subf %parallel_loop3A_212, %parallel_loop3A_213 : f32
        %parallel_loop3A_215 = vector.broadcast %parallel_loop3A_214 : f32 to vector<16xf32>
        %parallel_loop3A_216 = arith.constant 9.99999974E-6 : f32
        %parallel_loop3A_217 = vector.broadcast %parallel_loop3A_216 : f32 to vector<16xf32>
        %parallel_loop3A_218 = arith.addf %parallel_loop3A_215, %parallel_loop3A_217 : vector<16xf32>
        %parallel_loop3A_219 = vector.bitcast %parallel_loop3A_218 : vector<16xf32> to vector<16xi32>
        %parallel_loop3A_220 = arith.constant 1 : i32
        %parallel_loop3A_221 = vector.broadcast %parallel_loop3A_220 : i32 to vector<16xi32>
        %parallel_loop3A_222 = arith.shrsi %parallel_loop3A_219, %parallel_loop3A_221 : vector<16xi32>
        %parallel_loop3A_223 = arith.constant 1597463007 : i32
        %parallel_loop3A_224 = vector.broadcast %parallel_loop3A_223 : i32 to vector<16xi32>
        %parallel_loop3A_225 = arith.subi %parallel_loop3A_224, %parallel_loop3A_222 : vector<16xi32>
        %parallel_loop3A_226 = vector.bitcast %parallel_loop3A_225 : vector<16xi32> to vector<16xf32>
        %parallel_loop3A_227 = arith.constant 5.000000e-01 : f32
        %parallel_loop3A_228 = vector.broadcast %parallel_loop3A_227 : f32 to vector<16xf32>
        %parallel_loop3A_229 = arith.mulf %parallel_loop3A_218, %parallel_loop3A_228 : vector<16xf32>
        %parallel_loop3A_230 = arith.mulf %parallel_loop3A_229, %parallel_loop3A_226 : vector<16xf32>
        %parallel_loop3A_231 = arith.mulf %parallel_loop3A_230, %parallel_loop3A_226 : vector<16xf32>
        %parallel_loop3A_232 = arith.constant 1.500000e+00 : f32
        %parallel_loop3A_233 = vector.broadcast %parallel_loop3A_232 : f32 to vector<16xf32>
        %parallel_loop3A_234 = arith.subf %parallel_loop3A_233, %parallel_loop3A_231 : vector<16xf32>
        %parallel_loop3A_235 = arith.mulf %parallel_loop3A_226, %parallel_loop3A_234 : vector<16xf32>
        %parallel_loop3A_236 = arith.mulf %parallel_loop3A_229, %parallel_loop3A_235 : vector<16xf32>
        %parallel_loop3A_237 = arith.mulf %parallel_loop3A_236, %parallel_loop3A_235 : vector<16xf32>
        %parallel_loop3A_238 = arith.constant 1.500000e+00 : f32
        %parallel_loop3A_239 = vector.broadcast %parallel_loop3A_238 : f32 to vector<16xf32>
        %parallel_loop3A_240 = arith.subf %parallel_loop3A_239, %parallel_loop3A_237 : vector<16xf32>
        %parallel_loop3A_241 = arith.mulf %parallel_loop3A_235, %parallel_loop3A_240 : vector<16xf32>
        %parallel_loop3A_242 = arith.mulf %parallel_loop3A_229, %parallel_loop3A_241 : vector<16xf32>
        %parallel_loop3A_243 = arith.mulf %parallel_loop3A_242, %parallel_loop3A_241 : vector<16xf32>
        %parallel_loop3A_244 = arith.constant 1.500000e+00 : f32
        %parallel_loop3A_245 = vector.broadcast %parallel_loop3A_244 : f32 to vector<16xf32>
        %parallel_loop3A_246 = arith.subf %parallel_loop3A_245, %parallel_loop3A_243 : vector<16xf32>
        %parallel_loop3A_247 = arith.mulf %parallel_loop3A_241, %parallel_loop3A_246 : vector<16xf32>
        %parallel_loop3A_248 = vector.broadcast %parallel_loop3A_210 : f32 to vector<16xf32>
        %parallel_loop3A_249 = arith.mulf %parallel_loop3A_248, %parallel_loop3A_247 : vector<16xf32>
        %parallel_loop3A_250 = arith.mulf %parallel_loop3A_181, %parallel_loop3A_247 : vector<16xf32>
        %parallel_loop3A_251 = arith.subf %parallel_loop3A_250, %parallel_loop3A_249 : vector<16xf32>
        %parallel_loop3A_252 = arith.mulf %parallel_loop3A_251, %get3A_1 : vector<16xf32>
        %parallel_loop3A_253 = arith.addf %parallel_loop3A_252, %get3A_9 : vector<16xf32>
        %parallel_loop3A_254 = arith.index_cast %parallel_loop3A_178 : i32 to index
        %parallel_loop3A_255 = arith.constant 0 : index
        %parallel_loop3A_256 = tpu.vector_load %arg9[%parallel_loop3A_254, %parallel_loop3A_255] {strides = array<i32>} : memref<128x64xf32, #tpu.memory_space<vmem>>, vector<16xf32>,
        tpu.vector_store %arg9[%parallel_loop3A_254, %parallel_loop3A_255], %parallel_loop3A_253 {strides = array<i32>} : memref<128x64xf32, #tpu.memory_space<vmem>>, vector<16xf32>,
        %parallel_loop3A_257 = arith.mulf %parallel_loop3A_184, %parallel_loop3A_247 : vector<16xf32>
        %parallel_loop3A_258 = arith.subf %parallel_loop3A_257, %parallel_loop3A_249 : vector<16xf32>
        %parallel_loop3A_259 = arith.mulf %parallel_loop3A_258, %get3A_3 : vector<16xf32>
        %parallel_loop3A_260 = arith.addf %parallel_loop3A_259, %get3A_11 : vector<16xf32>
        %parallel_loop3A_261 = arith.index_cast %parallel_loop3A_178 : i32 to index
        %parallel_loop3A_262 = arith.constant 16 : index
        %parallel_loop3A_263 = tpu.vector_load %arg9[%parallel_loop3A_261, %parallel_loop3A_262] {strides = array<i32>} : memref<128x64xf32, #tpu.memory_space<vmem>>, vector<16xf32>,
        tpu.vector_store %arg9[%parallel_loop3A_261, %parallel_loop3A_262], %parallel_loop3A_260 {strides = array<i32>} : memref<128x64xf32, #tpu.memory_space<vmem>>, vector<16xf32>,
        %parallel_loop3A_264 = arith.mulf %parallel_loop3A_187, %parallel_loop3A_247 : vector<16xf32>
        %parallel_loop3A_265 = arith.subf %parallel_loop3A_264, %parallel_loop3A_249 : vector<16xf32>
        %parallel_loop3A_266 = arith.mulf %parallel_loop3A_265, %get3A_5 : vector<16xf32>
        %parallel_loop3A_267 = arith.addf %parallel_loop3A_266, %get3A_13 : vector<16xf32>
        %parallel_loop3A_268 = arith.index_cast %parallel_loop3A_178 : i32 to index
        %parallel_loop3A_269 = arith.constant 32 : index
        %parallel_loop3A_270 = tpu.vector_load %arg9[%parallel_loop3A_268, %parallel_loop3A_269] {strides = array<i32>} : memref<128x64xf32, #tpu.memory_space<vmem>>, vector<16xf32>,
        tpu.vector_store %arg9[%parallel_loop3A_268, %parallel_loop3A_269], %parallel_loop3A_267 {strides = array<i32>} : memref<128x64xf32, #tpu.memory_space<vmem>>, vector<16xf32>,
        %parallel_loop3A_271 = arith.mulf %parallel_loop3A_190, %parallel_loop3A_247 : vector<16xf32>
        %parallel_loop3A_272 = arith.subf %parallel_loop3A_271, %parallel_loop3A_249 : vector<16xf32>
        %parallel_loop3A_273 = arith.mulf %parallel_loop3A_272, %get3A_7 : vector<16xf32>
        %parallel_loop3A_274 = arith.addf %parallel_loop3A_273, %get3A_15 : vector<16xf32>
        %parallel_loop3A_275 = arith.index_cast %parallel_loop3A_178 : i32 to index
        %parallel_loop3A_276 = arith.constant 48 : index
        %parallel_loop3A_277 = tpu.vector_load %arg9[%parallel_loop3A_275, %parallel_loop3A_276] {strides = array<i32>} : memref<128x64xf32, #tpu.memory_space<vmem>>, vector<16xf32>,
        tpu.vector_store %arg9[%parallel_loop3A_275, %parallel_loop3A_276], %parallel_loop3A_274 {strides = array<i32>} : memref<128x64xf32, #tpu.memory_space<vmem>>, vector<16xf32>,
      } {sc.loop_unroll_factor = 4 : i64, sc.parallel_access}
      %dma_start3A_114 = arith.constant 0 : i32
      %dma_start3A_115 = arith.constant 0 : i32
      %dma_start3A_116 = tpu.memref_slice %arg6[%add3A, %add3A_97, %dma_start3A_114, %dma_start3A_115] : memref<32x200x128x64xf32, #tpu.memory_space<hbm>> -> memref<1x1x128x64xf32, #tpu.memory_space<hbm>>
      %dma_start3A_117 = tpu.memref_squeeze %dma_start3A_116 : memref<1x1x128x64xf32, #tpu.memory_space<hbm>> -> memref<128x64xf32, #tpu.memory_space<hbm>>
      %dma_start3A_118 = arith.constant 0 : i32
      %dma_start3A_119 = arith.constant 0 : i32
      %dma_start3A_120 = tpu.memref_slice %arg6[%add3A, %add3A_97, %dma_start3A_118, %dma_start3A_119] : memref<32x200x128x64xf32, #tpu.memory_space<hbm>> -> memref<1x1x128x64xf32, #tpu.memory_space<hbm>>
      %dma_start3A_121 = tpu.memref_squeeze %dma_start3A_120 : memref<1x1x128x64xf32, #tpu.memory_space<hbm>> -> memref<128x64xf32, #tpu.memory_space<hbm>>
      tpu.enqueue_dma source(%arg9 : memref<128x64xf32, #tpu.memory_space<vmem>>) target(%dma_start3A_121 : memref<128x64xf32, #tpu.memory_space<hbm>>) target_semaphore(%arg19 : memref<!tpu.dma_semaphore, #tpu.memory_space<semaphore_mem>>)
      %mul3A_122 = arith.constant 4 : i32
      %mul3A_123 = arith.muli %scan3A_69, %mul3A_122 : i32
      %add3A_124 = arith.constant 2 : i32
      %add3A_125 = arith.addi %mul3A_123, %add3A_124 : i32
      %add3A_126 = arith.constant 2 : i32
      %add3A_127 = arith.addi %add3A_125, %add3A_126 : i32
      %lt3A_128 = arith.constant 200 : i32
      %lt3A_129 = arith.cmpi slt, %add3A_127, %lt3A_128 : i32
      %convert_element_type3A_130 = arith.extui %lt3A_129 : i1 to i32
      %cond3A_131 = arith.constant 0 : i32
      %cond3A_132 = arith.cmpi ne, %convert_element_type3A_130, %cond3A_131 : i32
      scf.if %cond3A_132 {
        %ge3A = arith.constant 2 : i32
        %ge3A_178 = arith.cmpi sge, %add3A_125, %ge3A : i32
        %convert_element_type3A_179 = arith.extui %ge3A_178 : i1 to i32
        %cond3A_180 = arith.constant 0 : i32
        %cond3A_181 = arith.cmpi ne, %convert_element_type3A_179, %cond3A_180 : i32
        scf.if %cond3A_181 {
          %sub3A = arith.constant 2 : i32
          %sub3A_190 = arith.subi %add3A_125, %sub3A : i32
          %dma_wait3A_191 = arith.constant 0 : i32
          %dma_wait3A_192 = arith.constant 0 : i32
          %dma_wait3A_193 = tpu.memref_slice %arg6[%add3A, %sub3A_190, %dma_wait3A_191, %dma_wait3A_192] : memref<32x200x128x64xf32, #tpu.memory_space<hbm>> -> memref<1x1x128x64xf32, #tpu.memory_space<hbm>>
          %dma_wait3A_194 = tpu.memref_squeeze %dma_wait3A_193 : memref<1x1x128x64xf32, #tpu.memory_space<hbm>> -> memref<128x64xf32, #tpu.memory_space<hbm>>
          %dma_wait3A_195 = arith.constant 0 : i32
          %dma_wait3A_196 = arith.constant 0 : i32
          %dma_wait3A_197 = tpu.memref_slice %arg6[%add3A, %sub3A_190, %dma_wait3A_195, %dma_wait3A_196] : memref<32x200x128x64xf32, #tpu.memory_space<hbm>> -> memref<1x1x128x64xf32, #tpu.memory_space<hbm>>
          %dma_wait3A_198 = tpu.memref_squeeze %dma_wait3A_197 : memref<1x1x128x64xf32, #tpu.memory_space<hbm>> -> memref<128x64xf32, #tpu.memory_space<hbm>>
          tpu.wait_dma2 semaphore(%arg18 : memref<!tpu.dma_semaphore, #tpu.memory_space<semaphore_mem>>) src(%arg8 : memref<128x64xf32, #tpu.memory_space<vmem>>) dst(%dma_wait3A_198 : memref<128x64xf32, #tpu.memory_space<hbm>>)
        } else {
        }
        %add3A_182 = arith.constant 2 : i32
        %add3A_183 = arith.addi %add3A_125, %add3A_182 : i32
        %dma_start3A_184 = arith.constant 0 : i32
        %dma_start3A_185 = tpu.memref_slice %arg7[%add3A_183, %dma_start3A_184] : memref<200x128xi32, #tpu.memory_space<vmem>> -> memref<1x128xi32, #tpu.memory_space<vmem>>
        %dma_start3A_186 = tpu.memref_squeeze %dma_start3A_185 : memref<1x128xi32, #tpu.memory_space<vmem>> -> memref<128xi32, #tpu.memory_space<vmem>>
        %dma_start3A_187 = arith.constant 0 : i32
        %dma_start3A_188 = arith.constant 0 : i32
        %dma_start3A_189 = tpu.memref_slice %arg3[%dma_start3A_187, %dma_start3A_188] : memref<1000000x64xf32, #tpu.memory_space<hbm>> -> memref<1000000x64xf32, #tpu.memory_space<hbm>>
        tpu.enqueue_indirect_dma source(%dma_start3A_189 : memref<1000000x64xf32, #tpu.memory_space<hbm>>) target(%arg8 : memref<128x64xf32, #tpu.memory_space<vmem>>) offsets(%dma_start3A_186 : memref<128xi32, #tpu.memory_space<vmem>>) semaphore(%arg14 : memref<!tpu.dma_semaphore, #tpu.memory_space<semaphore_mem>>)
      } else {
      }
      %dma_wait3A_133 = arith.constant 0 : i32
      %dma_wait3A_134 = tpu.memref_slice %arg7[%add3A_125, %dma_wait3A_133] : memref<200x128xi32, #tpu.memory_space<vmem>> -> memref<1x128xi32, #tpu.memory_space<vmem>>
      %dma_wait3A_135 = tpu.memref_squeeze %dma_wait3A_134 : memref<1x128xi32, #tpu.memory_space<vmem>> -> memref<128xi32, #tpu.memory_space<vmem>>
      %dma_wait3A_136 = arith.constant 0 : i32
      %dma_wait3A_137 = arith.constant 0 : i32
      %dma_wait3A_138 = tpu.memref_slice %arg3[%dma_wait3A_136, %dma_wait3A_137] : memref<1000000x64xf32, #tpu.memory_space<hbm>> -> memref<1000000x64xf32, #tpu.memory_space<hbm>>
      tpu.wait_indirect_dma semaphore(%arg16 : memref<!tpu.dma_semaphore, #tpu.memory_space<semaphore_mem>>) src(%dma_wait3A_138 : memref<1000000x64xf32, #tpu.memory_space<hbm>>) dst(%arg10 : memref<128x64xf32, #tpu.memory_space<vmem>>)
      %parallel_loop3A_139 = arith.constant 0 : i32
      %parallel_loop3A_140 = arith.constant 128 : i32
      %parallel_loop3A_141 = arith.constant 1 : i32
      scf.for %parallel_loop3A_178 = %parallel_loop3A_139 to %parallel_loop3A_140 step %parallel_loop3A_141  : i32 {
        %parallel_loop3A_179 = arith.index_cast %parallel_loop3A_178 : i32 to index
        %parallel_loop3A_180 = arith.constant 0 : index
        %parallel_loop3A_181 = tpu.vector_load %arg10[%parallel_loop3A_179, %parallel_loop3A_180] {strides = array<i32>} : memref<128x64xf32, #tpu.memory_space<vmem>>, vector<16xf32>,
        %parallel_loop3A_182 = arith.index_cast %parallel_loop3A_178 : i32 to index
        %parallel_loop3A_183 = arith.constant 16 : index
        %parallel_loop3A_184 = tpu.vector_load %arg10[%parallel_loop3A_182, %parallel_loop3A_183] {strides = array<i32>} : memref<128x64xf32, #tpu.memory_space<vmem>>, vector<16xf32>,
        %parallel_loop3A_185 = arith.index_cast %parallel_loop3A_178 : i32 to index
        %parallel_loop3A_186 = arith.constant 32 : index
        %parallel_loop3A_187 = tpu.vector_load %arg10[%parallel_loop3A_185, %parallel_loop3A_186] {strides = array<i32>} : memref<128x64xf32, #tpu.memory_space<vmem>>, vector<16xf32>,
        %parallel_loop3A_188 = arith.index_cast %parallel_loop3A_178 : i32 to index
        %parallel_loop3A_189 = arith.constant 48 : index
        %parallel_loop3A_190 = tpu.vector_load %arg10[%parallel_loop3A_188, %parallel_loop3A_189] {strides = array<i32>} : memref<128x64xf32, #tpu.memory_space<vmem>>, vector<16xf32>,
        %parallel_loop3A_191 = arith.addf %parallel_loop3A_181, %parallel_loop3A_184 : vector<16xf32>
        %parallel_loop3A_192 = arith.addf %parallel_loop3A_191, %parallel_loop3A_187 : vector<16xf32>
        %parallel_loop3A_193 = arith.addf %parallel_loop3A_192, %parallel_loop3A_190 : vector<16xf32>
        %parallel_loop3A_194 = arith.constant true
        %parallel_loop3A_195 = vector.broadcast %parallel_loop3A_194 : i1 to vector<16xi1>
        %parallel_loop3A_196 = tpu.scan <sum>, %parallel_loop3A_193 masked %parallel_loop3A_195 : vector<16xf32>, vector<16xi1> -> vector<16xf32>
        %parallel_loop3A_197 = vector.extract %parallel_loop3A_196[15] : f32 from vector<16xf32>
        %parallel_loop3A_198 = arith.mulf %parallel_loop3A_181, %parallel_loop3A_181 : vector<16xf32>
        %parallel_loop3A_199 = arith.mulf %parallel_loop3A_184, %parallel_loop3A_184 : vector<16xf32>
        %parallel_loop3A_200 = arith.addf %parallel_loop3A_198, %parallel_loop3A_199 : vector<16xf32>
        %parallel_loop3A_201 = arith.mulf %parallel_loop3A_187, %parallel_loop3A_187 : vector<16xf32>
        %parallel_loop3A_202 = arith.addf %parallel_loop3A_200, %parallel_loop3A_201 : vector<16xf32>
        %parallel_loop3A_203 = arith.mulf %parallel_loop3A_190, %parallel_loop3A_190 : vector<16xf32>
        %parallel_loop3A_204 = arith.addf %parallel_loop3A_202, %parallel_loop3A_203 : vector<16xf32>
        %parallel_loop3A_205 = arith.constant true
        %parallel_loop3A_206 = vector.broadcast %parallel_loop3A_205 : i1 to vector<16xi1>
        %parallel_loop3A_207 = tpu.scan <sum>, %parallel_loop3A_204 masked %parallel_loop3A_206 : vector<16xf32>, vector<16xi1> -> vector<16xf32>
        %parallel_loop3A_208 = vector.extract %parallel_loop3A_207[15] : f32 from vector<16xf32>
        %parallel_loop3A_209 = arith.constant 1.562500e-02 : f32
        %parallel_loop3A_210 = arith.mulf %parallel_loop3A_197, %parallel_loop3A_209 : f32
        %parallel_loop3A_211 = arith.constant 1.562500e-02 : f32
        %parallel_loop3A_212 = arith.mulf %parallel_loop3A_208, %parallel_loop3A_211 : f32
        %parallel_loop3A_213 = arith.mulf %parallel_loop3A_210, %parallel_loop3A_210 : f32
        %parallel_loop3A_214 = arith.subf %parallel_loop3A_212, %parallel_loop3A_213 : f32
        %parallel_loop3A_215 = vector.broadcast %parallel_loop3A_214 : f32 to vector<16xf32>
        %parallel_loop3A_216 = arith.constant 9.99999974E-6 : f32
        %parallel_loop3A_217 = vector.broadcast %parallel_loop3A_216 : f32 to vector<16xf32>
        %parallel_loop3A_218 = arith.addf %parallel_loop3A_215, %parallel_loop3A_217 : vector<16xf32>
        %parallel_loop3A_219 = vector.bitcast %parallel_loop3A_218 : vector<16xf32> to vector<16xi32>
        %parallel_loop3A_220 = arith.constant 1 : i32
        %parallel_loop3A_221 = vector.broadcast %parallel_loop3A_220 : i32 to vector<16xi32>
        %parallel_loop3A_222 = arith.shrsi %parallel_loop3A_219, %parallel_loop3A_221 : vector<16xi32>
        %parallel_loop3A_223 = arith.constant 1597463007 : i32
        %parallel_loop3A_224 = vector.broadcast %parallel_loop3A_223 : i32 to vector<16xi32>
        %parallel_loop3A_225 = arith.subi %parallel_loop3A_224, %parallel_loop3A_222 : vector<16xi32>
        %parallel_loop3A_226 = vector.bitcast %parallel_loop3A_225 : vector<16xi32> to vector<16xf32>
        %parallel_loop3A_227 = arith.constant 5.000000e-01 : f32
        %parallel_loop3A_228 = vector.broadcast %parallel_loop3A_227 : f32 to vector<16xf32>
        %parallel_loop3A_229 = arith.mulf %parallel_loop3A_218, %parallel_loop3A_228 : vector<16xf32>
        %parallel_loop3A_230 = arith.mulf %parallel_loop3A_229, %parallel_loop3A_226 : vector<16xf32>
        %parallel_loop3A_231 = arith.mulf %parallel_loop3A_230, %parallel_loop3A_226 : vector<16xf32>
        %parallel_loop3A_232 = arith.constant 1.500000e+00 : f32
        %parallel_loop3A_233 = vector.broadcast %parallel_loop3A_232 : f32 to vector<16xf32>
        %parallel_loop3A_234 = arith.subf %parallel_loop3A_233, %parallel_loop3A_231 : vector<16xf32>
        %parallel_loop3A_235 = arith.mulf %parallel_loop3A_226, %parallel_loop3A_234 : vector<16xf32>
        %parallel_loop3A_236 = arith.mulf %parallel_loop3A_229, %parallel_loop3A_235 : vector<16xf32>
        %parallel_loop3A_237 = arith.mulf %parallel_loop3A_236, %parallel_loop3A_235 : vector<16xf32>
        %parallel_loop3A_238 = arith.constant 1.500000e+00 : f32
        %parallel_loop3A_239 = vector.broadcast %parallel_loop3A_238 : f32 to vector<16xf32>
        %parallel_loop3A_240 = arith.subf %parallel_loop3A_239, %parallel_loop3A_237 : vector<16xf32>
        %parallel_loop3A_241 = arith.mulf %parallel_loop3A_235, %parallel_loop3A_240 : vector<16xf32>
        %parallel_loop3A_242 = arith.mulf %parallel_loop3A_229, %parallel_loop3A_241 : vector<16xf32>
        %parallel_loop3A_243 = arith.mulf %parallel_loop3A_242, %parallel_loop3A_241 : vector<16xf32>
        %parallel_loop3A_244 = arith.constant 1.500000e+00 : f32
        %parallel_loop3A_245 = vector.broadcast %parallel_loop3A_244 : f32 to vector<16xf32>
        %parallel_loop3A_246 = arith.subf %parallel_loop3A_245, %parallel_loop3A_243 : vector<16xf32>
        %parallel_loop3A_247 = arith.mulf %parallel_loop3A_241, %parallel_loop3A_246 : vector<16xf32>
        %parallel_loop3A_248 = vector.broadcast %parallel_loop3A_210 : f32 to vector<16xf32>
        %parallel_loop3A_249 = arith.mulf %parallel_loop3A_248, %parallel_loop3A_247 : vector<16xf32>
        %parallel_loop3A_250 = arith.mulf %parallel_loop3A_181, %parallel_loop3A_247 : vector<16xf32>
        %parallel_loop3A_251 = arith.subf %parallel_loop3A_250, %parallel_loop3A_249 : vector<16xf32>
        %parallel_loop3A_252 = arith.mulf %parallel_loop3A_251, %get3A_1 : vector<16xf32>
        %parallel_loop3A_253 = arith.addf %parallel_loop3A_252, %get3A_9 : vector<16xf32>
        %parallel_loop3A_254 = arith.index_cast %parallel_loop3A_178 : i32 to index
        %parallel_loop3A_255 = arith.constant 0 : index
        %parallel_loop3A_256 = tpu.vector_load %arg10[%parallel_loop3A_254, %parallel_loop3A_255] {strides = array<i32>} : memref<128x64xf32, #tpu.memory_space<vmem>>, vector<16xf32>,
        tpu.vector_store %arg10[%parallel_loop3A_254, %parallel_loop3A_255], %parallel_loop3A_253 {strides = array<i32>} : memref<128x64xf32, #tpu.memory_space<vmem>>, vector<16xf32>,
        %parallel_loop3A_257 = arith.mulf %parallel_loop3A_184, %parallel_loop3A_247 : vector<16xf32>
        %parallel_loop3A_258 = arith.subf %parallel_loop3A_257, %parallel_loop3A_249 : vector<16xf32>
        %parallel_loop3A_259 = arith.mulf %parallel_loop3A_258, %get3A_3 : vector<16xf32>
        %parallel_loop3A_260 = arith.addf %parallel_loop3A_259, %get3A_11 : vector<16xf32>
        %parallel_loop3A_261 = arith.index_cast %parallel_loop3A_178 : i32 to index
        %parallel_loop3A_262 = arith.constant 16 : index
        %parallel_loop3A_263 = tpu.vector_load %arg10[%parallel_loop3A_261, %parallel_loop3A_262] {strides = array<i32>} : memref<128x64xf32, #tpu.memory_space<vmem>>, vector<16xf32>,
        tpu.vector_store %arg10[%parallel_loop3A_261, %parallel_loop3A_262], %parallel_loop3A_260 {strides = array<i32>} : memref<128x64xf32, #tpu.memory_space<vmem>>, vector<16xf32>,
        %parallel_loop3A_264 = arith.mulf %parallel_loop3A_187, %parallel_loop3A_247 : vector<16xf32>
        %parallel_loop3A_265 = arith.subf %parallel_loop3A_264, %parallel_loop3A_249 : vector<16xf32>
        %parallel_loop3A_266 = arith.mulf %parallel_loop3A_265, %get3A_5 : vector<16xf32>
        %parallel_loop3A_267 = arith.addf %parallel_loop3A_266, %get3A_13 : vector<16xf32>
        %parallel_loop3A_268 = arith.index_cast %parallel_loop3A_178 : i32 to index
        %parallel_loop3A_269 = arith.constant 32 : index
        %parallel_loop3A_270 = tpu.vector_load %arg10[%parallel_loop3A_268, %parallel_loop3A_269] {strides = array<i32>} : memref<128x64xf32, #tpu.memory_space<vmem>>, vector<16xf32>,
        tpu.vector_store %arg10[%parallel_loop3A_268, %parallel_loop3A_269], %parallel_loop3A_267 {strides = array<i32>} : memref<128x64xf32, #tpu.memory_space<vmem>>, vector<16xf32>,
        %parallel_loop3A_271 = arith.mulf %parallel_loop3A_190, %parallel_loop3A_247 : vector<16xf32>
        %parallel_loop3A_272 = arith.subf %parallel_loop3A_271, %parallel_loop3A_249 : vector<16xf32>
        %parallel_loop3A_273 = arith.mulf %parallel_loop3A_272, %get3A_7 : vector<16xf32>
        %parallel_loop3A_274 = arith.addf %parallel_loop3A_273, %get3A_15 : vector<16xf32>
        %parallel_loop3A_275 = arith.index_cast %parallel_loop3A_178 : i32 to index
        %parallel_loop3A_276 = arith.constant 48 : index
        %parallel_loop3A_277 = tpu.vector_load %arg10[%parallel_loop3A_275, %parallel_loop3A_276] {strides = array<i32>} : memref<128x64xf32, #tpu.memory_space<vmem>>, vector<16xf32>,
        tpu.vector_store %arg10[%parallel_loop3A_275, %parallel_loop3A_276], %parallel_loop3A_274 {strides = array<i32>} : memref<128x64xf32, #tpu.memory_space<vmem>>, vector<16xf32>,
      } {sc.loop_unroll_factor = 4 : i64, sc.parallel_access}
      %dma_start3A_142 = arith.constant 0 : i32
      %dma_start3A_143 = arith.constant 0 : i32
      %dma_start3A_144 = tpu.memref_slice %arg6[%add3A, %add3A_125, %dma_start3A_142, %dma_start3A_143] : memref<32x200x128x64xf32, #tpu.memory_space<hbm>> -> memref<1x1x128x64xf32, #tpu.memory_space<hbm>>
      %dma_start3A_145 = tpu.memref_squeeze %dma_start3A_144 : memref<1x1x128x64xf32, #tpu.memory_space<hbm>> -> memref<128x64xf32, #tpu.memory_space<hbm>>
      %dma_start3A_146 = arith.constant 0 : i32
      %dma_start3A_147 = arith.constant 0 : i32
      %dma_start3A_148 = tpu.memref_slice %arg6[%add3A, %add3A_125, %dma_start3A_146, %dma_start3A_147] : memref<32x200x128x64xf32, #tpu.memory_space<hbm>> -> memref<1x1x128x64xf32, #tpu.memory_space<hbm>>
      %dma_start3A_149 = tpu.memref_squeeze %dma_start3A_148 : memref<1x1x128x64xf32, #tpu.memory_space<hbm>> -> memref<128x64xf32, #tpu.memory_space<hbm>>
      tpu.enqueue_dma source(%arg10 : memref<128x64xf32, #tpu.memory_space<vmem>>) target(%dma_start3A_149 : memref<128x64xf32, #tpu.memory_space<hbm>>) target_semaphore(%arg20 : memref<!tpu.dma_semaphore, #tpu.memory_space<semaphore_mem>>)
      %mul3A_150 = arith.constant 4 : i32
      %mul3A_151 = arith.muli %scan3A_69, %mul3A_150 : i32
      %add3A_152 = arith.constant 3 : i32
      %add3A_153 = arith.addi %mul3A_151, %add3A_152 : i32
      %add3A_154 = arith.constant 2 : i32
      %add3A_155 = arith.addi %add3A_153, %add3A_154 : i32
      %lt3A_156 = arith.constant 200 : i32
      %lt3A_157 = arith.cmpi slt, %add3A_155, %lt3A_156 : i32
      %convert_element_type3A_158 = arith.extui %lt3A_157 : i1 to i32
      %cond3A_159 = arith.constant 0 : i32
      %cond3A_160 = arith.cmpi ne, %convert_element_type3A_158, %cond3A_159 : i32
      scf.if %cond3A_160 {
        %ge3A = arith.constant 2 : i32
        %ge3A_178 = arith.cmpi sge, %add3A_153, %ge3A : i32
        %convert_element_type3A_179 = arith.extui %ge3A_178 : i1 to i32
        %cond3A_180 = arith.constant 0 : i32
        %cond3A_181 = arith.cmpi ne, %convert_element_type3A_179, %cond3A_180 : i32
        scf.if %cond3A_181 {
          %sub3A = arith.constant 2 : i32
          %sub3A_190 = arith.subi %add3A_153, %sub3A : i32
          %dma_wait3A_191 = arith.constant 0 : i32
          %dma_wait3A_192 = arith.constant 0 : i32
          %dma_wait3A_193 = tpu.memref_slice %arg6[%add3A, %sub3A_190, %dma_wait3A_191, %dma_wait3A_192] : memref<32x200x128x64xf32, #tpu.memory_space<hbm>> -> memref<1x1x128x64xf32, #tpu.memory_space<hbm>>
          %dma_wait3A_194 = tpu.memref_squeeze %dma_wait3A_193 : memref<1x1x128x64xf32, #tpu.memory_space<hbm>> -> memref<128x64xf32, #tpu.memory_space<hbm>>
          %dma_wait3A_195 = arith.constant 0 : i32
          %dma_wait3A_196 = arith.constant 0 : i32
          %dma_wait3A_197 = tpu.memref_slice %arg6[%add3A, %sub3A_190, %dma_wait3A_195, %dma_wait3A_196] : memref<32x200x128x64xf32, #tpu.memory_space<hbm>> -> memref<1x1x128x64xf32, #tpu.memory_space<hbm>>
          %dma_wait3A_198 = tpu.memref_squeeze %dma_wait3A_197 : memref<1x1x128x64xf32, #tpu.memory_space<hbm>> -> memref<128x64xf32, #tpu.memory_space<hbm>>
          tpu.wait_dma2 semaphore(%arg19 : memref<!tpu.dma_semaphore, #tpu.memory_space<semaphore_mem>>) src(%arg9 : memref<128x64xf32, #tpu.memory_space<vmem>>) dst(%dma_wait3A_198 : memref<128x64xf32, #tpu.memory_space<hbm>>)
        } else {
        }
        %add3A_182 = arith.constant 2 : i32
        %add3A_183 = arith.addi %add3A_153, %add3A_182 : i32
        %dma_start3A_184 = arith.constant 0 : i32
        %dma_start3A_185 = tpu.memref_slice %arg7[%add3A_183, %dma_start3A_184] : memref<200x128xi32, #tpu.memory_space<vmem>> -> memref<1x128xi32, #tpu.memory_space<vmem>>
        %dma_start3A_186 = tpu.memref_squeeze %dma_start3A_185 : memref<1x128xi32, #tpu.memory_space<vmem>> -> memref<128xi32, #tpu.memory_space<vmem>>
        %dma_start3A_187 = arith.constant 0 : i32
        %dma_start3A_188 = arith.constant 0 : i32
        %dma_start3A_189 = tpu.memref_slice %arg3[%dma_start3A_187, %dma_start3A_188] : memref<1000000x64xf32, #tpu.memory_space<hbm>> -> memref<1000000x64xf32, #tpu.memory_space<hbm>>
        tpu.enqueue_indirect_dma source(%dma_start3A_189 : memref<1000000x64xf32, #tpu.memory_space<hbm>>) target(%arg9 : memref<128x64xf32, #tpu.memory_space<vmem>>) offsets(%dma_start3A_186 : memref<128xi32, #tpu.memory_space<vmem>>) semaphore(%arg15 : memref<!tpu.dma_semaphore, #tpu.memory_space<semaphore_mem>>)
      } else {
      }
      %dma_wait3A_161 = arith.constant 0 : i32
      %dma_wait3A_162 = tpu.memref_slice %arg7[%add3A_153, %dma_wait3A_161] : memref<200x128xi32, #tpu.memory_space<vmem>> -> memref<1x128xi32, #tpu.memory_space<vmem>>
      %dma_wait3A_163 = tpu.memref_squeeze %dma_wait3A_162 : memref<1x128xi32, #tpu.memory_space<vmem>> -> memref<128xi32, #tpu.memory_space<vmem>>
      %dma_wait3A_164 = arith.constant 0 : i32
      %dma_wait3A_165 = arith.constant 0 : i32
      %dma_wait3A_166 = tpu.memref_slice %arg3[%dma_wait3A_164, %dma_wait3A_165] : memref<1000000x64xf32, #tpu.memory_space<hbm>> -> memref<1000000x64xf32, #tpu.memory_space<hbm>>
      tpu.wait_indirect_dma semaphore(%arg17 : memref<!tpu.dma_semaphore, #tpu.memory_space<semaphore_mem>>) src(%dma_wait3A_166 : memref<1000000x64xf32, #tpu.memory_space<hbm>>) dst(%arg11 : memref<128x64xf32, #tpu.memory_space<vmem>>)
      %parallel_loop3A_167 = arith.constant 0 : i32
      %parallel_loop3A_168 = arith.constant 128 : i32
      %parallel_loop3A_169 = arith.constant 1 : i32
      scf.for %parallel_loop3A_178 = %parallel_loop3A_167 to %parallel_loop3A_168 step %parallel_loop3A_169  : i32 {
        %parallel_loop3A_179 = arith.index_cast %parallel_loop3A_178 : i32 to index
        %parallel_loop3A_180 = arith.constant 0 : index
        %parallel_loop3A_181 = tpu.vector_load %arg11[%parallel_loop3A_179, %parallel_loop3A_180] {strides = array<i32>} : memref<128x64xf32, #tpu.memory_space<vmem>>, vector<16xf32>,
        %parallel_loop3A_182 = arith.index_cast %parallel_loop3A_178 : i32 to index
        %parallel_loop3A_183 = arith.constant 16 : index
        %parallel_loop3A_184 = tpu.vector_load %arg11[%parallel_loop3A_182, %parallel_loop3A_183] {strides = array<i32>} : memref<128x64xf32, #tpu.memory_space<vmem>>, vector<16xf32>,
        %parallel_loop3A_185 = arith.index_cast %parallel_loop3A_178 : i32 to index
        %parallel_loop3A_186 = arith.constant 32 : index
        %parallel_loop3A_187 = tpu.vector_load %arg11[%parallel_loop3A_185, %parallel_loop3A_186] {strides = array<i32>} : memref<128x64xf32, #tpu.memory_space<vmem>>, vector<16xf32>,
        %parallel_loop3A_188 = arith.index_cast %parallel_loop3A_178 : i32 to index
        %parallel_loop3A_189 = arith.constant 48 : index
        %parallel_loop3A_190 = tpu.vector_load %arg11[%parallel_loop3A_188, %parallel_loop3A_189] {strides = array<i32>} : memref<128x64xf32, #tpu.memory_space<vmem>>, vector<16xf32>,
        %parallel_loop3A_191 = arith.addf %parallel_loop3A_181, %parallel_loop3A_184 : vector<16xf32>
        %parallel_loop3A_192 = arith.addf %parallel_loop3A_191, %parallel_loop3A_187 : vector<16xf32>
        %parallel_loop3A_193 = arith.addf %parallel_loop3A_192, %parallel_loop3A_190 : vector<16xf32>
        %parallel_loop3A_194 = arith.constant true
        %parallel_loop3A_195 = vector.broadcast %parallel_loop3A_194 : i1 to vector<16xi1>
        %parallel_loop3A_196 = tpu.scan <sum>, %parallel_loop3A_193 masked %parallel_loop3A_195 : vector<16xf32>, vector<16xi1> -> vector<16xf32>
        %parallel_loop3A_197 = vector.extract %parallel_loop3A_196[15] : f32 from vector<16xf32>
        %parallel_loop3A_198 = arith.mulf %parallel_loop3A_181, %parallel_loop3A_181 : vector<16xf32>
        %parallel_loop3A_199 = arith.mulf %parallel_loop3A_184, %parallel_loop3A_184 : vector<16xf32>
        %parallel_loop3A_200 = arith.addf %parallel_loop3A_198, %parallel_loop3A_199 : vector<16xf32>
        %parallel_loop3A_201 = arith.mulf %parallel_loop3A_187, %parallel_loop3A_187 : vector<16xf32>
        %parallel_loop3A_202 = arith.addf %parallel_loop3A_200, %parallel_loop3A_201 : vector<16xf32>
        %parallel_loop3A_203 = arith.mulf %parallel_loop3A_190, %parallel_loop3A_190 : vector<16xf32>
        %parallel_loop3A_204 = arith.addf %parallel_loop3A_202, %parallel_loop3A_203 : vector<16xf32>
        %parallel_loop3A_205 = arith.constant true
        %parallel_loop3A_206 = vector.broadcast %parallel_loop3A_205 : i1 to vector<16xi1>
        %parallel_loop3A_207 = tpu.scan <sum>, %parallel_loop3A_204 masked %parallel_loop3A_206 : vector<16xf32>, vector<16xi1> -> vector<16xf32>
        %parallel_loop3A_208 = vector.extract %parallel_loop3A_207[15] : f32 from vector<16xf32>
        %parallel_loop3A_209 = arith.constant 1.562500e-02 : f32
        %parallel_loop3A_210 = arith.mulf %parallel_loop3A_197, %parallel_loop3A_209 : f32
        %parallel_loop3A_211 = arith.constant 1.562500e-02 : f32
        %parallel_loop3A_212 = arith.mulf %parallel_loop3A_208, %parallel_loop3A_211 : f32
        %parallel_loop3A_213 = arith.mulf %parallel_loop3A_210, %parallel_loop3A_210 : f32
        %parallel_loop3A_214 = arith.subf %parallel_loop3A_212, %parallel_loop3A_213 : f32
        %parallel_loop3A_215 = vector.broadcast %parallel_loop3A_214 : f32 to vector<16xf32>
        %parallel_loop3A_216 = arith.constant 9.99999974E-6 : f32
        %parallel_loop3A_217 = vector.broadcast %parallel_loop3A_216 : f32 to vector<16xf32>
        %parallel_loop3A_218 = arith.addf %parallel_loop3A_215, %parallel_loop3A_217 : vector<16xf32>
        %parallel_loop3A_219 = vector.bitcast %parallel_loop3A_218 : vector<16xf32> to vector<16xi32>
        %parallel_loop3A_220 = arith.constant 1 : i32
        %parallel_loop3A_221 = vector.broadcast %parallel_loop3A_220 : i32 to vector<16xi32>
        %parallel_loop3A_222 = arith.shrsi %parallel_loop3A_219, %parallel_loop3A_221 : vector<16xi32>
        %parallel_loop3A_223 = arith.constant 1597463007 : i32
        %parallel_loop3A_224 = vector.broadcast %parallel_loop3A_223 : i32 to vector<16xi32>
        %parallel_loop3A_225 = arith.subi %parallel_loop3A_224, %parallel_loop3A_222 : vector<16xi32>
        %parallel_loop3A_226 = vector.bitcast %parallel_loop3A_225 : vector<16xi32> to vector<16xf32>
        %parallel_loop3A_227 = arith.constant 5.000000e-01 : f32
        %parallel_loop3A_228 = vector.broadcast %parallel_loop3A_227 : f32 to vector<16xf32>
        %parallel_loop3A_229 = arith.mulf %parallel_loop3A_218, %parallel_loop3A_228 : vector<16xf32>
        %parallel_loop3A_230 = arith.mulf %parallel_loop3A_229, %parallel_loop3A_226 : vector<16xf32>
        %parallel_loop3A_231 = arith.mulf %parallel_loop3A_230, %parallel_loop3A_226 : vector<16xf32>
        %parallel_loop3A_232 = arith.constant 1.500000e+00 : f32
        %parallel_loop3A_233 = vector.broadcast %parallel_loop3A_232 : f32 to vector<16xf32>
        %parallel_loop3A_234 = arith.subf %parallel_loop3A_233, %parallel_loop3A_231 : vector<16xf32>
        %parallel_loop3A_235 = arith.mulf %parallel_loop3A_226, %parallel_loop3A_234 : vector<16xf32>
        %parallel_loop3A_236 = arith.mulf %parallel_loop3A_229, %parallel_loop3A_235 : vector<16xf32>
        %parallel_loop3A_237 = arith.mulf %parallel_loop3A_236, %parallel_loop3A_235 : vector<16xf32>
        %parallel_loop3A_238 = arith.constant 1.500000e+00 : f32
        %parallel_loop3A_239 = vector.broadcast %parallel_loop3A_238 : f32 to vector<16xf32>
        %parallel_loop3A_240 = arith.subf %parallel_loop3A_239, %parallel_loop3A_237 : vector<16xf32>
        %parallel_loop3A_241 = arith.mulf %parallel_loop3A_235, %parallel_loop3A_240 : vector<16xf32>
        %parallel_loop3A_242 = arith.mulf %parallel_loop3A_229, %parallel_loop3A_241 : vector<16xf32>
        %parallel_loop3A_243 = arith.mulf %parallel_loop3A_242, %parallel_loop3A_241 : vector<16xf32>
        %parallel_loop3A_244 = arith.constant 1.500000e+00 : f32
        %parallel_loop3A_245 = vector.broadcast %parallel_loop3A_244 : f32 to vector<16xf32>
        %parallel_loop3A_246 = arith.subf %parallel_loop3A_245, %parallel_loop3A_243 : vector<16xf32>
        %parallel_loop3A_247 = arith.mulf %parallel_loop3A_241, %parallel_loop3A_246 : vector<16xf32>
        %parallel_loop3A_248 = vector.broadcast %parallel_loop3A_210 : f32 to vector<16xf32>
        %parallel_loop3A_249 = arith.mulf %parallel_loop3A_248, %parallel_loop3A_247 : vector<16xf32>
        %parallel_loop3A_250 = arith.mulf %parallel_loop3A_181, %parallel_loop3A_247 : vector<16xf32>
        %parallel_loop3A_251 = arith.subf %parallel_loop3A_250, %parallel_loop3A_249 : vector<16xf32>
        %parallel_loop3A_252 = arith.mulf %parallel_loop3A_251, %get3A_1 : vector<16xf32>
        %parallel_loop3A_253 = arith.addf %parallel_loop3A_252, %get3A_9 : vector<16xf32>
        %parallel_loop3A_254 = arith.index_cast %parallel_loop3A_178 : i32 to index
        %parallel_loop3A_255 = arith.constant 0 : index
        %parallel_loop3A_256 = tpu.vector_load %arg11[%parallel_loop3A_254, %parallel_loop3A_255] {strides = array<i32>} : memref<128x64xf32, #tpu.memory_space<vmem>>, vector<16xf32>,
        tpu.vector_store %arg11[%parallel_loop3A_254, %parallel_loop3A_255], %parallel_loop3A_253 {strides = array<i32>} : memref<128x64xf32, #tpu.memory_space<vmem>>, vector<16xf32>,
        %parallel_loop3A_257 = arith.mulf %parallel_loop3A_184, %parallel_loop3A_247 : vector<16xf32>
        %parallel_loop3A_258 = arith.subf %parallel_loop3A_257, %parallel_loop3A_249 : vector<16xf32>
        %parallel_loop3A_259 = arith.mulf %parallel_loop3A_258, %get3A_3 : vector<16xf32>
        %parallel_loop3A_260 = arith.addf %parallel_loop3A_259, %get3A_11 : vector<16xf32>
        %parallel_loop3A_261 = arith.index_cast %parallel_loop3A_178 : i32 to index
        %parallel_loop3A_262 = arith.constant 16 : index
        %parallel_loop3A_263 = tpu.vector_load %arg11[%parallel_loop3A_261, %parallel_loop3A_262] {strides = array<i32>} : memref<128x64xf32, #tpu.memory_space<vmem>>, vector<16xf32>,
        tpu.vector_store %arg11[%parallel_loop3A_261, %parallel_loop3A_262], %parallel_loop3A_260 {strides = array<i32>} : memref<128x64xf32, #tpu.memory_space<vmem>>, vector<16xf32>,
        %parallel_loop3A_264 = arith.mulf %parallel_loop3A_187, %parallel_loop3A_247 : vector<16xf32>
        %parallel_loop3A_265 = arith.subf %parallel_loop3A_264, %parallel_loop3A_249 : vector<16xf32>
        %parallel_loop3A_266 = arith.mulf %parallel_loop3A_265, %get3A_5 : vector<16xf32>
        %parallel_loop3A_267 = arith.addf %parallel_loop3A_266, %get3A_13 : vector<16xf32>
        %parallel_loop3A_268 = arith.index_cast %parallel_loop3A_178 : i32 to index
        %parallel_loop3A_269 = arith.constant 32 : index
        %parallel_loop3A_270 = tpu.vector_load %arg11[%parallel_loop3A_268, %parallel_loop3A_269] {strides = array<i32>} : memref<128x64xf32, #tpu.memory_space<vmem>>, vector<16xf32>,
        tpu.vector_store %arg11[%parallel_loop3A_268, %parallel_loop3A_269], %parallel_loop3A_267 {strides = array<i32>} : memref<128x64xf32, #tpu.memory_space<vmem>>, vector<16xf32>,
        %parallel_loop3A_271 = arith.mulf %parallel_loop3A_190, %parallel_loop3A_247 : vector<16xf32>
        %parallel_loop3A_272 = arith.subf %parallel_loop3A_271, %parallel_loop3A_249 : vector<16xf32>
        %parallel_loop3A_273 = arith.mulf %parallel_loop3A_272, %get3A_7 : vector<16xf32>
        %parallel_loop3A_274 = arith.addf %parallel_loop3A_273, %get3A_15 : vector<16xf32>
        %parallel_loop3A_275 = arith.index_cast %parallel_loop3A_178 : i32 to index
        %parallel_loop3A_276 = arith.constant 48 : index
        %parallel_loop3A_277 = tpu.vector_load %arg11[%parallel_loop3A_275, %parallel_loop3A_276] {strides = array<i32>} : memref<128x64xf32, #tpu.memory_space<vmem>>, vector<16xf32>,
        tpu.vector_store %arg11[%parallel_loop3A_275, %parallel_loop3A_276], %parallel_loop3A_274 {strides = array<i32>} : memref<128x64xf32, #tpu.memory_space<vmem>>, vector<16xf32>,
      } {sc.loop_unroll_factor = 4 : i64, sc.parallel_access}
      %dma_start3A_170 = arith.constant 0 : i32
      %dma_start3A_171 = arith.constant 0 : i32
      %dma_start3A_172 = tpu.memref_slice %arg6[%add3A, %add3A_153, %dma_start3A_170, %dma_start3A_171] : memref<32x200x128x64xf32, #tpu.memory_space<hbm>> -> memref<1x1x128x64xf32, #tpu.memory_space<hbm>>
      %dma_start3A_173 = tpu.memref_squeeze %dma_start3A_172 : memref<1x1x128x64xf32, #tpu.memory_space<hbm>> -> memref<128x64xf32, #tpu.memory_space<hbm>>
      %dma_start3A_174 = arith.constant 0 : i32
      %dma_start3A_175 = arith.constant 0 : i32
      %dma_start3A_176 = tpu.memref_slice %arg6[%add3A, %add3A_153, %dma_start3A_174, %dma_start3A_175] : memref<32x200x128x64xf32, #tpu.memory_space<hbm>> -> memref<1x1x128x64xf32, #tpu.memory_space<hbm>>
      %dma_start3A_177 = tpu.memref_squeeze %dma_start3A_176 : memref<1x1x128x64xf32, #tpu.memory_space<hbm>> -> memref<128x64xf32, #tpu.memory_space<hbm>>
      tpu.enqueue_dma source(%arg11 : memref<128x64xf32, #tpu.memory_space<vmem>>) target(%dma_start3A_177 : memref<128x64xf32, #tpu.memory_space<hbm>>) target_semaphore(%arg21 : memref<!tpu.dma_semaphore, #tpu.memory_space<semaphore_mem>>)
    }
    %scan3A_33 = arith.constant 50 : i32
    %dma_wait3A = arith.constant 196 : i32
    %dma_wait3A_34 = arith.constant 0 : i32
    %dma_wait3A_35 = arith.constant 0 : i32
    %dma_wait3A_36 = tpu.memref_slice %arg6[%add3A, %dma_wait3A, %dma_wait3A_34, %dma_wait3A_35] : memref<32x200x128x64xf32, #tpu.memory_space<hbm>> -> memref<1x1x128x64xf32, #tpu.memory_space<hbm>>
    %dma_wait3A_37 = tpu.memref_squeeze %dma_wait3A_36 : memref<1x1x128x64xf32, #tpu.memory_space<hbm>> -> memref<128x64xf32, #tpu.memory_space<hbm>>
    %dma_wait3A_38 = arith.constant 0 : i32
    %dma_wait3A_39 = arith.constant 0 : i32
    %dma_wait3A_40 = tpu.memref_slice %arg6[%add3A, %dma_wait3A, %dma_wait3A_38, %dma_wait3A_39] : memref<32x200x128x64xf32, #tpu.memory_space<hbm>> -> memref<1x1x128x64xf32, #tpu.memory_space<hbm>>
    %dma_wait3A_41 = tpu.memref_squeeze %dma_wait3A_40 : memref<1x1x128x64xf32, #tpu.memory_space<hbm>> -> memref<128x64xf32, #tpu.memory_space<hbm>>
    tpu.wait_dma2 semaphore(%arg18 : memref<!tpu.dma_semaphore, #tpu.memory_space<semaphore_mem>>) src(%arg8 : memref<128x64xf32, #tpu.memory_space<vmem>>) dst(%dma_wait3A_41 : memref<128x64xf32, #tpu.memory_space<hbm>>)
    %dma_wait3A_42 = arith.constant 197 : i32
    %dma_wait3A_43 = arith.constant 0 : i32
    %dma_wait3A_44 = arith.constant 0 : i32
    %dma_wait3A_45 = tpu.memref_slice %arg6[%add3A, %dma_wait3A_42, %dma_wait3A_43, %dma_wait3A_44] : memref<32x200x128x64xf32, #tpu.memory_space<hbm>> -> memref<1x1x128x64xf32, #tpu.memory_space<hbm>>
    %dma_wait3A_46 = tpu.memref_squeeze %dma_wait3A_45 : memref<1x1x128x64xf32, #tpu.memory_space<hbm>> -> memref<128x64xf32, #tpu.memory_space<hbm>>
    %dma_wait3A_47 = arith.constant 0 : i32
    %dma_wait3A_48 = arith.constant 0 : i32
    %dma_wait3A_49 = tpu.memref_slice %arg6[%add3A, %dma_wait3A_42, %dma_wait3A_47, %dma_wait3A_48] : memref<32x200x128x64xf32, #tpu.memory_space<hbm>> -> memref<1x1x128x64xf32, #tpu.memory_space<hbm>>
    %dma_wait3A_50 = tpu.memref_squeeze %dma_wait3A_49 : memref<1x1x128x64xf32, #tpu.memory_space<hbm>> -> memref<128x64xf32, #tpu.memory_space<hbm>>
    tpu.wait_dma2 semaphore(%arg19 : memref<!tpu.dma_semaphore, #tpu.memory_space<semaphore_mem>>) src(%arg9 : memref<128x64xf32, #tpu.memory_space<vmem>>) dst(%dma_wait3A_50 : memref<128x64xf32, #tpu.memory_space<hbm>>)
    %dma_wait3A_51 = arith.constant 198 : i32
    %dma_wait3A_52 = arith.constant 0 : i32
    %dma_wait3A_53 = arith.constant 0 : i32
    %dma_wait3A_54 = tpu.memref_slice %arg6[%add3A, %dma_wait3A_51, %dma_wait3A_52, %dma_wait3A_53] : memref<32x200x128x64xf32, #tpu.memory_space<hbm>> -> memref<1x1x128x64xf32, #tpu.memory_space<hbm>>
    %dma_wait3A_55 = tpu.memref_squeeze %dma_wait3A_54 : memref<1x1x128x64xf32, #tpu.memory_space<hbm>> -> memref<128x64xf32, #tpu.memory_space<hbm>>
    %dma_wait3A_56 = arith.constant 0 : i32
    %dma_wait3A_57 = arith.constant 0 : i32
    %dma_wait3A_58 = tpu.memref_slice %arg6[%add3A, %dma_wait3A_51, %dma_wait3A_56, %dma_wait3A_57] : memref<32x200x128x64xf32, #tpu.memory_space<hbm>> -> memref<1x1x128x64xf32, #tpu.memory_space<hbm>>
    %dma_wait3A_59 = tpu.memref_squeeze %dma_wait3A_58 : memref<1x1x128x64xf32, #tpu.memory_space<hbm>> -> memref<128x64xf32, #tpu.memory_space<hbm>>
    tpu.wait_dma2 semaphore(%arg20 : memref<!tpu.dma_semaphore, #tpu.memory_space<semaphore_mem>>) src(%arg10 : memref<128x64xf32, #tpu.memory_space<vmem>>) dst(%dma_wait3A_59 : memref<128x64xf32, #tpu.memory_space<hbm>>)
    %dma_wait3A_60 = arith.constant 199 : i32
    %dma_wait3A_61 = arith.constant 0 : i32
    %dma_wait3A_62 = arith.constant 0 : i32
    %dma_wait3A_63 = tpu.memref_slice %arg6[%add3A, %dma_wait3A_60, %dma_wait3A_61, %dma_wait3A_62] : memref<32x200x128x64xf32, #tpu.memory_space<hbm>> -> memref<1x1x128x64xf32, #tpu.memory_space<hbm>>
    %dma_wait3A_64 = tpu.memref_squeeze %dma_wait3A_63 : memref<1x1x128x64xf32, #tpu.memory_space<hbm>> -> memref<128x64xf32, #tpu.memory_space<hbm>>
    %dma_wait3A_65 = arith.constant 0 : i32
    %dma_wait3A_66 = arith.constant 0 : i32
    %dma_wait3A_67 = tpu.memref_slice %arg6[%add3A, %dma_wait3A_60, %dma_wait3A_65, %dma_wait3A_66] : memref<32x200x128x64xf32, #tpu.memory_space<hbm>> -> memref<1x1x128x64xf32, #tpu.memory_space<hbm>>
    %dma_wait3A_68 = tpu.memref_squeeze %dma_wait3A_67 : memref<1x1x128x64xf32, #tpu.memory_space<hbm>> -> memref<128x64xf32, #tpu.memory_space<hbm>>
    tpu.wait_dma2 semaphore(%arg21 : memref<!tpu.dma_semaphore, #tpu.memory_space<semaphore_mem>>) src(%arg11 : memref<128x64xf32, #tpu.memory_space<vmem>>) dst(%dma_wait3A_68 : memref<128x64xf32, #tpu.memory_space<hbm>>)
    return
  }
}

</mosaic_0001>

<sc_bundles>
// kernel: kernel.3.cloned.1.call-start
scs
__scs_entry_jumppad:
0x0: {  	(pc) =	sbr.rel $0x88, $3  }
0x1: {  	(tag) =	ssettag $0x0;
	lr =	simm.s32 $0x1  }
0x2: {  	[smem:$0x3F9D] =	sst lr;
	_ =	strace $0xD0000000  }
0x3: {  	_ = 	snop  }
0x4: {  	_ = 	snop  }
0x5: {  	_ = 	snop  }
0x6: {  	_ = 	snop  }
0x7: {  	_ = 	snop  }
__scs_overlays_trampoline_lowered:
0x8: {  	[smem:$0x3FAC] =	sst s0  }
0x9: {  	[smem:$0x3FAD] =	sst s1  }
0xa: {  	[smem:$0x3FAE] =	sst s2  }
0xb: {  	[smem:$0x3FAF] =	sst s3  }
0xc: {  	[smem:$0x3FB0] =	sst s4  }
0xd: {  	[smem:$0x3FB1] =	sst s5  }
0xe: {  	[smem:$0x3FB2] =	sst s6  }
0xf: {  	[smem:$0x3FB3] =	sst s7  }
0x10: {  	[smem:$0x3FB4] =	sst s8  }
0x11: {  	[smem:$0x3FB5] =	sst s9;
	s0 =	simm.s32 @!p0 $0x0  }
0x12: {  	s1 =	sld [smem:$0x3F9B];
	s0 =	simm.s32 @p0 $0x1  }
0x13: {  	[smem:$0x3FB6] =	sst s0;
	s0 =	simm.s32 @!p1 $0x0  }
0x14: {  	s2 =	sld [smem:$0x3F9A];
	s0 =	simm.s32 @p1 $0x1  }
0x15: {  	[smem:$0x3FB7] =	sst s0;
	s0 =	simm.s32 @!p2 $0x0  }
0x16: {  	s3 =	sld [smem:$0x3FDB];
	s0 =	simm.s32 @p2 $0x1  }
0x17: {  	s4 =	simm.s32 $0x1BF5;
	[smem:$0x3FB9] =	sst s0  }
0x18: {  	s0 =	sld [smem:$0x3F9C];
	_ =	swait.ge [sflag:s4], $0x0  }
0x19: {  	s7 =	sld [smem:$0x3F9D]  }
0x1a: {  	s8 =	sadd.s32 $0xFFFFE003, lr  }
0x1b: {  	s9 =	sadd.s32 $0xFFFFFEF7, lr;
	s5 =	simm.s32 $0xFFFFFFFF;
	p2 =	slt.u32 s8, $0xFFFFF086  }
0x1c: {  	p1 =	slt.u32 s9, $0xF7A;
	s5 =	simm.s32 @!p2 $0x0  }
0x1d: {  	s5 =	simm.s32 @p1 $0x1;
	p0 =	seq.s32 s7, s2  }
0x1e: {  	s7 =	smul.u32 @!p0 $0xF7A, s2;
	p2 =	seq.s32 @!p0 s5, $0x0  }
0x1f: {  	s9 =	smul.u32 $0xF7A, s1;
	s8 =	simm.s32 @!p0 $0x1BF5;
	p2 =	por !p2, p0  }
0x20: {  	[sflag:s8] =	ssyncset.s32 @!p0 $0xFFFFF086;
	s6 =	sadd.s32 @!p0 s3, s7;
	s7 =	simm.s32 @!p0 $0x108  }
0x21: {  	s3 =	sadd.s32 s3, s9;
	s6 =	sadd.s32 @!p0 $0x88, s6;
	s7 =	simm.s32 @p2 $0x1082  }
0x22: {  	[simem:s7], [sflag:s8] =	dma.local @!p0 [hbm:s6], $0xF7A  }
0x23: {  	s9 =	sor.u32 $0xD0000000, s2;
	s6 =	simm.s32 $0x108;
	_ =	swait.ge @!p0 [sflag:s8], $0x0  }
0x24: {  	s3 =	sadd.s32 $0x88, s3;
	s6 =	simm.s32 @!p1 $0x1082;
	[sflag:s4] =	ssyncset.s32 $0xFFFFF086  }
0x25: {  	[simem:s6], [sflag:s4] =	dma.local [hbm:s3], $0xF7A  }
0x26: {  	[smem:$0x3F9D] =	sst s1;
	(tag) =	ssettag s2;
	_ =	strace s9  }
0x27: {  	s1 =	sld [smem:$0x3FAD]  }
0x28: {  	s2 =	sld [smem:$0x3FAE]  }
0x29: {  	s4 =	sld [smem:$0x3FB0]  }
0x2a: {  	p0 =	seq.s32 s5, $0x0;
	s5 =	sld [smem:$0x3FB1]  }
0x2b: {  	s6 =	sld [smem:$0x3FB2]  }
0x2c: {  	s7 =	sld [smem:$0x3FB3]  }
0x2d: {  	s3 =	simm.s32 $0x108;
	s8 =	sld [smem:$0x3FB4]  }
0x2e: {  	s3 =	simm.s32 @!p0 $0x1082;
	s9 =	sld [smem:$0x3FB5]  }
0x2f: {  	lr =	sadd.s32 s0, s3;
	s0 =	sld [smem:$0x3FAC]  }
0x30: {  	s3 =	sld [smem:$0x3FAF]  }
0x31: {  	[smem:$0x3FB8] =	sst s10  }
0x32: {  	s10 =	sld [smem:$0x3FB6];
	_ =	sdelay $0x3  }
0x33: {  	p0 =	seq.s32 s10, $0x1;
	s10 =	sld [smem:$0x3FB8];
	_ =	sdelay $0x3  }
0x34: {  	[smem:$0x3FB8] =	sst s10  }
0x35: {  	s10 =	sld [smem:$0x3FB7];
	_ =	sdelay $0x3  }
0x36: {  	p1 =	seq.s32 s10, $0x1;
	s10 =	sld [smem:$0x3FB8];
	_ =	sdelay $0x3  }
0x37: {  	[smem:$0x3FB8] =	sst s10  }
0x38: {  	s10 =	sld [smem:$0x3FB9]  }
0x39: {  	_ = 	snop;
	(pc) =	sbr.ind lr, $3  }
0x3a: {  	_ = 	snop  }
0x3b: {  	_ = 	snop  }
0x3c: {  	p2 =	seq.s32 s10, $0x1;
	s10 =	sld [smem:$0x3FB8]  }
0x3d: {  	_ =	shalt  }
0x3e: {  	_ =	shalt  }
0x3f: {  	_ =	shalt  }
0x40: {  	_ =	shalt  }
0x41: {  	_ =	shalt  }
0x42: {  	_ =	shalt  }
0x43: {  	_ =	shalt  }
0x44: {  	_ =	shalt  }
0x45: {  	_ =	shalt  }
0x46: {  	_ =	shalt  }
0x47: {  	_ =	shalt  }
0x48: {  	_ =	shalt  }
0x49: {  	_ =	shalt  }
0x4a: {  	_ =	shalt  }
0x4b: {  	_ =	shalt  }
0x4c: {  	_ =	shalt  }
0x4d: {  	_ =	shalt  }
0x4e: {  	_ =	shalt  }
0x4f: {  	_ =	shalt  }
0x50: {  	_ =	shalt  }
0x51: {  	_ =	shalt  }
0x52: {  	_ =	shalt  }
0x53: {  	_ =	shalt  }
0x54: {  	_ =	shalt  }
0x55: {  	_ =	shalt  }
0x56: {  	_ =	shalt  }
0x57: {  	_ =	shalt  }
0x58: {  	_ =	shalt  }
0x59: {  	_ =	shalt  }
0x5a: {  	_ =	shalt  }
0x5b: {  	_ =	shalt  }
0x5c: {  	_ =	shalt  }
0x5d: {  	_ =	shalt  }
0x5e: {  	_ =	shalt  }
0x5f: {  	_ =	shalt  }
0x60: {  	_ =	shalt  }
0x61: {  	_ =	shalt  }
0x62: {  	_ =	shalt  }
0x63: {  	_ =	shalt  }
0x64: {  	_ =	shalt  }
0x65: {  	_ =	shalt  }
0x66: {  	_ =	shalt  }
0x67: {  	_ =	shalt  }
0x68: {  	_ =	shalt  }
0x69: {  	_ =	shalt  }
0x6a: {  	_ =	shalt  }
0x6b: {  	_ =	shalt  }
0x6c: {  	_ =	shalt  }
0x6d: {  	_ =	shalt  }
0x6e: {  	_ =	shalt  }
0x6f: {  	_ =	shalt  }
0x70: {  	_ =	shalt  }
0x71: {  	_ =	shalt  }
0x72: {  	_ =	shalt  }
0x73: {  	_ =	shalt  }
0x74: {  	_ =	shalt  }
0x75: {  	_ =	shalt  }
0x76: {  	_ =	shalt  }
0x77: {  	_ =	shalt  }
0x78: {  	_ =	shalt  }
0x79: {  	_ =	shalt  }
0x7a: {  	_ =	shalt  }
0x7b: {  	_ =	shalt  }
0x7c: {  	_ =	shalt  }
0x7d: {  	_ =	shalt  }
0x7e: {  	_ =	shalt  }
0x7f: {  	_ =	shalt  }
0x80: {  	_ =	shalt  }
0x81: {  	_ =	shalt  }
0x82: {  	_ =	shalt  }
0x83: {  	_ =	shalt  }
0x84: {  	_ =	shalt  }
0x85: {  	_ =	shalt  }
0x86: {  	_ =	shalt  }
0x87: {  	_ =	shalt  }
.Lfunc_end0:
.L_simem_size_0:
called_computation.1_lowered:
.L_overlay_start_0:
0x88: {  	s2 =	sld [smem:$0x3FD9]  }
0x89: {  	s3 =	sld [smem:$0x3FFE];
	_ =	sdelay $0x1  }
0x8a: {  	s1 =	srdreg.scid  }
0x8b: {  	s0 =	sand.u32 $0x1, s1  }
0x8c: {  	s17 =	sshll.u32 s0, $0xA;
	s2 =	sadd.s32 s3, s2  }
0x8d: {  	s2 =	sadd.s32 s2, s17  }
0x8e: {  	[smem:$0x3FC4] =	sst s2  }
0x8f: {  	_ = 	snop  }
0x90: {  	s2 =	sld [smem:$0x3FC7]  }
0x91: {  	s18 =	sld [smem:$0x3FC6]  }
0x92: {  	s4 =	sld [smem:$0x3FD0];
	(tm) =	ssettm $0x1  }
0x93: {  	s5 =	sld [smem:$0x3FFB];
	_ =	sdelay $0x3  }
0x94: {  	_ =	strace s5  }
0x95: {  	s5 =	sld [smem:$0x3FFC];
	_ =	sdelay $0x3  }
0x96: {  	_ =	strace s5  }
0x97: {  	s5 =	sld [smem:$0x3FFD];
	_ =	sdelay $0x3  }
0x98: {  	_ =	strace s5  }
0x99: {  	_ =	strace $0x8FFFFFFF  }
0x9a: {  	s19 =	sld [smem:$0x3FDB];
	_ =	sdelay $0x1  }
0x9b: {  	s6 =	simm.s32 $_scs_section_size  }
0x9c: {  	s7 =	simm.s32 $_size__tile_overlayer_lowered;
	s8 =	simm.s32 $_tile_overlayer_lowered  }
0x9d: {  	s22 =	simm.s32 $0x1BFF;
	s21 =	sshll.u32 s8, $0x1;
	s5 =	sadd.s32 s6, s19  }
0x9e: {  	s9 =	simm.s32 $0x0;
	s20 =	sshll.u32 s7, $0x1;
	s7 =	sadd.s32 s21, s5  }
0x9f: {  	[timem:s9], [sflag:s22] =	dma.local [hbm:s7], s20  }
0xa0: {  	_ =	swait.ge [sflag:s22], s20  }
0xa1: {  	s6 =	ssub.s32 $0x0, s20;
	[sflag:s22] =	ssyncset.done $0x0  }
0xa2: {  	[sflag:s22] =	ssyncadd.s32 s6;
	_ =	sdelay $0x1  }
0xa3: {  	s23 =	simm.s32 $0x1B8B  }
0xa4: {  	_ =	swait.ge [sflag:s23], $0x1  }
0xa5: {  	[sflag:s23] =	ssyncset.done $0x0  }
0xa6: {  	s25 =	simm.s32 $0x1B8E;
	s24 =	sld [smem:$0x3FFE];
	[sflag:s23] =	ssyncadd.s32 $0xFFFFFFFF  }
0xa7: {  	s26 =	simm.s32 $execute0_lowered;
	[smem:$0x3FD2] =	sst s25  }
0xa8: {  	s7 =	sshll.u32 s26, $0x1;
	_ =	strace $0x80000046;
	[dreg:$0x1] =	wrdreg $0xFFFFFFFF  }
0xa9: {  	s28 =	simm.s32 $_size_execute0_lowered;
	s5 =	sadd.s32 s5, s7;
	[dreg:$0x0] =	wrdreg $0x0  }
0xaa: {  	s7 =	sshll.u32 s28, $0x1;
	[dreg:$0x2] =	wrdreg s5  }
0xab: {  	[dreg:$0x3] =	wrdreg s7  }
0xac: {  	[dreg:$0x4] =	wrdreg $0xC0  }
0xad: {  	_ =	task [dreg:s9], $0x5FFFF  }
0xae: {  	[dreg:$0x1] =	wrdreg $0xFFFFFFFF  }
0xaf: {  	[dreg:$0x0] =	wrdreg $0x60  }
0xb0: {  	[dreg:$0x2] =	wrdreg s24  }
0xb1: {  	[dreg:$0x3] =	wrdreg s2  }
0xb2: {  	[dreg:$0x4] =	wrdreg s18  }
0xb3: {  	[dreg:$0x5] =	wrdreg s4  }
0xb4: {  	[dreg:$0x6] =	wrdreg $0x9  }
0xb5: {  	_ =	task.clear_ibuf [dreg:s9], $0x7FFFF;
	_ =	strace $0x90000046  }
0xb6: {  	s29 =	simm.s32 $0x9;
	_ =	strace $0x80000048  }
0xb7: {  	_ =	swait.ge [sflag:s29], $0x1  }
0xb8: {  	[sflag:s29] =	ssyncadd.s32 $0xFFFFFFFF  }
0xb9: {  	_ =	strace $0x90000048  }
0xba: {  	_ =	sfence  }
0xbb: {  	s30 =	sld [smem:$0x0];
	_ =	sdelay $0x2  }
0xbc: {  	s31 =	sshll.u32 s1, $0xD;
	s1 =	sshrl.u32 s1, $0x2  }
0xbd: {  	s3 =	sand.u32 $0x4000, s31;
	s1 =	sadd.s32 s1, s30  }
0xbe: {  	s0 =	sor.u32 s3, s0;
	s1 =	sshll.u32 s1, $0x11  }
0xbf: {  	s0 =	sor.u32 s1, s0  }
0xc0: {  	s0 =	sadd.s32 $0x8F2B, s0  }
0xc1: {  	[sflag:s0] =	ssyncadd.remote.s32 $0x1  }
0xc2: {  	_ =	sfence.sel $0xFFFF  }
0xc3: {  	[dreg:$0x0] =	wrdreg $0xFFFFFFFF;
	(pc) =	sbr.abs _section_cstart, $3  }
0xc4: {  	[dreg:$0x1] =	wrdreg $0xFFFFFFFF  }
0xc5: {  	_ =	task.clear_ibuf [dreg:s9], $0x2FFFF;
	_ =	strace $0x9FFFFFFF  }
0xc6: {  	(tm) =	ssettm $0x7FFFFFFF  }
0xc7: {  	_ =	shalt  }
tec
execute0_lowered:
.L_overlay_start_1:
0x0: {  	(tag) =	ssettag $0x1  }
0x1: {  	s0 =	rddreg [dreg:$0x0];
	s1 =	srdreg.scid  }
0x2: {  	s2 =	stileid.u32;
	s4 =	rddreg [dreg:$0x3];
	s5 =	simm.s32 $0x0  }
0x3: {  	s14 =	simm.s32 $0x80;
	s15 =	simm.s32 $0x6400;
	s16 =	simm.s32 $0x8400  }
0x4: {  	s17 =	simm.s32 $0xA400;
	s1 =	sand.u32 $0x1, s1;
	s2 =	sshll.u32 s2, $0x1  }
0x5: {  	s18 =	simm.s32 $0x1;
	s19 =	simm.s32 $0xC400;
	s2 =	sor.u32 s1, s2  }
0x6: {  	s20 =	simm.s32 $0x2;
	s21 =	simm.s32 $0x3;
	s3 =	smul.u32 $0xC80, s2  }
0x7: {  	s22 =	simm.s32 $0x4;
	[smem:$0x7FF] =	sst s5;
	s1 =	ssub.s32 $0x2, s1  }
0x8: {  	s7 =	sadd.s32 $0xF42E00, s0;
	s30 =	sshrl.u32 s1, $0x1;
	s29 =	sadd.s32 s3, s0  }
0x9: {  	s6 =	smul.u32 $0x190000, s2;
	s0 =	ssub.s32 s1, s30;
	s31 =	sadd.s32 $0xA00, s29  }
0xa: {  	_ =	strace $0x80000047;
	s0 =	smax.u32 s0, $0x1;
	[dreg:$0x5] =	wrdreg s31  }
0xb: {  	s28 =	simm.s32 $0x0;
	s9 =	sor.u32 $0x2000, s6;
	[dreg:$0x6] =	wrdreg s0  }
.LBB2_1:
0xc: {  	s0 =	rddreg [dreg:$0x1];
	s1 =	simm.s32 $0xE400;
	s26 =	simm.s32 $0x9  }
0xd: {  	[tilespmem:s1], [sflag:$0x9] =	stream.linear.gather [hbm4b:s0+s5], $0x40, $0x38;
	[tilespmem:$0xE480] =	vst v63  }
0xe: {  	_ =	swait.ge [sflag:s26], $0x40  }
0xf: {  	[sflag:s26] =	ssyncset.done $0x0  }
0x10: {  	[sflag:s26] =	ssyncadd.s32 $0xFFFFFFC0  }
0x11: {  	s2 =	simm.s32 $0xE440;
	s30 =	rddreg [dreg:$0x2]  }
0x12: {  	[tilespmem:s2], [sflag:$0x9] =	stream.linear.gather [hbm4b:s30+s5], $0x40, $0x38;
	[tilespmem:$0xE480] =	vst v63  }
0x13: {  	_ =	swait.ge [sflag:s26], $0x40  }
0x14: {  	[sflag:s26] =	ssyncset.done $0x0  }
0x15: {  	s31 =	rddreg [dreg:$0x5];
	[sflag:s26] =	ssyncadd.s32 $0xFFFFFFC0  }
0x16: {  	[tilespmem:s5], [sflag:$0x9] =	stream.linear.gather [hbm4b:s31+s5], $0x6400, $0x38;
	[tilespmem:$0xE480] =	vst v63  }
0x17: {  	_ =	swait.ge [sflag:s26], $0x6400  }
0x18: {  	[sflag:s26] =	ssyncset.done $0x0  }
0x19: {  	[sflag:s26] =	ssyncadd.s32 $0xFFFF9C00  }
0x1a: {  	v0 =	vld [tilespmem:$0xE400]  }
0x1b: {  	v57 =	vld [tilespmem:$0xE410]  }
0x1c: {  	v58 =	vld [tilespmem:$0xE420]  }
0x1d: {  	v59 =	vld [tilespmem:$0xE430]  }
0x1e: {  	v60 =	vld [tilespmem:$0xE440]  }
0x1f: {  	v61 =	vld [tilespmem:$0xE450]  }
0x20: {  	v62 =	vld [tilespmem:$0xE460]  }
0x21: {  	v63 =	vld [tilespmem:$0xE470];
	[tilespmem:s15], [sflag:$0x1] =	stream.indirect.gather [hbm4b:s7+s14], $0x40, s5, s14, $0xb8  }
0x22: {  	_ = 	snop  }
0x23: {  	[tilespmem:s16], [sflag:$0x2] =	stream.indirect.gather [hbm4b:s7+s14], $0x40, s14, s14, $0xb8;
	[tilespmem:$0xE480] =	vst v63  }
0x24: {  	[tilespmem:$0x1FF80] =	vst v0  }
0x25: {  	[tilespmem:$0x1FF90] =	vst v57  }
0x26: {  	[tilespmem:$0x1FFA0] =	vst v58  }
0x27: {  	[tilespmem:$0x1FFB0] =	vst v59  }
0x28: {  	[tilespmem:$0x1FFC0] =	vst v60  }
0x29: {  	[tilespmem:$0x1FFD0] =	vst v61  }
0x2a: {  	[tilespmem:$0x1FFE0] =	vst v62  }
0x2b: {  	s29 =	simm.s32 $0x0;
	[tilespmem:$0x1FFF0] =	vst v63  }
.LBB2_2:
0x2c: {  	p0 =	seq.s32 s29, $0x0  }
0x2d: {  	s31 =	sshll.u32 s29, $0x2;
	s0 =	simm.s32 @!p0 $0x7  }
0x2e: {  	s30 =	sor.u32 $0x2, s31;
	_ =	swait.ge @!p0 [sflag:s0], $0x2000  }
0x2f: {  	s1 =	sshll.u32 s30, $0x7;
	[sflag:s0] =	ssyncset.done @!p0 $0x0  }
0x30: {  	s10 =	sand.u32 $0x3FFFFF80, s1;
	[sflag:s0] =	ssyncadd.s32 @!p0 $0xFFFFE000  }
0x31: {  	[tilespmem:s17], [sflag:$0x3] =	stream.indirect.gather [hbm4b:s7+s14], $0x40, s10, s14, $0xb8;
	[tilespmem:$0xE480] =	vst v63  }
0x32: {  	_ =	swait.ge [sflag:s18], $0x2000  }
0x33: {  	[sflag:s18] =	ssyncset.done $0x0  }
0x34: {  	s2 =	simm.s32 $0x6480;
	[sflag:s18] =	ssyncadd.s32 $0xFFFFE000  }
0x35: {  	v38 =	vld [tilespmem:s2+$0x40]  }
0x36: {  	v37 =	vld [tilespmem:s2+$0x50];
	_ =	sdelay $0x1  }
0x37: {  	v36 =	vld [tilespmem:s2+$0x60];
	_ =	sdelay $0x1  }
0x38: {  	v16 =	vld [tilespmem:s2+$0x70]  }
0x39: {  	v8 =	vmul.f32 v38, v38;
	v9 =	vmul.f32 v37, v37  }
0x3a: {  	v10 =	vadd.f32 v37, v38  }
0x3b: {  	v8 =	vadd.f32 v9, v8;
	v9 =	vmul.f32 v36, v36  }
0x3c: {  	v10 =	vadd.f32 v36, v10  }
0x3d: {  	v8 =	vadd.f32 v9, v8;
	v9 =	vmul.f32 v16, v16  }
0x3e: {  	v31 =	vld [tilespmem:s2+$0xFFFFFF90];
	v10 =	vadd.f32 v16, v10  }
0x3f: {  	v29 =	vld [tilespmem:s2+$0xFFFFFFC0];
	v8 =	vadd.f32 v9, v8  }
0x40: {  	v24 =	vld [tilespmem:s2+$0x0];
	(xrf2) =	vadd.scan.msk.f32 $0xffff, v10  }
0x41: {  	v34 =	vld [tilespmem:s2+$0xFFFFFF80];
	(xrf2) =	vadd.scan.msk.f32 $0xffff, v8  }
0x42: {  	v26 =	vld [tilespmem:s2+$0x10]  }
0x43: {  	v28 =	vld [tilespmem:s2+$0xFFFFFFD0]  }
0x44: {  	v25 =	vld [tilespmem:s2+$0x20]  }
0x45: {  	v35 =	vld [tilespmem:s2+$0xFFFFFFA0]  }
0x46: {  	v30 =	vld [tilespmem:s2+$0xFFFFFFE0];
	v11 =	vmul.f32 v34, v34  }
0x47: {  	v33 =	vld [tilespmem:s2+$0xFFFFFFB0];
	v12 =	vadd.f32 v26, v24  }
0x48: {  	v32 =	vld [tilespmem:s2+$0xFFFFFFF0];
	v9 =	vmul.f32 v31, v31;
	v8 =	vadd.f32 v31, v34  }
0x49: {  	v27 =	vld [tilespmem:s2+$0x30];
	v12 =	vadd.f32 v25, v12;
	v10 =	vadd.f32 v28, v29  }
0x4a: {  	v13 =	vmul.f32 v29, v29;
	v9 =	vadd.f32 v9, v11;
	v8 =	vadd.f32 v35, v8;
	v11, _, _ =	vpop (xrf2)  }
0x4b: {  	v14 =	vmul.f32 v35, v35;
	v10 =	vadd.f32 v30, v10;
	(v2sf) =	vpush v11, $0xF;
	v11, _, _ =	vpop (xrf2)  }
0x4c: {  	v15 =	vmul.f32 v28, v28;
	v8 =	vadd.f32 v33, v8;
	(v2sf) =	vpush v11, $0xF  }
0x4d: {  	v9 =	vadd.f32 v14, v9;
	v10 =	vadd.f32 v32, v10;
	v11 =	vmul.f32 v33, v33  }
0x4e: {  	v12 =	vadd.f32 v27, v12;
	(xrf2) =	vadd.scan.msk.f32 $0xffff, v8  }
0x4f: {  	v8 =	vadd.f32 v15, v13;
	v13 =	vmul.f32 v30, v30;
	(xrf2) =	vadd.scan.msk.f32 $0xffff, v10;
	v9 =	vadd.f32 v11, v9  }
0x50: {  	v10 =	vmul.f32 v32, v32;
	(xrf2) =	vadd.scan.msk.f32 $0xffff, v12  }
0x51: {  	v8 =	vadd.f32 v13, v8;
	v11 =	vmul.f32 v26, v26;
	(xrf2) =	vadd.scan.msk.f32 $0xffff, v9;
	v9 =	vmul.f32 v24, v24;
	_ =	sdelay $0x1  }
0x52: {  	v8 =	vadd.f32 v10, v8;
	v10 =	vmul.f32 v25, v25;
	v9 =	vadd.f32 v11, v9;
	_ =	sdelay $0x1  }
0x53: {  	(xrf2) =	vadd.scan.msk.f32 $0xffff, v8;
	v8 =	vadd.f32 v10, v9;
	v9 =	vmul.f32 v27, v27;
	_ =	sdelay $0x1  }
0x54: {  	v8 =	vadd.f32 v9, v8;
	_ =	sdelay $0x1  }
0x55: {  	v10, _, _ =	vpop (xrf2)  }
0x56: {  	(v2sf) =	vpush v10, $0xF;
	v9, _, _ =	vpop (xrf2);
	(xrf2) =	vadd.scan.msk.f32 $0xffff, v8;
	s11 =	spop (v2sf)  }
0x57: {  	(v2sf) =	vpush v9, $0xF;
	v8, _, _ =	vpop (xrf2);
	s10 =	smul.f32 $1.562500000e-02, s11;
	s12 =	spop (v2sf)  }
0x58: {  	(v2sf) =	vpush v8, $0xF;
	v8, _, _ =	vpop (xrf2);
	s0 =	smul.f32 $1.562500000e-02, s12  }
0x59: {  	(v2sf) =	vpush v8, $0xF;
	s13 =	smul.f32 s10, s10;
	_ =	sdelay $0x1  }
0x5a: {  	s0 =	ssub.f32 s0, s13  }
0x5b: {  	v8, _, _ =	vpop (xrf2)  }
0x5c: {  	(v2sf) =	vpush v8, $0xF;
	v8 =	vmov s0  }
0x5d: {  	v8 =	vadd.f32 $9.999999740e-06, v8;
	_ =	sdelay $0x1  }
0x5e: {  	v9, _, _ =	vpop (xrf2);
	v8 =	vbroadcast v8, $0x0  }
0x5f: {  	s0 =	simm.s32 $0x6580;
	(v2sf) =	vpush v9, $0xF  }
0x60: {  	v0 =	vld [tilespmem:s0+$0x40];
	v9 =	vshra.s32 v8, $0x1;
	v12 =	vmul.f32 $5.000000000e-01, v8  }
0x61: {  	v8 =	vsub.s32 $0x5F3759DF, v9  }
0x62: {  	v63 =	vld [tilespmem:s0+$0x50];
	v9 =	vmul.f32 v8, v12  }
0x63: {  	v62 =	vld [tilespmem:s0+$0x60];
	s23 =	spop (v2sf)  }
0x64: {  	v14 =	vld [tilespmem:s0+$0x70];
	s3 =	smul.f32 $1.562500000e-02, s23;
	s24 =	spop (v2sf);
	v9 =	vmul.f32 v8, v9  }
0x65: {  	v58 =	vld [tilespmem:s0+$0xFFFFFF90];
	[tilespmem:$0x1FF70] =	vst v0;
	s11 =	spop (v2sf)  }
0x66: {  	s8 =	smul.f32 s3, s3;
	v60 =	vld [tilespmem:s0+$0xFFFFFF80];
	s25 =	spop (v2sf);
	v9 =	vsub.f32 $1.500000000e+00, v9  }
0x67: {  	v1 =	vmul.f32 v0, v0;
	s13 =	smul.f32 $1.562500000e-02, s25  }
0x68: {  	v15 =	vmul.f32 v63, v63;
	v61 =	vld [tilespmem:s0+$0xFFFFFFA0];
	s1 =	smul.f32 $1.562500000e-02, s24;
	v9 =	vmul.f32 v8, v9  }
0x69: {  	s8 =	ssub.f32 s13, s8  }
0x6a: {  	v46 =	vmul.f32 v58, v58;
	v59 =	vld [tilespmem:s0+$0xFFFFFFE0];
	v55 =	vadd.f32 v15, v1;
	s23 =	smul.f32 s1, s1;
	s26 =	spop (v2sf);
	v10 =	vmul.f32 v9, v12  }
0x6b: {  	v15 =	vmul.f32 v62, v62;
	v52 =	vmul.f32 v60, v60;
	s13 =	smul.f32 $1.562500000e-02, s26;
	v8 =	vmov s8  }
0x6c: {  	v22 =	vadd.f32 v63, v0;
	s12 =	smul.f32 $1.562500000e-02, s11;
	v8 =	vadd.f32 $9.999999740e-06, v8;
	v10 =	vmul.f32 v10, v9  }
0x6d: {  	v0 =	vadd.f32 v15, v55;
	v57 =	vmul.f32 v61, v61;
	v46 =	vadd.f32 v46, v52;
	s13 =	ssub.f32 s13, s23  }
0x6e: {  	v56 =	vadd.f32 v58, v60;
	s11 =	smul.f32 s12, s12;
	s23 =	spop (v2sf);
	v13 =	vbroadcast v8, $0x0;
	v10 =	vsub.f32 $1.500000000e+00, v10  }
0x6f: {  	v55 =	vmul.f32 v59, v59;
	v46 =	vadd.f32 v57, v46;
	v8 =	vmov s13;
	s13 =	smul.f32 $1.562500000e-02, s23  }
0x70: {  	v17 =	vadd.f32 $9.999999740e-06, v8;
	v8 =	vld [tilespmem:s0+$0xFFFFFFC0];
	v18 =	vshra.s32 v13, $0x1;
	v39 =	vmul.f32 v10, v9  }
0x71: {  	s11 =	ssub.f32 s13, s11;
	v40 =	vmul.f32 $5.000000000e-01, v13;
	v10 =	vld [tilespmem:s0+$0xFFFFFFD0];
	v13 =	vadd.f32 v62, v22;
	v22 =	vmul.f32 v14, v14  }
0x72: {  	v41 =	vsub.s32 $0x5F3759DF, v18;
	v17 =	vbroadcast v17, $0x0;
	v18 =	vmul.f32 v39, v12  }
0x73: {  	v9 =	vld [tilespmem:s0+$0x0];
	v12 =	vmov s11;
	v13 =	vadd.f32 v14, v13;
	v22 =	vadd.f32 v22, v0  }
0x74: {  	v44 =	vmul.f32 v41, v40;
	v42 =	vadd.f32 $9.999999740e-06, v12;
	v48 =	vmul.f32 $5.000000000e-01, v17  }
0x75: {  	v12 =	vld [tilespmem:s0+$0x10];
	v45 =	vshra.s32 v17, $0x1;
	v43 =	vmul.f32 v18, v39;
	(xrf2) =	vadd.scan.msk.f32 $0xffff, v13;
	v47 =	vmul.f32 v8, v8  }
0x76: {  	v45 =	vsub.s32 $0x5F3759DF, v45;
	v44 =	vmul.f32 v41, v44;
	(xrf2) =	vadd.scan.msk.f32 $0xffff, v22;
	v49 =	vmul.f32 v10, v10  }
0x77: {  	v42 =	vbroadcast v42, $0x0;
	v50 =	vadd.f32 v10, v8;
	v22 =	vld [tilespmem:s0+$0xFFFFFFB0];
	v43 =	vsub.f32 $1.500000000e+00, v43  }
0x78: {  	v53 =	vmul.f32 v9, v9;
	v44 =	vsub.f32 $1.500000000e+00, v44;
	v47 =	vadd.f32 v49, v47  }
0x79: {  	v17 =	vld [tilespmem:s0+$0xFFFFFFF0];
	v50 =	vadd.f32 v59, v50;
	v0 =	vshra.s32 v42, $0x1;
	v39 =	vmul.f32 v43, v39  }
0x7a: {  	v13 =	vld [tilespmem:s0+$0x20];
	v42 =	vmul.f32 $5.000000000e-01, v42;
	v51 =	vadd.f32 v12, v9;
	v43 =	vadd.f32 v61, v56  }
0x7b: {  	v52 =	vsub.s32 $0x5F3759DF, v0;
	v49 =	vmul.f32 s10, v39;
	v16 =	vmul.f32 v39, v16  }
0x7c: {  	v56 =	vmul.f32 v45, v48;
	v57 =	vmul.f32 v52, v42;
	v43 =	vadd.f32 v22, v43  }
0x7d: {  	v0 =	vmul.f32 v12, v12;
	v3 =	vmul.f32 v22, v22;
	v54 =	vsub.f32 v16, v49;
	v16 =	vld [tilespmem:s0+$0x30]  }
0x7e: {  	v50 =	vadd.f32 v17, v50;
	v47 =	vadd.f32 v55, v47;
	v5 =	vmul.f32 v52, v57;
	(xrf2) =	vadd.scan.msk.f32 $0xffff, v43  }
0x7f: {  	v51 =	vadd.f32 v13, v51;
	v4 =	vmul.f32 v45, v56;
	v43 =	vadd.f32 v3, v46;
	v1, _, _ =	vpop (xrf2)  }
0x80: {  	v41 =	vmul.f32 v41, v44;
	v3 =	vsub.f32 $1.500000000e+00, v5;
	(v2sf) =	vpush v1, $0xF;
	v2, _, _ =	vpop (xrf2)  }
0x81: {  	v5 =	vmul.f32 v13, v13;
	v1 =	vsub.f32 $1.500000000e+00, v4;
	(v2sf) =	vpush v2, $0xF  }
0x82: {  	v4 =	vadd.f32 v0, v53;
	v2 =	vmul.f32 v17, v17;
	v51 =	vadd.f32 v16, v51  }
0x83: {  	v56 =	vmul.f32 v41, v40;
	(xrf2) =	vadd.scan.msk.f32 $0xffff, v50;
	v44 =	vmul.f32 v52, v3  }
0x84: {  	v50 =	vmul.f32 v16, v16;
	v55 =	vadd.f32 v2, v47;
	v47 =	vadd.f32 v5, v4;
	(xrf2) =	vadd.scan.msk.f32 $0xffff, v51  }
0x85: {  	v3 =	vld [tilespmem:$0x1FFB0];
	(xrf2) =	vadd.scan.msk.f32 $0xffff, v43;
	v43 =	vmul.f32 v45, v1;
	v45 =	vmul.f32 v56, v41  }
0x86: {  	v46 =	vmul.f32 v44, v42;
	v47 =	vadd.f32 v50, v47  }
0x87: {  	v4 =	vld [tilespmem:$0x1FFF0];
	(xrf2) =	vadd.scan.msk.f32 $0xffff, v55;
	v57 =	vmul.f32 v43, v48;
	v45 =	vsub.f32 $1.500000000e+00, v45  }
0x88: {  	v46 =	vmul.f32 v46, v44;
	v5, _, _ =	vpop (xrf2);
	(xrf2) =	vadd.scan.msk.f32 $0xffff, v47  }
0x89: {  	v57 =	vmul.f32 v57, v43;
	v41 =	vmul.f32 v45, v41  }
0x8a: {  	v38 =	vmul.f32 v39, v38;
	v56 =	vmul.f32 v54, v3;
	v0 =	vsub.f32 $1.500000000e+00, v46  }
0x8b: {  	v37 =	vmul.f32 v39, v37;
	(v2sf) =	vpush v5, $0xF;
	v40 =	vmul.f32 v41, v40  }
0x8c: {  	v51 =	vadd.f32 v56, v4;
	v44 =	vmul.f32 v0, v44;
	v0 =	vld [tilespmem:$0x1FF80];
	v56 =	vsub.f32 $1.500000000e+00, v57  }
0x8d: {  	v38 =	vsub.f32 v38, v49;
	v57, _, _ =	vpop (xrf2);
	v5 =	vmul.f32 v40, v41  }
0x8e: {  	v37 =	vsub.f32 v37, v49;
	v43 =	vmul.f32 v56, v43;
	(v2sf) =	vpush v57, $0xF;
	v1, _, _ =	vpop (xrf2)  }
0x8f: {  	v36 =	vmul.f32 v39, v36;
	(v2sf) =	vpush v1, $0xF;
	v2, _, _ =	vpop (xrf2);
	s24 =	spop (v2sf);
	v39 =	vsub.f32 $1.500000000e+00, v5  }
0x90: {  	v4 =	vmul.f32 v43, v48;
	v48 =	vmul.f32 v44, v42;
	v1 =	vld [tilespmem:$0x1FF90];
	s10 =	smul.f32 $1.562500000e-02, s24;
	(v2sf) =	vpush v2, $0xF;
	s25 =	spop (v2sf)  }
0x91: {  	v36 =	vsub.f32 v36, v49;
	v38 =	vmul.f32 v38, v0;
	v52, _, _ =	vpop (xrf2);
	v2 =	vld [tilespmem:$0x1FFA0];
	s11 =	smul.f32 $1.562500000e-02, s25;
	v39 =	vmul.f32 v39, v41  }
0x92: {  	v50 =	vmul.f32 v4, v43;
	v40 =	vmul.f32 v48, v44;
	(v2sf) =	vpush v52, $0xF;
	v53, _, _ =	vpop (xrf2);
	s26 =	smul.f32 s10, s10  }
0x93: {  	(v2sf) =	vpush v53, $0xF;
	v57 =	vmul.f32 s3, v39;
	v34 =	vmul.f32 v39, v34  }
0x94: {  	v4 =	vld [tilespmem:$0x1FFC0];
	v42 =	vsub.f32 $1.500000000e+00, v50;
	v31 =	vmul.f32 v39, v31;
	v35 =	vmul.f32 v39, v35;
	s11 =	ssub.f32 s11, s26  }
0x95: {  	v54 =	vld [tilespmem:$0x1FFD0];
	v40 =	vsub.f32 $1.500000000e+00, v40;
	v33 =	vmul.f32 v39, v33;
	v37 =	vmul.f32 v37, v1  }
0x96: {  	v36 =	vmul.f32 v36, v2;
	v42 =	vmul.f32 v42, v43;
	v55 =	vmov s11  }
0x97: {  	v40 =	vmul.f32 v40, v44;
	v34 =	vsub.f32 v34, v57;
	v56 =	vadd.f32 $9.999999740e-06, v55  }
0x98: {  	v50 =	vsub.f32 v31, v57;
	v43 =	vsub.f32 v33, v57;
	v52 =	vmul.f32 s1, v42  }
0x99: {  	v47 =	vld [tilespmem:$0x1FFE0];
	v38 =	vadd.f32 v38, v4;
	v29 =	vmul.f32 v42, v29;
	v49 =	vbroadcast v56, $0x0  }
0x9a: {  	v37 =	vadd.f32 v37, v54;
	s3 =	spop (v2sf);
	v28 =	vmul.f32 v42, v28;
	v30 =	vmul.f32 v42, v30  }
0x9b: {  	v32 =	vmul.f32 v42, v32;
	s3 =	smul.f32 $1.562500000e-02, s3;
	v31 =	vshra.s32 v49, $0x1;
	v39 =	vmul.f32 $5.000000000e-01, v49  }
0x9c: {  	v55 =	vmul.f32 s12, v40;
	v24 =	vmul.f32 v40, v24;
	v53 =	vsub.s32 $0x5F3759DF, v31  }
0x9d: {  	v54 =	vsub.f32 v35, v57;
	v25 =	vmul.f32 v40, v25;
	s12 =	smul.f32 s3, s3;
	s11 =	spop (v2sf);
	v31 =	vmul.f32 v53, v39  }
0x9e: {  	v48 =	vadd.f32 v36, v47;
	v27 =	vmul.f32 v40, v27;
	v56 =	vmul.f32 v40, v26;
	s1 =	smul.f32 $1.562500000e-02, s11;
	s23 =	spop (v2sf)  }
0x9f: {  	v57 =	vsub.f32 v29, v52;
	v35 =	vsub.f32 v28, v52;
	v26 =	vmul.f32 v53, v31;
	s25 =	spop (v2sf);
	s11 =	smul.f32 $1.562500000e-02, s23  }
0xa0: {  	v29 =	vmul.f32 v34, v0;
	v28 =	vsub.f32 v32, v52;
	v34 =	vsub.f32 v24, v55;
	s13 =	smul.f32 $1.562500000e-02, s25  }
0xa1: {  	v31 =	vsub.f32 v30, v52;
	s24 =	smul.f32 s1, s1;
	v30 =	vsub.f32 $1.500000000e+00, v26  }
0xa2: {  	[tilespmem:s2+$0x70] =	vst v51;
	v32 =	vsub.f32 v25, v55;
	v25 =	vsub.f32 v27, v55;
	s26 =	spop (v2sf);
	s8 =	ssub.f32 s13, s12  }
0xa3: {  	[tilespmem:s2+$0x40] =	vst v38;
	v27 =	vmul.f32 v43, v3;
	v33 =	vsub.f32 v56, v55;
	s25 =	smul.f32 $1.562500000e-02, s26;
	v36 =	vmul.f32 v53, v30  }
0xa4: {  	[tilespmem:s2+$0x50] =	vst v37;
	v26 =	vmul.f32 v50, v1;
	s23 =	smul.f32 s11, s11;
	s13 =	simm.s32 $0x4;
	v30 =	vmul.f32 v54, v2;
	v24 =	vmov s8  }
0xa5: {  	[tilespmem:s2+$0x60] =	vst v48;
	s24 =	ssub.f32 s25, s24;
	s25 =	spop (v2sf);
	s8 =	simm.s32 $0x6680;
	v37 =	vadd.f32 $9.999999740e-06, v24;
	v38 =	vmul.f32 v36, v39;
	v24 =	vmul.f32 v57, v0  }
.LBB2_3:
0xa6: {  	v49 =	vld [tilespmem:s8+$0x40]  }
0xa7: {  	[tilespmem:$0x1FF60] =	vst v12;
	v12 =	vmov v10;
	v10 =	vmov v8;
	v8 =	vld [tilespmem:$0x1FFC0]  }
0xa8: {  	v5 =	vld [tilespmem:$0x1FF90]  }
0xa9: {  	v6 =	vld [tilespmem:$0x1FFA0]  }
0xaa: {  	v7 =	vld [tilespmem:$0x1FFB0]  }
0xab: {  	v4 =	vld [tilespmem:$0x1FF80];
	v57 =	vmov s24  }
0xac: {  	v50 =	vld [tilespmem:s8+$0x50];
	v56 =	vbroadcast v37, $0x0;
	v37 =	vadd.f32 $9.999999740e-06, v57  }
0xad: {  	v51 =	vld [tilespmem:s8+$0x60];
	v38 =	vmul.f32 v38, v36  }
0xae: {  	v47 =	vmul.f32 $5.000000000e-01, v56;
	v37 =	vbroadcast v37, $0x0  }
0xaf: {  	s25 =	smul.f32 $1.562500000e-02, s25;
	v53 =	vld [tilespmem:s8+$0x70];
	v29 =	vadd.f32 v29, v8;
	v45 =	vmul.f32 v35, v5;
	v44 =	vmul.f32 v31, v6  }
0xb0: {  	v46 =	vmul.f32 v28, v7;
	v43 =	vmul.f32 v34, v4  }
0xb1: {  	s23 =	ssub.f32 s25, s23;
	v31 =	vld [tilespmem:s8+$0xFFFFFF90];
	v28 =	vshra.s32 v56, $0x1;
	v41 =	vmul.f32 v49, v49;
	[tilespmem:s2+$0xFFFFFF80] =	vst v29;
	v29 =	vsub.f32 $1.500000000e+00, v38  }
0xb2: {  	v34 =	vld [tilespmem:s8+$0xFFFFFFC0];
	v1 =	vadd.f32 v50, v49;
	v48 =	vmul.f32 v50, v50;
	v2 =	vmul.f32 v51, v51  }
0xb3: {  	v35 =	vld [tilespmem:s8+$0xFFFFFFD0];
	v52 =	vsub.s32 $0x5F3759DF, v28;
	v28 =	vmov s23;
	v40 =	vmul.f32 v29, v36  }
0xb4: {  	v15 =	vmovc v13;
	v13 =	vmovc v58;
	v58 =	vmul.f32 v53, v53;
	v0 =	vadd.f32 $9.999999740e-06, v28;
	v28 =	vshra.s32 v37, $0x1  }
0xb5: {  	v18 =	vmovc v16;
	v41 =	vadd.f32 v48, v41;
	v55 =	vsub.s32 $0x5F3759DF, v28;
	v28 =	vld [tilespmem:s8+$0x10];
	v39 =	vmul.f32 v40, v39  }
0xb6: {  	v19 =	vmovc v17;
	v17 =	vmovc v60;
	v21 =	vmov v62;
	v54 =	vmul.f32 v52, v47;
	v48 =	vmul.f32 $5.000000000e-01, v37;
	v42 =	vld [tilespmem:s8+$0xFFFFFF80]  }
0xb7: {  	v23 =	vmovc v22;
	v29 =	vld [tilespmem:s8+$0x0];
	v36 =	vadd.f32 v51, v1;
	v37 =	vadd.f32 v2, v41;
	v3 =	vmul.f32 v39, v40  }
0xb8: {  	v22 =	vmovc v63;
	v38 =	vld [tilespmem:s8+$0xFFFFFFE0];
	v60 =	vmul.f32 v34, v34;
	v62 =	vadd.f32 v35, v34;
	v63 =	vmul.f32 v35, v35  }
0xb9: {  	v16 =	vmovc v59;
	v20 =	vmovc v61;
	v57 =	vbroadcast v0, $0x0;
	v61 =	vadd.f32 v53, v36;
	v39 =	vld [tilespmem:s8+$0xFFFFFFA0];
	v59 =	vsub.f32 $1.500000000e+00, v3  }
0xba: {  	v56 =	vmul.f32 v31, v31;
	v36 =	vld [tilespmem:s8+$0x20];
	v58 =	vadd.f32 v58, v37;
	v60 =	vadd.f32 v63, v60  }
0xbb: {  	v41 =	vld [tilespmem:s8+$0xFFFFFFB0];
	v1 =	vadd.f32 v31, v42;
	v2 =	vmul.f32 v42, v42;
	v59 =	vmul.f32 v59, v40  }
0xbc: {  	(xrf2) =	vadd.scan.msk.f32 $0xffff, v61;
	v0 =	vmul.f32 v29, v29;
	v61 =	vadd.f32 v28, v29;
	v3 =	vmul.f32 v28, v28  }
0xbd: {  	(xrf2) =	vadd.scan.msk.f32 $0xffff, v58;
	v2 =	vadd.f32 v56, v2;
	v40 =	vld [tilespmem:s8+$0xFFFFFFF0];
	v58 =	vmul.f32 s10, v59;
	v63 =	vmul.f32 v59, v14  }
0xbe: {  	v11 =	vmovc v9;
	v9 =	vld [tilespmem:$0x1FFF0];
	v56 =	vadd.f32 v38, v62;
	v62 =	vmul.f32 v38, v38;
	v1 =	vadd.f32 v39, v1  }
0xbf: {  	v37 =	vld [tilespmem:s8+$0x30];
	v61 =	vadd.f32 v36, v61;
	v14 =	vmovc v53;
	v53 =	vmul.f32 v39, v39;
	v63 =	vsub.f32 v63, v58  }
0xc0: {  	v0 =	vadd.f32 v3, v0;
	v3 =	vmul.f32 v36, v36;
	v1 =	vadd.f32 v41, v1  }
0xc1: {  	v2 =	vadd.f32 v53, v2;
	v53 =	vmul.f32 v63, v7;
	v63 =	vmul.f32 v41, v41  }
0xc2: {  	v60 =	vadd.f32 v62, v60;
	v0 =	vadd.f32 v3, v0;
	v62 =	vmul.f32 v40, v40  }
0xc3: {  	(xrf2) =	vadd.scan.msk.f32 $0xffff, v1;
	v1 =	vadd.f32 v53, v9;
	v2 =	vadd.f32 v63, v2;
	v63 =	vmul.f32 v55, v48  }
0xc4: {  	v3 =	vmul.f32 v37, v37;
	v60 =	vadd.f32 v62, v60;
	v62 =	vshra.s32 v57, $0x1  }
0xc5: {  	v56 =	vadd.f32 v40, v56;
	v57 =	vmul.f32 $5.000000000e-01, v57;
	[tilespmem:s0+$0x70] =	vst v1;
	v1 =	vmul.f32 v55, v63;
	v63 =	vld [tilespmem:$0x1FF70]  }
0xc6: {  	v54 =	vmul.f32 v52, v54;
	v0 =	vadd.f32 v3, v0;
	v3 =	vsub.s32 $0x5F3759DF, v62;
	v53, _, _ =	vpop (xrf2)  }
0xc7: {  	v61 =	vadd.f32 v37, v61;
	(xrf2) =	vadd.scan.msk.f32 $0xffff, v56;
	v56 =	vmul.f32 v3, v57;
	(v2sf) =	vpush v53, $0xF;
	v62, _, _ =	vpop (xrf2)  }
0xc8: {  	v25 =	vmul.f32 v25, v7;
	(v2sf) =	vpush v62, $0xF;
	v62 =	vmovc v49;
	v49 =	vsub.f32 $1.500000000e+00, v54  }
0xc9: {  	(xrf2) =	vadd.scan.msk.f32 $0xffff, v61;
	v54 =	vmul.f32 v3, v56;
	v56 =	vmul.f32 v59, v22;
	v1 =	vsub.f32 $1.500000000e+00, v1  }
0xca: {  	v25 =	vadd.f32 v25, v9;
	v21 =	vmul.f32 v59, v21;
	v53 =	vmul.f32 v59, v63  }
0xcb: {  	v49 =	vmul.f32 v52, v49;
	v52 =	vsub.f32 v56, v58;
	v1 =	vmul.f32 v55, v1;
	v56 =	vld [tilespmem:$0x1FFD0]  }
0xcc: {  	v33 =	vmul.f32 v33, v5;
	(xrf2) =	vadd.scan.msk.f32 $0xffff, v2;
	v2 =	vsub.f32 v21, v58;
	v59 =	vsub.f32 $1.500000000e+00, v54  }
0xcd: {  	[tilespmem:$0x1FF70] =	vst v62;
	v55 =	vadd.f32 v46, v9;
	v63 =	vmovc v50;
	v62 =	vmov v51;
	v51 =	vmul.f32 v1, v48  }
0xce: {  	v61 =	vmul.f32 v49, v47;
	v50 =	vsub.f32 v53, v58;
	v3 =	vmul.f32 v3, v59;
	v58 =	vld [tilespmem:$0x1FFE0];
	v53, _, _ =	vpop (xrf2)  }
0xcf: {  	v21 =	vmul.f32 v51, v1;
	v51 =	vadd.f32 v24, v8;
	(xrf2) =	vadd.scan.msk.f32 $0xffff, v60;
	(v2sf) =	vpush v53, $0xF  }
0xd0: {  	v26 =	vadd.f32 v26, v56;
	v53 =	vmul.f32 v61, v49;
	v61 =	vmul.f32 v3, v57  }
0xd1: {  	v32 =	vmul.f32 v32, v6;
	[tilespmem:s2+$0x30] =	vst v25;
	v33 =	vadd.f32 v33, v56;
	v59 =	vsub.f32 $1.500000000e+00, v21  }
0xd2: {  	v60, _, _ =	vpop (xrf2);
	[tilespmem:s2+$0xFFFFFF90] =	vst v26;
	v26 =	vadd.f32 v27, v9;
	v27 =	vsub.f32 $1.500000000e+00, v53;
	v61 =	vmul.f32 v61, v3  }
0xd3: {  	(xrf2) =	vadd.scan.msk.f32 $0xffff, v0;
	(v2sf) =	vpush v60, $0xF;
	v60, _, _ =	vpop (xrf2);
	v30 =	vadd.f32 v30, v58;
	v0 =	vmul.f32 v59, v1  }
0xd4: {  	(v2sf) =	vpush v60, $0xF;
	[tilespmem:s2+$0xFFFFFFB0] =	vst v26;
	v27 =	vmul.f32 v27, v49;
	v61 =	vsub.f32 $1.500000000e+00, v61  }
0xd5: {  	v26 =	vadd.f32 v45, v56;
	[tilespmem:s2+$0xFFFFFFA0] =	vst v30;
	v30 =	vmul.f32 v50, v4;
	v53 =	vmul.f32 v0, v48  }
0xd6: {  	[tilespmem:s2+$0xFFFFFFF0] =	vst v55;
	v54 =	vadd.f32 v44, v58;
	v24 =	vmul.f32 v27, v47;
	v3 =	vmul.f32 v61, v3  }
0xd7: {  	v60 =	vadd.f32 v43, v8;
	v50 =	vmul.f32 v52, v5;
	v52, _, _ =	vpop (xrf2);
	[tilespmem:s2+$0xFFFFFFD0] =	vst v26;
	s23 =	spop (v2sf);
	v26 =	vmul.f32 v53, v0  }
0xd8: {  	[tilespmem:s2+$0xFFFFFFC0] =	vst v51;
	(v2sf) =	vpush v52, $0xF;
	s10 =	smul.f32 $1.562500000e-02, s23;
	s24 =	spop (v2sf);
	v24 =	vmul.f32 v24, v27;
	v59 =	vmul.f32 v3, v57  }
0xd9: {  	v2 =	vmul.f32 v2, v6;
	[tilespmem:s2+$0x10] =	vst v33;
	v32 =	vadd.f32 v32, v58;
	s23 =	smul.f32 $1.562500000e-02, s24;
	v26 =	vsub.f32 $1.500000000e+00, v26;
	v61, _, _ =	vpop (xrf2)  }
0xda: {  	[tilespmem:s2+$0xFFFFFFE0] =	vst v54;
	s25 =	smul.f32 s10, s10;
	v24 =	vsub.f32 $1.500000000e+00, v24;
	v45 =	vmul.f32 v59, v3;
	(v2sf) =	vpush v61, $0xF  }
0xdb: {  	[tilespmem:s2+$0x0] =	vst v60;
	v0 =	vmul.f32 v26, v0;
	v26 =	vadd.f32 v30, v8;
	v30 =	vadd.f32 v50, v56  }
0xdc: {  	v2 =	vadd.f32 v2, v58;
	[tilespmem:s2+$0x20] =	vst v32;
	s2 =	smov.u32 s0;
	s23 =	ssub.f32 s23, s25  }
0xdd: {  	v46 =	vmul.f32 v24, v27;
	v24 =	vsub.f32 $1.500000000e+00, v45;
	v27, _, _ =	vpop (xrf2);
	[tilespmem:s2+$0x50] =	vst v30;
	v30 =	vmul.f32 s1, v0  }
0xde: {  	v58 =	vmovc v31;
	v31 =	vmul.f32 v0, v10;
	v47 =	vmov s23;
	s26 =	spop (v2sf);
	(v2sf) =	vpush v27, $0xF  }
0xdf: {  	v50 =	vmul.f32 v0, v16;
	v3 =	vmul.f32 v24, v3;
	v24 =	vadd.f32 $9.999999740e-06, v47  }
0xe0: {  	v9 =	vld [tilespmem:$0x1FF60];
	[tilespmem:s2+$0x40] =	vst v26;
	v25 =	vmul.f32 s3, v46;
	v26 =	vmul.f32 v46, v13  }
0xe1: {  	v48 =	vmul.f32 v46, v20;
	v24 =	vbroadcast v24, $0x0  }
0xe2: {  	v1 =	vmul.f32 v46, v23;
	v55 =	vsub.f32 v31, v30;
	v27 =	vmul.f32 v46, v17  }
0xe3: {  	v61 =	vmovc v39;
	s3 =	smul.f32 $1.562500000e-02, s26;
	s25 =	spop (v2sf);
	v26 =	vsub.f32 v26, v25;
	v49 =	vshra.s32 v24, $0x1;
	v39 =	vmul.f32 $5.000000000e-01, v24  }
0xe4: {  	[tilespmem:s2+$0x60] =	vst v2;
	v52 =	vsub.f32 v48, v25;
	v53 =	vmul.f32 s11, v3;
	s1 =	smul.f32 $1.562500000e-02, s25;
	v2 =	vsub.s32 $0x5F3759DF, v49  }
0xe5: {  	v1 =	vsub.f32 v1, v25;
	v54 =	vmul.f32 v3, v9;
	s26 =	spop (v2sf);
	s12 =	smul.f32 s3, s3;
	v51 =	vmul.f32 v2, v39  }
0xe6: {  	v56 =	vmul.f32 v3, v15;
	v27 =	vsub.f32 v27, v25;
	v25 =	vmul.f32 v3, v11;
	s11 =	smul.f32 $1.562500000e-02, s26  }
0xe7: {  	s13 =	sadd.s32 $0x4, s13;
	v31 =	vsub.f32 v50, v30;
	v9 =	vmovc v29;
	v24 =	vmul.f32 v0, v12;
	s25 =	smul.f32 s1, s1;
	s26 =	spop (v2sf);
	v29 =	vmul.f32 v2, v51  }
0xe8: {  	p1 =	slt.u32 s13, $0x7C;
	v22 =	vmovc v41;
	v3 =	vmul.f32 v3, v18;
	v33 =	vsub.f32 v54, v53;
	v32 =	vsub.f32 v56, v53;
	s26 =	smul.f32 $1.562500000e-02, s26  }
.Ltmp0:
0xe9: {  	v8 =	vmovc v34;
	v10 =	vmovc v35;
	v0 =	vmul.f32 v0, v19;
	v35 =	vsub.f32 v24, v30;
	v24 =	vsub.f32 $1.500000000e+00, v29;
	(pc) =	sbr.rel @p1 .LBB2_3-.Ltmp0, $4  }
0xea: {  	v13 =	vmovc v36;
	v26 =	vmul.f32 v26, v5;
	v34 =	vsub.f32 v25, v53;
	v25 =	vsub.f32 v3, v53;
	s24 =	ssub.f32 s26, s12;
	s12 =	spop (v2sf)  }
0xeb: {  	v12 =	vmovc v28;
	v28 =	vsub.f32 v0, v30;
	v30 =	vmul.f32 v52, v6;
	s26 =	smul.f32 $1.562500000e-02, s12;
	v36 =	vmul.f32 v2, v24  }
0xec: {  	s0 =	smov.u32 s8;
	v60 =	vmovc v42;
	v59 =	vmovc v38;
	s23 =	smul.f32 s11, s11;
	v29 =	vmul.f32 v27, v4;
	v27 =	vmul.f32 v1, v7;
	v57 =	vmov s24  }
0xed: {  	s8 =	sadd.s32 $0x100, s8;
	v16 =	vmovc v37;
	v17 =	vmovc v40;
	v24 =	vmul.f32 v55, v4;
	v37 =	vadd.f32 $9.999999740e-06, v57;
	s24 =	ssub.f32 s26, s25;
	v38 =	vmul.f32 v36, v39;
	s25 =	spop (v2sf)  }
0xee: {  	v4 =	vld [tilespmem:$0x1FF90]  }
0xef: {  	v5 =	vld [tilespmem:$0x1FFA0];
	v0 =	vmul.f32 v38, v36  }
0xf0: {  	s8 =	smul.f32 $1.562500000e-02, s25;
	v6 =	vld [tilespmem:$0x1FFB0];
	v1 =	vmov s24;
	v3 =	vbroadcast v37, $0x0  }
0xf1: {  	v1 =	vadd.f32 $9.999999740e-06, v1;
	v0 =	vsub.f32 $1.500000000e+00, v0  }
0xf2: {  	s8 =	ssub.f32 s8, s23;
	v37 =	vshra.s32 v3, $0x1;
	v3 =	vmul.f32 $5.000000000e-01, v3  }
0xf3: {  	v1 =	vbroadcast v1, $0x0;
	v37 =	vsub.s32 $0x5F3759DF, v37;
	v0 =	vmul.f32 v0, v36  }
0xf4: {  	v51 =	vmov s8;
	v35 =	vmul.f32 v35, v4;
	v53 =	vmul.f32 v37, v3  }
0xf5: {  	v36 =	vadd.f32 $9.999999740e-06, v51;
	v31 =	vmul.f32 v31, v5;
	v28 =	vmul.f32 v28, v6  }
0xf6: {  	v52 =	vshra.s32 v1, $0x1;
	v1 =	vmul.f32 $5.000000000e-01, v1;
	v2 =	vmul.f32 v0, v39  }
0xf7: {  	v33 =	vmul.f32 v33, v4;
	v38 =	vsub.s32 $0x5F3759DF, v52;
	v39 =	vmul.f32 v37, v53  }
0xf8: {  	v41 =	vmul.f32 v38, v1;
	v2 =	vmul.f32 v2, v0  }
0xf9: {  	v32 =	vmul.f32 v32, v5;
	v36 =	vbroadcast v36, $0x0;
	v39 =	vsub.f32 $1.500000000e+00, v39  }
0xfa: {  	v7 =	vld [tilespmem:$0x1FF70];
	v25 =	vmul.f32 v25, v6;
	v41 =	vmul.f32 v38, v41;
	v2 =	vsub.f32 $1.500000000e+00, v2  }
0xfb: {  	v54 =	vshra.s32 v36, $0x1;
	v36 =	vmul.f32 $5.000000000e-01, v36;
	v37 =	vmul.f32 v37, v39  }
0xfc: {  	v57 =	vld [tilespmem:$0x1FFF0];
	v41 =	vsub.f32 $1.500000000e+00, v41;
	v0 =	vmul.f32 v2, v0;
	v2 =	vsub.s32 $0x5F3759DF, v54  }
0xfd: {  	v39 =	vmul.f32 v37, v3;
	v42 =	vmul.f32 v2, v36  }
0xfe: {  	v38 =	vmul.f32 v38, v41;
	v40 =	vmul.f32 s10, v0  }
0xff: {  	v23 =	vmul.f32 v0, v14;
	v21 =	vmul.f32 v0, v7  }
0x100: {  	v54 =	vld [tilespmem:$0x1FF80];
	v19 =	vmul.f32 v39, v37;
	v42 =	vmul.f32 v2, v42  }
0x101: {  	v27 =	vadd.f32 v27, v57;
	v20 =	vmul.f32 v0, v63;
	v41 =	vmul.f32 v38, v1  }
0x102: {  	v7 =	vld [tilespmem:$0x1FFC0];
	v0 =	vmul.f32 v0, v62;
	v19 =	vsub.f32 $1.500000000e+00, v19;
	v42 =	vsub.f32 $1.500000000e+00, v42  }
0x103: {  	v23 =	vsub.f32 v23, v40;
	v21 =	vsub.f32 v21, v40;
	v55 =	vmul.f32 v41, v38  }
0x104: {  	v20 =	vsub.f32 v20, v40;
	v19 =	vmul.f32 v19, v37;
	v2 =	vmul.f32 v2, v42  }
0x105: {  	v0 =	vsub.f32 v0, v40;
	v34 =	vmul.f32 v34, v54;
	v23 =	vmul.f32 v23, v6  }
0x106: {  	v39 =	vsub.f32 $1.500000000e+00, v55;
	v55 =	vld [tilespmem:$0x1FFD0];
	v3 =	vmul.f32 v19, v3;
	v42 =	vmul.f32 v2, v36  }
0x107: {  	v21 =	vmul.f32 v21, v54;
	v20 =	vmul.f32 v20, v4;
	v29 =	vadd.f32 v29, v7  }
0x108: {  	v24 =	vadd.f32 v24, v7;
	v3 =	vmul.f32 v3, v19;
	v56 =	vmul.f32 v42, v2  }
0x109: {  	v23 =	vadd.f32 v23, v57;
	v21 =	vadd.f32 v21, v7;
	v63 =	vmul.f32 v39, v38  }
0x10a: {  	v0 =	vmul.f32 v0, v5;
	v3 =	vsub.f32 $1.500000000e+00, v3;
	v62 =	vsub.f32 $1.500000000e+00, v56;
	v56 =	vld [tilespmem:$0x1FFE0];
	[tilespmem:s2+$0xFFFFFF80] =	vst v29  }
0x10b: {  	v1 =	vmul.f32 v63, v1;
	v26 =	vadd.f32 v26, v55;
	v20 =	vadd.f32 v20, v55;
	[tilespmem:s0+$0x70] =	vst v23  }
0x10c: {  	v29 =	vadd.f32 v35, v55;
	v23 =	vadd.f32 v28, v57;
	[tilespmem:s2+$0xFFFFFFB0] =	vst v27;
	v3 =	vmul.f32 v3, v19  }
0x10d: {  	v1 =	vmul.f32 v1, v63;
	v27 =	vadd.f32 v33, v55;
	[tilespmem:s2+$0xFFFFFFC0] =	vst v24;
	v2 =	vmul.f32 v62, v2  }
0x10e: {  	[tilespmem:s2+$0xFFFFFF90] =	vst v26;
	v26 =	vadd.f32 v34, v7;
	v24 =	vmul.f32 s3, v3;
	v15 =	vmul.f32 v3, v60  }
0x10f: {  	v1 =	vsub.f32 $1.500000000e+00, v1;
	v11 =	vmul.f32 v3, v58;
	v18 =	vmul.f32 v3, v61  }
0x110: {  	[tilespmem:s0+$0x40] =	vst v21;
	v19 =	vadd.f32 v25, v57;
	v3 =	vmul.f32 v3, v22;
	v36 =	vmul.f32 v2, v36  }
0x111: {  	[tilespmem:s0+$0x50] =	vst v20;
	v1 =	vmul.f32 v1, v63;
	v30 =	vadd.f32 v30, v56;
	v31 =	vadd.f32 v31, v56  }
0x112: {  	[tilespmem:s2+$0xFFFFFFD0] =	vst v29;
	v0 =	vadd.f32 v0, v56;
	v15 =	vsub.f32 v15, v24;
	v28 =	vmul.f32 v36, v2  }
0x113: {  	[tilespmem:s2+$0xFFFFFFF0] =	vst v23;
	v11 =	vsub.f32 v11, v24;
	v22 =	vmul.f32 s1, v1;
	v8 =	vmul.f32 v1, v8  }
0x114: {  	[tilespmem:s2+$0x10] =	vst v27;
	v3 =	vsub.f32 v3, v24;
	v10 =	vmul.f32 v1, v10;
	v14 =	vmul.f32 v1, v59  }
0x115: {  	v1 =	vmul.f32 v1, v17;
	v17 =	vsub.f32 v18, v24;
	[tilespmem:s2+$0xFFFFFFA0] =	vst v30;
	v30 =	vadd.f32 v32, v56  }
0x116: {  	[tilespmem:s2+$0x0] =	vst v26;
	v15 =	vmul.f32 v15, v54;
	v11 =	vmul.f32 v11, v4;
	v28 =	vsub.f32 $1.500000000e+00, v28  }
0x117: {  	[tilespmem:s2+$0x30] =	vst v19;
	v3 =	vmul.f32 v3, v6;
	v8 =	vsub.f32 v8, v22;
	v10 =	vsub.f32 v10, v22  }
0x118: {  	[tilespmem:s2+$0xFFFFFFE0] =	vst v31;
	v17 =	vmul.f32 v17, v5;
	v36 =	vsub.f32 v14, v22;
	v1 =	vsub.f32 v1, v22  }
0x119: {  	[tilespmem:s0+$0x60] =	vst v0;
	v15 =	vadd.f32 v15, v7;
	v2 =	vmul.f32 v28, v2;
	v8 =	vmul.f32 v8, v54  }
0x11a: {  	[tilespmem:s2+$0x20] =	vst v30;
	v11 =	vadd.f32 v11, v55;
	v10 =	vmul.f32 v10, v4;
	v0 =	vmul.f32 v36, v5  }
0x11b: {  	v3 =	vadd.f32 v3, v57;
	[tilespmem:s0+$0xFFFFFF80] =	vst v15;
	v18 =	vmul.f32 s11, v2;
	v9 =	vmul.f32 v2, v9  }
0x11c: {  	v14 =	vadd.f32 v17, v56;
	v1 =	vmul.f32 v1, v6;
	[tilespmem:s0+$0xFFFFFF90] =	vst v11;
	v12 =	vmul.f32 v2, v12  }
0x11d: {  	[tilespmem:s0+$0xFFFFFFB0] =	vst v3;
	v13 =	vmul.f32 v2, v13;
	v8 =	vadd.f32 v8, v7;
	v9 =	vsub.f32 v9, v18  }
0x11e: {  	v2 =	vmul.f32 v2, v16;
	[tilespmem:s0+$0xFFFFFFA0] =	vst v14;
	v37 =	vadd.f32 v10, v55;
	v11 =	vsub.f32 v12, v18  }
0x11f: {  	v0 =	vadd.f32 v0, v56;
	v10 =	vsub.f32 v13, v18;
	[tilespmem:s0+$0xFFFFFFC0] =	vst v8;
	v9 =	vmul.f32 v9, v54  }
0x120: {  	v1 =	vadd.f32 v1, v57;
	v2 =	vsub.f32 v2, v18;
	[tilespmem:s0+$0xFFFFFFD0] =	vst v37;
	v8 =	vmul.f32 v11, v4  }
0x121: {  	[tilespmem:s0+$0xFFFFFFE0] =	vst v0;
	v38 =	vmul.f32 v10, v5;
	v39 =	vadd.f32 v9, v7  }
0x122: {  	[tilespmem:s0+$0xFFFFFFF0] =	vst v1;
	v2 =	vmul.f32 v2, v6;
	v8 =	vadd.f32 v8, v55  }
0x123: {  	s2 =	sshll.u32 s29, $0xF;
	v40 =	vadd.f32 v38, v56;
	[tilespmem:s0+$0x0] =	vst v39  }
0x124: {  	s11 =	sadd.s32 s6, s2;
	v41 =	vadd.f32 v2, v57;
	[tilespmem:s0+$0x10] =	vst v8  }
0x125: {  	s1 =	sshrl.u32 s11, $0x3;
	[tilespmem:s0+$0x20] =	vst v40  }
0x126: {  	s12 =	sadd.s32 s4, s1;
	[tilespmem:s0+$0x30] =	vst v41;
	s0 =	simm.s32 @!p0 $0x8  }
0x127: {  	[hbm4b:s12+s5] =	stream.linear.scatter [tilespmem:s15], [sflag:$0x5], $0x2000, $0x38;
	[tilespmem:$0xE480] =	vst v63  }
0x128: {  	s31 =	sor.u32 $0x3, s31;
	_ =	swait.ge @!p0 [sflag:s0], $0x2000  }
0x129: {  	s13 =	sshll.u32 s31, $0x7;
	[sflag:s0] =	ssyncset.done @!p0 $0x0  }
0x12a: {  	s23 =	sand.u32 $0x3FFFFF80, s13;
	[sflag:s0] =	ssyncadd.s32 @!p0 $0xFFFFE000  }
0x12b: {  	[tilespmem:s19], [sflag:$0x4] =	stream.indirect.gather [hbm4b:s7+s14], $0x40, s23, s14, $0xb8;
	[tilespmem:$0xE480] =	vst v63  }
0x12c: {  	_ =	swait.ge [sflag:s20], $0x2000  }
0x12d: {  	[sflag:s20] =	ssyncset.done $0x0  }
0x12e: {  	s0 =	simm.s32 $0x8480;
	[sflag:s20] =	ssyncadd.s32 $0xFFFFE000  }
0x12f: {  	v38 =	vld [tilespmem:s0+$0x40]  }
0x130: {  	v37 =	vld [tilespmem:s0+$0x50];
	_ =	sdelay $0x1  }
0x131: {  	v36 =	vld [tilespmem:s0+$0x60];
	_ =	sdelay $0x1  }
0x132: {  	v16 =	vld [tilespmem:s0+$0x70]  }
0x133: {  	v42 =	vmul.f32 v38, v38;
	v43 =	vmul.f32 v37, v37  }
0x134: {  	v44 =	vadd.f32 v37, v38  }
0x135: {  	v45 =	vmul.f32 v36, v36;
	v0 =	vadd.f32 v43, v42  }
0x136: {  	v2 =	vadd.f32 v36, v44  }
0x137: {  	v46 =	vmul.f32 v16, v16;
	v0 =	vadd.f32 v45, v0  }
0x138: {  	v31 =	vld [tilespmem:s0+$0xFFFFFF90];
	v2 =	vadd.f32 v16, v2  }
0x139: {  	v29 =	vld [tilespmem:s0+$0xFFFFFFC0];
	v0 =	vadd.f32 v46, v0  }
0x13a: {  	v28 =	vld [tilespmem:s0+$0xFFFFFFD0];
	(xrf2) =	vadd.scan.msk.f32 $0xffff, v2  }
0x13b: {  	v24 =	vld [tilespmem:s0+$0x0];
	(xrf2) =	vadd.scan.msk.f32 $0xffff, v0  }
0x13c: {  	v34 =	vld [tilespmem:s0+$0xFFFFFF80]  }
0x13d: {  	v26 =	vld [tilespmem:s0+$0x10]  }
0x13e: {  	v35 =	vld [tilespmem:s0+$0xFFFFFFA0]  }
0x13f: {  	v25 =	vld [tilespmem:s0+$0x20]  }
0x140: {  	v30 =	vld [tilespmem:s0+$0xFFFFFFE0]  }
0x141: {  	v33 =	vld [tilespmem:s0+$0xFFFFFFB0];
	v48 =	vmul.f32 v31, v31;
	v50 =	vmul.f32 v34, v34  }
0x142: {  	v32 =	vld [tilespmem:s0+$0xFFFFFFF0];
	v47 =	vadd.f32 v31, v34;
	v8 =	vadd.f32 v26, v24  }
0x143: {  	v27 =	vld [tilespmem:s0+$0x30];
	v49 =	vadd.f32 v28, v29;
	v1 =	vadd.f32 v48, v50  }
0x144: {  	v9 =	vmul.f32 v29, v29;
	v8 =	vadd.f32 v25, v8;
	v0 =	vadd.f32 v35, v47;
	v51, _, _ =	vpop (xrf2)  }
0x145: {  	v10 =	vmul.f32 v35, v35;
	v2 =	vadd.f32 v30, v49;
	(v2sf) =	vpush v51, $0xF;
	v52, _, _ =	vpop (xrf2)  }
0x146: {  	v11 =	vmul.f32 v28, v28;
	v0 =	vadd.f32 v33, v0;
	(v2sf) =	vpush v52, $0xF  }
0x147: {  	v53 =	vmul.f32 v33, v33;
	v1 =	vadd.f32 v10, v1;
	v2 =	vadd.f32 v32, v2  }
0x148: {  	v8 =	vadd.f32 v27, v8;
	(xrf2) =	vadd.scan.msk.f32 $0xffff, v0  }
0x149: {  	v58 =	vadd.f32 v11, v9;
	v9 =	vmul.f32 v30, v30;
	v1 =	vadd.f32 v53, v1;
	(xrf2) =	vadd.scan.msk.f32 $0xffff, v2  }
0x14a: {  	v59 =	vmul.f32 v32, v32;
	(xrf2) =	vadd.scan.msk.f32 $0xffff, v8  }
0x14b: {  	v60 =	vmul.f32 v24, v24;
	v61 =	vmul.f32 v26, v26;
	v0 =	vadd.f32 v9, v58;
	(xrf2) =	vadd.scan.msk.f32 $0xffff, v1;
	_ =	sdelay $0x1  }
0x14c: {  	v62 =	vmul.f32 v25, v25;
	v0 =	vadd.f32 v59, v0;
	v1 =	vadd.f32 v61, v60;
	_ =	sdelay $0x1  }
0x14d: {  	v39 =	vmul.f32 v27, v27;
	(xrf2) =	vadd.scan.msk.f32 $0xffff, v0;
	v63 =	vadd.f32 v62, v1;
	_ =	sdelay $0x1  }
0x14e: {  	v0 =	vadd.f32 v39, v63  }
0x14f: {  	v40, _, _ =	vpop (xrf2)  }
0x150: {  	(v2sf) =	vpush v40, $0xF;
	v41, _, _ =	vpop (xrf2);
	(xrf2) =	vadd.scan.msk.f32 $0xffff, v0  }
0x151: {  	(v2sf) =	vpush v41, $0xF;
	v42, _, _ =	vpop (xrf2);
	s24 =	spop (v2sf)  }
0x152: {  	v43, _, _ =	vpop (xrf2);
	(v2sf) =	vpush v42, $0xF;
	s11 =	smul.f32 $1.562500000e-02, s24;
	s25 =	spop (v2sf)  }
0x153: {  	(v2sf) =	vpush v43, $0xF;
	s1 =	smul.f32 $1.562500000e-02, s25  }
0x154: {  	s26 =	smul.f32 s11, s11;
	_ =	sdelay $0x1  }
0x155: {  	v44, _, _ =	vpop (xrf2);
	s1 =	ssub.f32 s1, s26  }
0x156: {  	(v2sf) =	vpush v44, $0xF  }
0x157: {  	v45 =	vmov s1  }
0x158: {  	v0 =	vadd.f32 $9.999999740e-06, v45  }
0x159: {  	v46, _, _ =	vpop (xrf2)  }
0x15a: {  	(v2sf) =	vpush v46, $0xF;
	v0 =	vbroadcast v0, $0x0  }
0x15b: {  	s1 =	simm.s32 $0x8580  }
0x15c: {  	v11 =	vld [tilespmem:s1+$0x40];
	v47 =	vshra.s32 v0, $0x1;
	v0 =	vmul.f32 $5.000000000e-01, v0  }
0x15d: {  	v63 =	vld [tilespmem:s1+$0x50];
	v1 =	vsub.s32 $0x5F3759DF, v47  }
0x15e: {  	s8 =	spop (v2sf);
	v48 =	vmul.f32 v1, v0  }
0x15f: {  	s8 =	smul.f32 $1.562500000e-02, s8;
	s10 =	spop (v2sf)  }
0x160: {  	v62 =	vld [tilespmem:s1+$0x60];
	s13 =	spop (v2sf);
	v2 =	vmul.f32 v1, v48  }
0x161: {  	v18 =	vld [tilespmem:s1+$0x70];
	s12 =	smul.f32 s8, s8;
	s23 =	spop (v2sf)  }
0x162: {  	v58 =	vld [tilespmem:s1+$0xFFFFFF90];
	v9 =	vmul.f32 v11, v11;
	v10 =	vmul.f32 v63, v63;
	[tilespmem:$0x1FF50] =	vst v11;
	s24 =	smul.f32 $1.562500000e-02, s23;
	v2 =	vsub.f32 $1.500000000e+00, v2  }
0x163: {  	s3 =	smul.f32 $1.562500000e-02, s10;
	v60 =	vld [tilespmem:s1+$0xFFFFFF80]  }
0x164: {  	v51 =	vadd.f32 v10, v9;
	v10 =	vld [tilespmem:s1+$0xFFFFFFD0];
	s10 =	ssub.f32 s24, s12;
	v1 =	vmul.f32 v1, v2  }
0x165: {  	s25 =	smul.f32 s3, s3;
	s26 =	spop (v2sf)  }
0x166: {  	v61 =	vld [tilespmem:s1+$0xFFFFFFA0];
	s23 =	smul.f32 $1.562500000e-02, s26;
	v49 =	vmov s10;
	v50 =	vmul.f32 v1, v0  }
0x167: {  	v15 =	vmul.f32 v62, v62;
	v53 =	vmul.f32 v58, v58;
	v2 =	vadd.f32 $9.999999740e-06, v49  }
0x168: {  	v48 =	vmul.f32 v60, v60;
	s23 =	ssub.f32 s23, s25;
	v3 =	vmul.f32 v50, v1  }
0x169: {  	v11 =	vadd.f32 v63, v11;
	v45 =	vmul.f32 v10, v10;
	s10 =	smul.f32 $1.562500000e-02, s13;
	s12 =	spop (v2sf);
	v2 =	vbroadcast v2, $0x0  }
0x16a: {  	v42 =	vadd.f32 v53, v48;
	v8 =	vmov s23;
	s23 =	smul.f32 $1.562500000e-02, s12;
	v3 =	vsub.f32 $1.500000000e+00, v3  }
0x16b: {  	v48 =	vmul.f32 v61, v61;
	s13 =	smul.f32 s10, s10;
	v12 =	vadd.f32 $9.999999740e-06, v8;
	v13 =	vshra.s32 v2, $0x1  }
0x16c: {  	v59 =	vld [tilespmem:s1+$0xFFFFFFE0];
	v1 =	vmul.f32 v3, v1;
	v39 =	vsub.s32 $0x5F3759DF, v13;
	v13 =	vadd.f32 v62, v11  }
0x16d: {  	v42 =	vadd.f32 v48, v42;
	v8 =	vld [tilespmem:s1+$0xFFFFFFC0];
	s13 =	ssub.f32 s23, s13;
	v3 =	vadd.f32 v15, v51;
	v11 =	vmul.f32 v18, v18  }
0x16e: {  	v17 =	vbroadcast v12, $0x0;
	v0 =	vmul.f32 v1, v0;
	v13 =	vadd.f32 v18, v13  }
0x16f: {  	v2 =	vmul.f32 $5.000000000e-01, v2;
	v12 =	vmov s13;
	v3 =	vadd.f32 v11, v3  }
0x170: {  	v41 =	vmul.f32 $5.000000000e-01, v17;
	v22 =	vadd.f32 $9.999999740e-06, v12;
	v0 =	vmul.f32 v0, v1;
	(xrf2) =	vadd.scan.msk.f32 $0xffff, v13  }
0x171: {  	v52 =	vshra.s32 v17, $0x1;
	v17 =	vld [tilespmem:s1+$0xFFFFFFF0];
	v51 =	vmul.f32 v59, v59;
	v40 =	vmul.f32 v39, v2;
	(xrf2) =	vadd.scan.msk.f32 $0xffff, v3  }
0x172: {  	v46 =	vadd.f32 v10, v8;
	v43 =	vbroadcast v22, $0x0;
	v22 =	vld [tilespmem:s1+$0xFFFFFFB0];
	v0 =	vsub.f32 $1.500000000e+00, v0  }
0x173: {  	v9 =	vld [tilespmem:s1+$0x0];
	v44 =	vmul.f32 v8, v8;
	v3 =	vsub.s32 $0x5F3759DF, v52;
	v52 =	vadd.f32 v58, v60  }
0x174: {  	v12 =	vld [tilespmem:s1+$0x10];
	v46 =	vadd.f32 v59, v46;
	v40 =	vmul.f32 v39, v40;
	v0 =	vmul.f32 v0, v1  }
0x175: {  	v48 =	vshra.s32 v43, $0x1;
	v43 =	vmul.f32 $5.000000000e-01, v43;
	v1 =	vadd.f32 v61, v52  }
0x176: {  	v44 =	vadd.f32 v45, v44;
	v13 =	vld [tilespmem:s1+$0x20];
	v45 =	vmul.f32 s11, v0;
	v16 =	vmul.f32 v0, v16  }
0x177: {  	v46 =	vadd.f32 v17, v46;
	v48 =	vsub.s32 $0x5F3759DF, v48;
	v1 =	vadd.f32 v22, v1  }
0x178: {  	v40 =	vsub.f32 $1.500000000e+00, v40;
	v53 =	vmul.f32 v48, v43;
	v50 =	vsub.f32 v16, v45;
	v16 =	vld [tilespmem:s1+$0x30]  }
0x179: {  	v47 =	vadd.f32 v12, v9;
	(xrf2) =	vadd.scan.msk.f32 $0xffff, v1  }
0x17a: {  	v44 =	vadd.f32 v51, v44;
	v39 =	vmul.f32 v39, v40;
	(xrf2) =	vadd.scan.msk.f32 $0xffff, v46;
	v46 =	vmul.f32 v48, v53;
	v51, _, _ =	vpop (xrf2)  }
0x17b: {  	v52 =	vmul.f32 v3, v41;
	v47 =	vadd.f32 v13, v47;
	(v2sf) =	vpush v51, $0xF;
	v51, _, _ =	vpop (xrf2)  }
0x17c: {  	v1 =	vmul.f32 v22, v22;
	v40 =	vsub.f32 $1.500000000e+00, v46;
	(v2sf) =	vpush v51, $0xF  }
0x17d: {  	v49 =	vmul.f32 v9, v9;
	v51 =	vmul.f32 v3, v52;
	v47 =	vadd.f32 v16, v47  }
0x17e: {  	v1 =	vadd.f32 v1, v42;
	v52 =	vmul.f32 v12, v12;
	v40 =	vmul.f32 v48, v40  }
0x17f: {  	v46 =	vmul.f32 v16, v16;
	v42 =	vsub.f32 $1.500000000e+00, v51;
	v51 =	vmul.f32 v17, v17;
	(xrf2) =	vadd.scan.msk.f32 $0xffff, v47  }
0x180: {  	v53 =	vadd.f32 v52, v49;
	v49 =	vmul.f32 v13, v13;
	v52 =	vmul.f32 v39, v2;
	(xrf2) =	vadd.scan.msk.f32 $0xffff, v1  }
0x181: {  	v1 =	vmul.f32 v3, v42;
	v51 =	vadd.f32 v51, v44;
	v42 =	vmul.f32 v40, v43  }
0x182: {  	v44 =	vadd.f32 v49, v53;
	v3 =	vmul.f32 v52, v39;
	v52 =	vmul.f32 v50, v6  }
0x183: {  	(xrf2) =	vadd.scan.msk.f32 $0xffff, v51;
	v42 =	vmul.f32 v42, v40  }
0x184: {  	v53 =	vmul.f32 v1, v41;
	v44 =	vadd.f32 v46, v44;
	v3 =	vsub.f32 $1.500000000e+00, v3  }
0x185: {  	v38 =	vmul.f32 v0, v38;
	v37 =	vmul.f32 v0, v37;
	v48 =	vsub.f32 $1.500000000e+00, v42  }
0x186: {  	v47 =	vadd.f32 v52, v57;
	v53 =	vmul.f32 v53, v1;
	v52, _, _ =	vpop (xrf2);
	(xrf2) =	vadd.scan.msk.f32 $0xffff, v44;
	v3 =	vmul.f32 v3, v39  }
0x187: {  	v0 =	vmul.f32 v0, v36;
	v57, _, _ =	vpop (xrf2);
	(v2sf) =	vpush v52, $0xF;
	v39 =	vmul.f32 v48, v40  }
0x188: {  	v53 =	vsub.f32 $1.500000000e+00, v53;
	(v2sf) =	vpush v57, $0xF;
	v2 =	vmul.f32 v3, v2  }
0x189: {  	v38 =	vsub.f32 v38, v45;
	v37 =	vsub.f32 v37, v45;
	v52 =	vmul.f32 v39, v43;
	v49, _, _ =	vpop (xrf2)  }
0x18a: {  	v1 =	vmul.f32 v53, v1;
	v2 =	vmul.f32 v2, v3;
	(v2sf) =	vpush v49, $0xF;
	v50, _, _ =	vpop (xrf2);
	s23 =	spop (v2sf)  }
0x18b: {  	v0 =	vsub.f32 v0, v45;
	v36 =	vmul.f32 v52, v39;
	s23 =	smul.f32 $1.562500000e-02, s23;
	(v2sf) =	vpush v50, $0xF;
	s24 =	spop (v2sf)  }
0x18c: {  	v38 =	vmul.f32 v38, v54;
	v51 =	vmul.f32 v1, v41;
	v2 =	vsub.f32 $1.500000000e+00, v2;
	s11 =	smul.f32 $1.562500000e-02, s24  }
0x18d: {  	v37 =	vmul.f32 v37, v4;
	v0 =	vmul.f32 v0, v5;
	v53, _, _ =	vpop (xrf2);
	v57 =	vsub.f32 $1.500000000e+00, v36;
	s25 =	smul.f32 s23, s23  }
0x18e: {  	v40 =	vmul.f32 v51, v1;
	v2 =	vmul.f32 v2, v3;
	(v2sf) =	vpush v53, $0xF  }
0x18f: {  	v38 =	vadd.f32 v38, v7;
	v37 =	vadd.f32 v37, v55;
	v3 =	vmul.f32 v57, v39;
	s11 =	ssub.f32 s11, s25  }
0x190: {  	v40 =	vsub.f32 $1.500000000e+00, v40;
	v44, _, _ =	vpop (xrf2);
	v48 =	vmul.f32 s8, v2;
	v34 =	vmul.f32 v2, v34  }
0x191: {  	v31 =	vmul.f32 v2, v31;
	(v2sf) =	vpush v44, $0xF;
	v45 =	vmov s11  }
0x192: {  	v35 =	vmul.f32 v2, v35;
	v2 =	vmul.f32 v2, v33;
	v46 =	vadd.f32 $9.999999740e-06, v45  }
0x193: {  	v0 =	vadd.f32 v0, v56;
	v1 =	vmul.f32 v40, v1;
	v53 =	vmul.f32 s10, v3  }
0x194: {  	v34 =	vsub.f32 v34, v48;
	v24 =	vmul.f32 v3, v24;
	v36 =	vbroadcast v46, $0x0  }
0x195: {  	v49 =	vsub.f32 v31, v48;
	v55 =	vmul.f32 v3, v26;
	v25 =	vmul.f32 v3, v25  }
0x196: {  	v3 =	vmul.f32 v3, v27;
	s26 =	spop (v2sf);
	v31 =	vshra.s32 v36, $0x1;
	v39 =	vmul.f32 $5.000000000e-01, v36  }
0x197: {  	v50 =	vmul.f32 s3, v1;
	v29 =	vmul.f32 v1, v29;
	s11 =	smul.f32 $1.562500000e-02, s26;
	s8 =	spop (v2sf);
	v51 =	vsub.s32 $0x5F3759DF, v31  }
0x198: {  	v52 =	vsub.f32 v35, v48;
	v28 =	vmul.f32 v1, v28;
	s3 =	smul.f32 $1.562500000e-02, s8;
	v31 =	vmul.f32 v51, v39  }
0x199: {  	v2 =	vsub.f32 v2, v48;
	v30 =	vmul.f32 v1, v30;
	v1 =	vmul.f32 v1, v32;
	s8 =	smul.f32 s11, s11;
	s12 =	spop (v2sf)  }
0x19a: {  	v33 =	vsub.f32 v55, v53;
	v32 =	vsub.f32 v25, v53;
	s25 =	smul.f32 s3, s3;
	v26 =	vmul.f32 v51, v31;
	s24 =	spop (v2sf)  }
0x19b: {  	v25 =	vsub.f32 v3, v53;
	v56 =	vsub.f32 v29, v50;
	s26 =	smul.f32 $1.562500000e-02, s24  }
0x19c: {  	v35 =	vsub.f32 v28, v50;
	s13 =	smul.f32 $1.562500000e-02, s12;
	v27 =	vsub.f32 $1.500000000e+00, v26  }
0x19d: {  	[tilespmem:s0+$0x40] =	vst v38;
	v29 =	vmul.f32 v34, v54;
	v28 =	vsub.f32 v1, v50;
	v34 =	vsub.f32 v24, v53;
	s12 =	ssub.f32 s26, s8;
	s26 =	spop (v2sf)  }
0x19e: {  	[tilespmem:s0+$0x50] =	vst v37;
	v24 =	vmul.f32 v56, v54;
	v31 =	vsub.f32 v30, v50;
	s26 =	smul.f32 $1.562500000e-02, s26;
	v36 =	vmul.f32 v51, v27  }
0x19f: {  	[tilespmem:s0+$0x60] =	vst v0;
	s10 =	simm.s32 $0x8680;
	v30 =	vmul.f32 v52, v5;
	v26 =	vmul.f32 v49, v4;
	s24 =	smul.f32 s13, s13;
	v57 =	vmov s12  }
0x1a0: {  	v14 =	vmovc v18;
	[tilespmem:s0+$0x70] =	vst v47;
	s8 =	simm.s32 $0x4;
	v27 =	vmul.f32 v2, v6;
	v37 =	vadd.f32 $9.999999740e-06, v57;
	s25 =	ssub.f32 s26, s25;
	v38 =	vmul.f32 v36, v39;
	s26 =	spop (v2sf)  }
.LBB2_5:
0x1a1: {  	v49 =	vld [tilespmem:s10+$0x40]  }
0x1a2: {  	[tilespmem:$0x1FF40] =	vst v12;
	v12 =	vmov v10;
	v10 =	vmov v8;
	v8 =	vld [tilespmem:$0x1FFC0]  }
0x1a3: {  	v5 =	vld [tilespmem:$0x1FF90]  }
0x1a4: {  	v6 =	vld [tilespmem:$0x1FFA0]  }
0x1a5: {  	v7 =	vld [tilespmem:$0x1FFB0];
	v2 =	vmov s25  }
0x1a6: {  	s26 =	smul.f32 $1.562500000e-02, s26;
	v50 =	vld [tilespmem:s10+$0x50];
	v1 =	vbroadcast v37, $0x0;
	v3 =	vmul.f32 v38, v36;
	v2 =	vadd.f32 $9.999999740e-06, v2  }
0x1a7: {  	v4 =	vld [tilespmem:$0x1FF80]  }
0x1a8: {  	v51 =	vld [tilespmem:s10+$0x60];
	s24 =	ssub.f32 s26, s24;
	v47 =	vmul.f32 $5.000000000e-01, v1;
	v40 =	vsub.f32 $1.500000000e+00, v3;
	v2 =	vbroadcast v2, $0x0  }
0x1a9: {  	v38 =	vshra.s32 v1, $0x1;
	v45 =	vmul.f32 v35, v5;
	v44 =	vmul.f32 v31, v6  }
0x1aa: {  	v52 =	vld [tilespmem:s10+$0x70];
	v41 =	vmov s24;
	v46 =	vmul.f32 v28, v7;
	v1 =	vmul.f32 v40, v36  }
0x1ab: {  	v0 =	vadd.f32 v29, v8;
	v48 =	vmul.f32 v49, v49;
	v57 =	vmul.f32 v50, v50  }
0x1ac: {  	v31 =	vld [tilespmem:s10+$0xFFFFFF90];
	v43 =	vmul.f32 v34, v4;
	v3 =	vadd.f32 $9.999999740e-06, v41;
	v42 =	vadd.f32 v50, v49  }
0x1ad: {  	v34 =	vld [tilespmem:s10+$0xFFFFFFC0];
	v40 =	vmul.f32 v51, v51;
	v39 =	vmul.f32 v1, v39;
	v37 =	vadd.f32 v57, v48  }
0x1ae: {  	v35 =	vld [tilespmem:s10+$0xFFFFFFD0];
	v28 =	vshra.s32 v2, $0x1;
	[tilespmem:s0+$0xFFFFFF80] =	vst v0;
	v36 =	vadd.f32 v51, v42;
	v48 =	vmul.f32 $5.000000000e-01, v2  }
0x1af: {  	v42 =	vld [tilespmem:s10+$0xFFFFFF80];
	v41 =	vmul.f32 v39, v1;
	v2 =	vadd.f32 v40, v37;
	v37 =	vmul.f32 v52, v52  }
0x1b0: {  	v15 =	vmovc v13;
	v13 =	vmov v58;
	v18 =	vmov v16;
	v29 =	vld [tilespmem:s10+$0x0];
	v57 =	vadd.f32 v52, v36  }
0x1b1: {  	v16 =	vmovc v59;
	v19 =	vmovc v17;
	v3 =	vbroadcast v3, $0x0;
	v39 =	vld [tilespmem:s10+$0xFFFFFFA0];
	v40 =	vsub.f32 $1.500000000e+00, v41;
	v2 =	vadd.f32 v37, v2  }
0x1b2: {  	v17 =	vmovc v60;
	v54 =	vsub.s32 $0x5F3759DF, v28;
	v28 =	vld [tilespmem:s10+$0x10];
	v55 =	vmul.f32 v31, v31;
	v56 =	vmul.f32 v34, v34;
	(xrf2) =	vadd.scan.msk.f32 $0xffff, v57  }
0x1b3: {  	v20 =	vmovc v61;
	v0 =	vsub.s32 $0x5F3759DF, v38;
	v59 =	vmul.f32 v35, v35;
	v41 =	vld [tilespmem:s10+$0xFFFFFFB0];
	v1 =	vmul.f32 v40, v1;
	(xrf2) =	vadd.scan.msk.f32 $0xffff, v2  }
0x1b4: {  	v21 =	vmovc v62;
	v38 =	vld [tilespmem:s10+$0xFFFFFFE0];
	v58 =	vadd.f32 v35, v34;
	v61 =	vadd.f32 v31, v42;
	v62 =	vmul.f32 v42, v42  }
0x1b5: {  	v23 =	vmovc v22;
	v22 =	vmovc v63;
	v36 =	vld [tilespmem:s10+$0x20];
	v56 =	vadd.f32 v59, v56;
	v2 =	vmul.f32 s23, v1;
	v59 =	vmul.f32 v1, v14  }
0x1b6: {  	v40 =	vld [tilespmem:s10+$0xFFFFFFF0];
	v14 =	vmovc v52;
	v52 =	vadd.f32 v39, v61;
	v55 =	vadd.f32 v55, v62;
	v61 =	vmul.f32 v39, v39  }
0x1b7: {  	v11 =	vmovc v9;
	v9 =	vld [tilespmem:$0x1FFF0];
	v60 =	vmul.f32 v29, v29;
	v57 =	vadd.f32 v28, v29;
	v63 =	vmul.f32 v28, v28  }
0x1b8: {  	v59 =	vsub.f32 v59, v2;
	v55 =	vadd.f32 v61, v55;
	v61 =	vmul.f32 v41, v41  }
0x1b9: {  	v58 =	vadd.f32 v38, v58;
	v60 =	vadd.f32 v63, v60;
	v62 =	vmul.f32 v38, v38  }
0x1ba: {  	v37 =	vld [tilespmem:s10+$0x30];
	v57 =	vadd.f32 v36, v57;
	v52 =	vadd.f32 v41, v52;
	v59 =	vmul.f32 v59, v7  }
0x1bb: {  	v63 =	vmul.f32 v36, v36;
	v56 =	vadd.f32 v62, v56;
	v58 =	vadd.f32 v40, v58  }
0x1bc: {  	v62 =	vmul.f32 v40, v40;
	(xrf2) =	vadd.scan.msk.f32 $0xffff, v52;
	v55 =	vadd.f32 v61, v55;
	v52 =	vadd.f32 v59, v9;
	v61, _, _ =	vpop (xrf2)  }
0x1bd: {  	v53 =	vmul.f32 v0, v47;
	v59 =	vadd.f32 v63, v60;
	(v2sf) =	vpush v61, $0xF;
	v60, _, _ =	vpop (xrf2)  }
0x1be: {  	v56 =	vadd.f32 v62, v56;
	v62 =	vshra.s32 v3, $0x1;
	(v2sf) =	vpush v60, $0xF  }
0x1bf: {  	v63 =	vmul.f32 v37, v37;
	v60 =	vld [tilespmem:$0x1FF50]  }
0x1c0: {  	v53 =	vmul.f32 v0, v53;
	v57 =	vadd.f32 v37, v57;
	v3 =	vmul.f32 $5.000000000e-01, v3;
	(xrf2) =	vadd.scan.msk.f32 $0xffff, v58  }
0x1c1: {  	v58 =	vmul.f32 v54, v48;
	[tilespmem:s1+$0x70] =	vst v52;
	v52 =	vadd.f32 v63, v59;
	v59 =	vsub.s32 $0x5F3759DF, v62;
	v62 =	vmovc v49  }
0x1c2: {  	(xrf2) =	vadd.scan.msk.f32 $0xffff, v57;
	v57 =	vmul.f32 v1, v22;
	v61 =	vmul.f32 v59, v3  }
0x1c3: {  	v58 =	vmul.f32 v54, v58;
	v49 =	vsub.f32 $1.500000000e+00, v53;
	[tilespmem:$0x1FF50] =	vst v62  }
0x1c4: {  	v53 =	vmul.f32 v59, v61;
	v62 =	vmovc v51;
	v51 =	vsub.f32 v57, v2;
	v57 =	vld [tilespmem:$0x1FFD0];
	v60 =	vmul.f32 v1, v60  }
0x1c5: {  	v63 =	vmov v50;
	v50 =	vsub.f32 $1.500000000e+00, v58;
	v0 =	vmul.f32 v0, v49  }
0x1c6: {  	v32 =	vmul.f32 v32, v6;
	v25 =	vmul.f32 v25, v7;
	v49 =	vsub.f32 $1.500000000e+00, v53  }
0x1c7: {  	v24 =	vadd.f32 v24, v8;
	(xrf2) =	vadd.scan.msk.f32 $0xffff, v55;
	v50 =	vmul.f32 v54, v50;
	v61 =	vmul.f32 v0, v47  }
0x1c8: {  	v1 =	vmul.f32 v1, v21;
	v49 =	vmul.f32 v59, v49;
	v58 =	vsub.f32 v60, v2;
	v60, _, _ =	vpop (xrf2);
	(xrf2) =	vadd.scan.msk.f32 $0xffff, v56;
	v56 =	vld [tilespmem:$0x1FFE0]  }
0x1c9: {  	v53 =	vmul.f32 v61, v0;
	v26 =	vadd.f32 v26, v57;
	(v2sf) =	vpush v60, $0xF  }
0x1ca: {  	v55 =	vadd.f32 v46, v9;
	v61 =	vmul.f32 v49, v3;
	v60 =	vmul.f32 v50, v48  }
0x1cb: {  	v1 =	vsub.f32 v1, v2;
	v2 =	vmul.f32 v33, v5;
	[tilespmem:s0+$0xFFFFFF90] =	vst v26;
	v26 =	vadd.f32 v27, v9  }
0x1cc: {  	v27 =	vsub.f32 $1.500000000e+00, v53;
	v33 =	vmul.f32 v60, v50;
	v60 =	vmul.f32 v61, v49;
	s25 =	spop (v2sf)  }
0x1cd: {  	v51 =	vmul.f32 v51, v5;
	v45 =	vadd.f32 v45, v57;
	v59, _, _ =	vpop (xrf2);
	(xrf2) =	vadd.scan.msk.f32 $0xffff, v52;
	v30 =	vadd.f32 v30, v56;
	s23 =	smul.f32 $1.562500000e-02, s25;
	s26 =	spop (v2sf)  }
0x1ce: {  	v2 =	vadd.f32 v2, v57;
	v0 =	vmul.f32 v27, v0;
	v27 =	vsub.f32 $1.500000000e+00, v60;
	s24 =	smul.f32 $1.562500000e-02, s26  }
0x1cf: {  	v1 =	vmul.f32 v1, v6;
	(v2sf) =	vpush v59, $0xF;
	v61, _, _ =	vpop (xrf2);
	[tilespmem:s0+$0xFFFFFFA0] =	vst v30;
	v30 =	vsub.f32 $1.500000000e+00, v33;
	s12 =	smul.f32 s23, s23  }
0x1d0: {  	[tilespmem:s0+$0xFFFFFFC0] =	vst v24;
	(v2sf) =	vpush v61, $0xF;
	v24 =	vadd.f32 v44, v56;
	v27 =	vmul.f32 v27, v49  }
0x1d1: {  	[tilespmem:s0+$0xFFFFFFB0] =	vst v26;
	v54, _, _ =	vpop (xrf2);
	v61 =	vadd.f32 v25, v9;
	v26 =	vmul.f32 v30, v50;
	v30 =	vmul.f32 v0, v47;
	s24 =	ssub.f32 s24, s12  }
0x1d2: {  	(v2sf) =	vpush v54, $0xF;
	[tilespmem:s0+$0xFFFFFFE0] =	vst v24;
	v24 =	vadd.f32 v43, v8;
	v3 =	vmul.f32 v27, v3  }
0x1d3: {  	v48 =	vmul.f32 v26, v48;
	v30 =	vmul.f32 v30, v0;
	v43 =	vmov s24  }
0x1d4: {  	v33 =	vmul.f32 v58, v4;
	v59, _, _ =	vpop (xrf2);
	v3 =	vmul.f32 v3, v27;
	v44 =	vadd.f32 $9.999999740e-06, v43  }
0x1d5: {  	(v2sf) =	vpush v59, $0xF;
	v58 =	vmul.f32 v48, v26;
	v30 =	vsub.f32 $1.500000000e+00, v30  }
0x1d6: {  	[tilespmem:s0+$0x10] =	vst v2;
	v9 =	vld [tilespmem:$0x1FF40];
	v32 =	vadd.f32 v32, v56;
	v3 =	vsub.f32 $1.500000000e+00, v3;
	v2 =	vbroadcast v44, $0x0  }
0x1d7: {  	v1 =	vadd.f32 v1, v56;
	[tilespmem:s0+$0x0] =	vst v24;
	v24, _, _ =	vpop (xrf2);
	v60 =	vsub.f32 $1.500000000e+00, v58;
	v0 =	vmul.f32 v30, v0  }
0x1d8: {  	[tilespmem:s0+$0x30] =	vst v61;
	v61 =	vmovc v39;
	v3 =	vmul.f32 v3, v27;
	s25 =	spop (v2sf);
	(v2sf) =	vpush v24, $0xF;
	v39 =	vmul.f32 $5.000000000e-01, v2  }
0x1d9: {  	[tilespmem:s0+$0xFFFFFFF0] =	vst v55;
	v30 =	vadd.f32 v51, v57;
	v25 =	vmul.f32 v60, v26;
	v24 =	vmul.f32 s11, v0  }
0x1da: {  	[tilespmem:s0+$0xFFFFFFD0] =	vst v45;
	v46 =	vshra.s32 v2, $0x1;
	v27 =	vmul.f32 v0, v17;
	v45 =	vmul.f32 v0, v20  }
0x1db: {  	[tilespmem:s0+$0x20] =	vst v32;
	s0 =	smov.u32 s1;
	v26 =	vadd.f32 v33, v8;
	v51 =	vmul.f32 s13, v3;
	v52 =	vmul.f32 v3, v9  }
0x1dc: {  	[tilespmem:s0+$0x60] =	vst v1;
	s11 =	smul.f32 $1.562500000e-02, s25;
	v1 =	vsub.s32 $0x5F3759DF, v46;
	v54 =	vmul.f32 v3, v15;
	v55 =	vmul.f32 v3, v18  }
0x1dd: {  	v49 =	vmul.f32 v1, v39;
	[tilespmem:s0+$0x40] =	vst v26;
	v26 =	vmul.f32 v0, v13  }
0x1de: {  	[tilespmem:s0+$0x50] =	vst v30;
	s26 =	spop (v2sf);
	s25 =	smul.f32 s11, s11;
	v27 =	vsub.f32 v27, v24;
	v0 =	vmul.f32 v0, v23;
	v30 =	vmul.f32 s3, v25  }
0x1df: {  	v58 =	vmovc v31;
	s3 =	smul.f32 $1.562500000e-02, s26;
	v31 =	vmul.f32 v25, v10;
	v47 =	vmul.f32 v25, v12;
	s12 =	spop (v2sf);
	v50 =	vsub.f32 v45, v24  }
0x1e0: {  	v48 =	vmul.f32 v25, v16;
	v33 =	vsub.f32 v52, v51;
	v32 =	vsub.f32 v54, v51;
	s13 =	smul.f32 $1.562500000e-02, s12  }
0x1e1: {  	s8 =	sadd.s32 $0x4, s8;
	v9 =	vmovc v29;
	v29 =	vmul.f32 v1, v49;
	s12 =	spop (v2sf);
	v26 =	vsub.f32 v26, v24;
	s26 =	smul.f32 s3, s3;
	v0 =	vsub.f32 v0, v24  }
0x1e2: {  	p0 =	slt.u32 s8, $0x7C;
	v10 =	vmovc v35;
	v25 =	vmul.f32 v25, v19;
	v53 =	vsub.f32 v31, v30;
	s12 =	smul.f32 $1.562500000e-02, s12;
	v35 =	vsub.f32 v47, v30  }
.Ltmp1:
0x1e3: {  	v22 =	vmovc v41;
	v59 =	vmovc v38;
	v24 =	vmul.f32 v3, v11;
	v31 =	vsub.f32 v48, v30;
	v56 =	vsub.f32 $1.500000000e+00, v29;
	(pc) =	sbr.rel @p0 .LBB2_5-.Ltmp1, $4  }
0x1e4: {  	v12 =	vmovc v28;
	v28 =	vsub.f32 v25, v30;
	v30 =	vmul.f32 v50, v6;
	v29 =	vmul.f32 v27, v4;
	s12 =	ssub.f32 s12, s25;
	s25 =	spop (v2sf)  }
0x1e5: {  	v13 =	vmovc v36;
	v25 =	vsub.f32 v55, v51;
	v26 =	vmul.f32 v26, v5;
	v36 =	vmul.f32 v1, v56;
	s25 =	smul.f32 $1.562500000e-02, s25  }
0x1e6: {  	s1 =	smov.u32 s10;
	v8 =	vmovc v34;
	v17 =	vmovc v40;
	s24 =	smul.f32 s13, s13;
	v34 =	vsub.f32 v24, v51;
	v27 =	vmul.f32 v0, v7;
	v57 =	vmov s12  }
0x1e7: {  	s10 =	sadd.s32 $0x100, s10;
	v60 =	vmovc v42;
	v16 =	vmovc v37;
	v24 =	vmul.f32 v53, v4;
	v37 =	vadd.f32 $9.999999740e-06, v57;
	v38 =	vmul.f32 v36, v39;
	s25 =	ssub.f32 s25, s26;
	s26 =	spop (v2sf)  }
0x1e8: {  	v4 =	vld [tilespmem:$0x1FF90]  }
0x1e9: {  	v5 =	vld [tilespmem:$0x1FFA0];
	v0 =	vmul.f32 v38, v36  }
0x1ea: {  	s8 =	smul.f32 $1.562500000e-02, s26;
	v6 =	vld [tilespmem:$0x1FFB0];
	v1 =	vmov s25;
	v3 =	vbroadcast v37, $0x0  }
0x1eb: {  	v1 =	vadd.f32 $9.999999740e-06, v1;
	v0 =	vsub.f32 $1.500000000e+00, v0  }
0x1ec: {  	s8 =	ssub.f32 s8, s24;
	v37 =	vshra.s32 v3, $0x1;
	v3 =	vmul.f32 $5.000000000e-01, v3  }
0x1ed: {  	v1 =	vbroadcast v1, $0x0;
	v37 =	vsub.s32 $0x5F3759DF, v37;
	v0 =	vmul.f32 v0, v36  }
0x1ee: {  	v51 =	vmov s8;
	v35 =	vmul.f32 v35, v4;
	v53 =	vmul.f32 v37, v3  }
0x1ef: {  	v36 =	vadd.f32 $9.999999740e-06, v51;
	v31 =	vmul.f32 v31, v5;
	v28 =	vmul.f32 v28, v6  }
0x1f0: {  	v52 =	vshra.s32 v1, $0x1;
	v1 =	vmul.f32 $5.000000000e-01, v1;
	v2 =	vmul.f32 v0, v39  }
0x1f1: {  	v33 =	vmul.f32 v33, v4;
	v38 =	vsub.s32 $0x5F3759DF, v52;
	v39 =	vmul.f32 v37, v53  }
0x1f2: {  	v41 =	vmul.f32 v38, v1;
	v2 =	vmul.f32 v2, v0  }
0x1f3: {  	v32 =	vmul.f32 v32, v5;
	v36 =	vbroadcast v36, $0x0;
	v39 =	vsub.f32 $1.500000000e+00, v39  }
0x1f4: {  	v7 =	vld [tilespmem:$0x1FF50];
	v25 =	vmul.f32 v25, v6;
	v41 =	vmul.f32 v38, v41;
	v2 =	vsub.f32 $1.500000000e+00, v2  }
0x1f5: {  	v54 =	vshra.s32 v36, $0x1;
	v36 =	vmul.f32 $5.000000000e-01, v36;
	v37 =	vmul.f32 v37, v39  }
0x1f6: {  	v57 =	vld [tilespmem:$0x1FFF0];
	v41 =	vsub.f32 $1.500000000e+00, v41;
	v0 =	vmul.f32 v2, v0;
	v2 =	vsub.s32 $0x5F3759DF, v54  }
0x1f7: {  	v39 =	vmul.f32 v37, v3;
	v42 =	vmul.f32 v2, v36  }
0x1f8: {  	v38 =	vmul.f32 v38, v41;
	v40 =	vmul.f32 s23, v0  }
0x1f9: {  	v23 =	vmul.f32 v0, v14;
	v21 =	vmul.f32 v0, v7  }
0x1fa: {  	v54 =	vld [tilespmem:$0x1FF80];
	v19 =	vmul.f32 v39, v37;
	v42 =	vmul.f32 v2, v42  }
0x1fb: {  	v27 =	vadd.f32 v27, v57;
	v20 =	vmul.f32 v0, v63;
	v41 =	vmul.f32 v38, v1  }
0x1fc: {  	v7 =	vld [tilespmem:$0x1FFC0];
	v0 =	vmul.f32 v0, v62;
	v19 =	vsub.f32 $1.500000000e+00, v19;
	v42 =	vsub.f32 $1.500000000e+00, v42  }
0x1fd: {  	v23 =	vsub.f32 v23, v40;
	v21 =	vsub.f32 v21, v40;
	v55 =	vmul.f32 v41, v38  }
0x1fe: {  	v20 =	vsub.f32 v20, v40;
	v19 =	vmul.f32 v19, v37;
	v2 =	vmul.f32 v2, v42  }
0x1ff: {  	v0 =	vsub.f32 v0, v40;
	v34 =	vmul.f32 v34, v54;
	v23 =	vmul.f32 v23, v6  }
0x200: {  	v39 =	vsub.f32 $1.500000000e+00, v55;
	v55 =	vld [tilespmem:$0x1FFD0];
	v3 =	vmul.f32 v19, v3;
	v42 =	vmul.f32 v2, v36  }
0x201: {  	v21 =	vmul.f32 v21, v54;
	v20 =	vmul.f32 v20, v4;
	v29 =	vadd.f32 v29, v7  }
0x202: {  	v24 =	vadd.f32 v24, v7;
	v3 =	vmul.f32 v3, v19;
	v56 =	vmul.f32 v42, v2  }
0x203: {  	v23 =	vadd.f32 v23, v57;
	v21 =	vadd.f32 v21, v7;
	v63 =	vmul.f32 v39, v38  }
0x204: {  	v0 =	vmul.f32 v0, v5;
	v3 =	vsub.f32 $1.500000000e+00, v3;
	v62 =	vsub.f32 $1.500000000e+00, v56;
	v56 =	vld [tilespmem:$0x1FFE0];
	[tilespmem:s0+$0xFFFFFF80] =	vst v29  }
0x205: {  	v1 =	vmul.f32 v63, v1;
	v26 =	vadd.f32 v26, v55;
	v20 =	vadd.f32 v20, v55;
	[tilespmem:s1+$0x70] =	vst v23  }
0x206: {  	v29 =	vadd.f32 v35, v55;
	v23 =	vadd.f32 v28, v57;
	[tilespmem:s0+$0xFFFFFFB0] =	vst v27;
	v3 =	vmul.f32 v3, v19  }
0x207: {  	v1 =	vmul.f32 v1, v63;
	v27 =	vadd.f32 v33, v55;
	[tilespmem:s0+$0xFFFFFFC0] =	vst v24;
	v2 =	vmul.f32 v62, v2  }
0x208: {  	[tilespmem:s0+$0xFFFFFF90] =	vst v26;
	v26 =	vadd.f32 v34, v7;
	v24 =	vmul.f32 s11, v3;
	v15 =	vmul.f32 v3, v60  }
0x209: {  	v1 =	vsub.f32 $1.500000000e+00, v1;
	v11 =	vmul.f32 v3, v58;
	v18 =	vmul.f32 v3, v61  }
0x20a: {  	[tilespmem:s1+$0x40] =	vst v21;
	v19 =	vadd.f32 v25, v57;
	v3 =	vmul.f32 v3, v22;
	v36 =	vmul.f32 v2, v36  }
0x20b: {  	[tilespmem:s1+$0x50] =	vst v20;
	v1 =	vmul.f32 v1, v63;
	v30 =	vadd.f32 v30, v56;
	v31 =	vadd.f32 v31, v56  }
0x20c: {  	[tilespmem:s0+$0xFFFFFFD0] =	vst v29;
	v0 =	vadd.f32 v0, v56;
	v15 =	vsub.f32 v15, v24;
	v28 =	vmul.f32 v36, v2  }
0x20d: {  	[tilespmem:s0+$0xFFFFFFF0] =	vst v23;
	v11 =	vsub.f32 v11, v24;
	v22 =	vmul.f32 s3, v1;
	v8 =	vmul.f32 v1, v8  }
0x20e: {  	[tilespmem:s0+$0x10] =	vst v27;
	v3 =	vsub.f32 v3, v24;
	v10 =	vmul.f32 v1, v10;
	v14 =	vmul.f32 v1, v59  }
0x20f: {  	v1 =	vmul.f32 v1, v17;
	v17 =	vsub.f32 v18, v24;
	[tilespmem:s0+$0xFFFFFFA0] =	vst v30;
	v30 =	vadd.f32 v32, v56  }
0x210: {  	[tilespmem:s0+$0x0] =	vst v26;
	v15 =	vmul.f32 v15, v54;
	v11 =	vmul.f32 v11, v4;
	v28 =	vsub.f32 $1.500000000e+00, v28  }
0x211: {  	[tilespmem:s0+$0x30] =	vst v19;
	v3 =	vmul.f32 v3, v6;
	v8 =	vsub.f32 v8, v22;
	v10 =	vsub.f32 v10, v22  }
0x212: {  	[tilespmem:s0+$0xFFFFFFE0] =	vst v31;
	v17 =	vmul.f32 v17, v5;
	v36 =	vsub.f32 v14, v22;
	v1 =	vsub.f32 v1, v22  }
0x213: {  	[tilespmem:s1+$0x60] =	vst v0;
	v15 =	vadd.f32 v15, v7;
	v2 =	vmul.f32 v28, v2;
	v8 =	vmul.f32 v8, v54  }
0x214: {  	[tilespmem:s0+$0x20] =	vst v30;
	v11 =	vadd.f32 v11, v55;
	v10 =	vmul.f32 v10, v4;
	v0 =	vmul.f32 v36, v5  }
0x215: {  	v3 =	vadd.f32 v3, v57;
	[tilespmem:s1+$0xFFFFFF80] =	vst v15;
	v18 =	vmul.f32 s13, v2;
	v9 =	vmul.f32 v2, v9  }
0x216: {  	v14 =	vadd.f32 v17, v56;
	v1 =	vmul.f32 v1, v6;
	[tilespmem:s1+$0xFFFFFF90] =	vst v11;
	v12 =	vmul.f32 v2, v12  }
0x217: {  	[tilespmem:s1+$0xFFFFFFB0] =	vst v3;
	v13 =	vmul.f32 v2, v13;
	v8 =	vadd.f32 v8, v7;
	v9 =	vsub.f32 v9, v18  }
0x218: {  	v2 =	vmul.f32 v2, v16;
	[tilespmem:s1+$0xFFFFFFA0] =	vst v14;
	v37 =	vadd.f32 v10, v55;
	v11 =	vsub.f32 v12, v18  }
0x219: {  	v0 =	vadd.f32 v0, v56;
	v10 =	vsub.f32 v13, v18;
	[tilespmem:s1+$0xFFFFFFC0] =	vst v8;
	v9 =	vmul.f32 v9, v54  }
0x21a: {  	v1 =	vadd.f32 v1, v57;
	v2 =	vsub.f32 v2, v18;
	[tilespmem:s1+$0xFFFFFFD0] =	vst v37;
	v8 =	vmul.f32 v11, v4  }
0x21b: {  	[tilespmem:s1+$0xFFFFFFE0] =	vst v0;
	v38 =	vmul.f32 v10, v5;
	v39 =	vadd.f32 v9, v7  }
0x21c: {  	[tilespmem:s1+$0xFFFFFFF0] =	vst v1;
	v2 =	vmul.f32 v2, v6;
	v8 =	vadd.f32 v8, v55  }
0x21d: {  	v40 =	vadd.f32 v38, v56;
	[tilespmem:s1+$0x0] =	vst v39  }
0x21e: {  	s2 =	sadd.s32 s2, s9;
	v41 =	vadd.f32 v2, v57;
	[tilespmem:s1+$0x10] =	vst v8  }
0x21f: {  	s0 =	sshrl.u32 s2, $0x3;
	[tilespmem:s1+$0x20] =	vst v40  }
0x220: {  	p0 =	seq.s32 s29, $0x31;
	s0 =	sadd.s32 s4, s0;
	[tilespmem:s1+$0x30] =	vst v41  }
0x221: {  	[hbm4b:s0+s5] =	stream.linear.scatter [tilespmem:s16], [sflag:$0x6], $0x2000, $0x38;
	[tilespmem:$0xE480] =	vst v63  }
0x222: {  	s0 =	simm.s32 @!p0 $0x5  }
0x223: {  	s1 =	sshll.u32 @!p0 s29, $0x9;
	_ =	swait.ge @!p0 [sflag:s0], $0x2000  }
0x224: {  	s3 =	simm.s32 @!p0 $0x6400;
	s2 =	sand.u32 @!p0 $0x3FFFFE00, s1;
	[sflag:s0] =	ssyncset.done @!p0 $0x0  }
0x225: {  	s1 =	simm.s32 @!p0 $0x80;
	[sflag:s0] =	ssyncadd.s32 @!p0 $0xFFFFE000;
	s0 =	sadd.s32 @!p0 $0x200, s2  }
0x226: {  	[tilespmem:s3], [sflag:$0x1] =	stream.indirect.gather @!p0 [hbm4b:s7+s1], $0x40, s0, s1, $0xb8;
	[tilespmem:$0xE480] =	vst v63  }
0x227: {  	_ =	swait.ge [sflag:s21], $0x2000  }
0x228: {  	[sflag:s21] =	ssyncset.done $0x0  }
0x229: {  	s0 =	simm.s32 $0xA480;
	[sflag:s21] =	ssyncadd.s32 $0xFFFFE000  }
0x22a: {  	v38 =	vld [tilespmem:s0+$0x40]  }
0x22b: {  	v37 =	vld [tilespmem:s0+$0x50];
	_ =	sdelay $0x1  }
0x22c: {  	v36 =	vld [tilespmem:s0+$0x60];
	_ =	sdelay $0x1  }
0x22d: {  	v16 =	vld [tilespmem:s0+$0x70]  }
0x22e: {  	v42 =	vmul.f32 v38, v38;
	v43 =	vmul.f32 v37, v37  }
0x22f: {  	v44 =	vadd.f32 v37, v38  }
0x230: {  	v45 =	vmul.f32 v36, v36;
	v0 =	vadd.f32 v43, v42  }
0x231: {  	v2 =	vadd.f32 v36, v44  }
0x232: {  	v46 =	vmul.f32 v16, v16;
	v0 =	vadd.f32 v45, v0  }
0x233: {  	v31 =	vld [tilespmem:s0+$0xFFFFFF90];
	v2 =	vadd.f32 v16, v2  }
0x234: {  	v29 =	vld [tilespmem:s0+$0xFFFFFFC0];
	v0 =	vadd.f32 v46, v0  }
0x235: {  	v28 =	vld [tilespmem:s0+$0xFFFFFFD0];
	(xrf2) =	vadd.scan.msk.f32 $0xffff, v2  }
0x236: {  	v24 =	vld [tilespmem:s0+$0x0];
	(xrf2) =	vadd.scan.msk.f32 $0xffff, v0  }
0x237: {  	v34 =	vld [tilespmem:s0+$0xFFFFFF80]  }
0x238: {  	v26 =	vld [tilespmem:s0+$0x10]  }
0x239: {  	v35 =	vld [tilespmem:s0+$0xFFFFFFA0]  }
0x23a: {  	v25 =	vld [tilespmem:s0+$0x20]  }
0x23b: {  	v30 =	vld [tilespmem:s0+$0xFFFFFFE0]  }
0x23c: {  	v33 =	vld [tilespmem:s0+$0xFFFFFFB0];
	v48 =	vmul.f32 v31, v31;
	v50 =	vmul.f32 v34, v34  }
0x23d: {  	v32 =	vld [tilespmem:s0+$0xFFFFFFF0];
	v47 =	vadd.f32 v31, v34;
	v8 =	vadd.f32 v26, v24  }
0x23e: {  	v27 =	vld [tilespmem:s0+$0x30];
	v49 =	vadd.f32 v28, v29;
	v1 =	vadd.f32 v48, v50  }
0x23f: {  	v9 =	vmul.f32 v29, v29;
	v8 =	vadd.f32 v25, v8;
	v0 =	vadd.f32 v35, v47;
	v51, _, _ =	vpop (xrf2)  }
0x240: {  	v10 =	vmul.f32 v35, v35;
	v2 =	vadd.f32 v30, v49;
	(v2sf) =	vpush v51, $0xF;
	v52, _, _ =	vpop (xrf2)  }
0x241: {  	v11 =	vmul.f32 v28, v28;
	v0 =	vadd.f32 v33, v0;
	(v2sf) =	vpush v52, $0xF  }
0x242: {  	v53 =	vmul.f32 v33, v33;
	v1 =	vadd.f32 v10, v1;
	v2 =	vadd.f32 v32, v2  }
0x243: {  	v8 =	vadd.f32 v27, v8;
	(xrf2) =	vadd.scan.msk.f32 $0xffff, v0  }
0x244: {  	v58 =	vadd.f32 v11, v9;
	v9 =	vmul.f32 v30, v30;
	v1 =	vadd.f32 v53, v1;
	(xrf2) =	vadd.scan.msk.f32 $0xffff, v2  }
0x245: {  	v59 =	vmul.f32 v32, v32;
	(xrf2) =	vadd.scan.msk.f32 $0xffff, v8  }
0x246: {  	v60 =	vmul.f32 v24, v24;
	v61 =	vmul.f32 v26, v26;
	v0 =	vadd.f32 v9, v58;
	(xrf2) =	vadd.scan.msk.f32 $0xffff, v1;
	_ =	sdelay $0x1  }
0x247: {  	v62 =	vmul.f32 v25, v25;
	v0 =	vadd.f32 v59, v0;
	v1 =	vadd.f32 v61, v60;
	_ =	sdelay $0x1  }
0x248: {  	v39 =	vmul.f32 v27, v27;
	(xrf2) =	vadd.scan.msk.f32 $0xffff, v0;
	v63 =	vadd.f32 v62, v1;
	_ =	sdelay $0x1  }
0x249: {  	v0 =	vadd.f32 v39, v63  }
0x24a: {  	v40, _, _ =	vpop (xrf2)  }
0x24b: {  	(v2sf) =	vpush v40, $0xF;
	v41, _, _ =	vpop (xrf2);
	(xrf2) =	vadd.scan.msk.f32 $0xffff, v0  }
0x24c: {  	(v2sf) =	vpush v41, $0xF;
	v42, _, _ =	vpop (xrf2);
	s3 =	spop (v2sf)  }
0x24d: {  	v43, _, _ =	vpop (xrf2);
	(v2sf) =	vpush v42, $0xF;
	s11 =	smul.f32 $1.562500000e-02, s3;
	s8 =	spop (v2sf)  }
0x24e: {  	(v2sf) =	vpush v43, $0xF;
	s1 =	smul.f32 $1.562500000e-02, s8  }
0x24f: {  	s10 =	smul.f32 s11, s11;
	_ =	sdelay $0x1  }
0x250: {  	v44, _, _ =	vpop (xrf2);
	s1 =	ssub.f32 s1, s10  }
0x251: {  	(v2sf) =	vpush v44, $0xF  }
0x252: {  	v45 =	vmov s1  }
0x253: {  	v0 =	vadd.f32 $9.999999740e-06, v45  }
0x254: {  	v46, _, _ =	vpop (xrf2)  }
0x255: {  	(v2sf) =	vpush v46, $0xF;
	v0 =	vbroadcast v0, $0x0  }
0x256: {  	s1 =	simm.s32 $0xA580  }
0x257: {  	v11 =	vld [tilespmem:s1+$0x40];
	v47 =	vshra.s32 v0, $0x1;
	v0 =	vmul.f32 $5.000000000e-01, v0  }
0x258: {  	v63 =	vld [tilespmem:s1+$0x50];
	v1 =	vsub.s32 $0x5F3759DF, v47  }
0x259: {  	s12 =	spop (v2sf);
	v48 =	vmul.f32 v1, v0  }
0x25a: {  	s8 =	smul.f32 $1.562500000e-02, s12;
	s13 =	spop (v2sf)  }
0x25b: {  	v62 =	vld [tilespmem:s1+$0x60];
	s12 =	spop (v2sf);
	v2 =	vmul.f32 v1, v48  }
0x25c: {  	v18 =	vld [tilespmem:s1+$0x70];
	s10 =	smul.f32 s8, s8;
	s23 =	spop (v2sf)  }
0x25d: {  	v58 =	vld [tilespmem:s1+$0xFFFFFF90];
	v9 =	vmul.f32 v11, v11;
	v10 =	vmul.f32 v63, v63;
	[tilespmem:$0x1FF30] =	vst v11;
	s24 =	smul.f32 $1.562500000e-02, s23;
	v2 =	vsub.f32 $1.500000000e+00, v2  }
0x25e: {  	s3 =	smul.f32 $1.562500000e-02, s13;
	v60 =	vld [tilespmem:s1+$0xFFFFFF80]  }
0x25f: {  	v51 =	vadd.f32 v10, v9;
	v10 =	vld [tilespmem:s1+$0xFFFFFFD0];
	s10 =	ssub.f32 s24, s10;
	v1 =	vmul.f32 v1, v2  }
0x260: {  	s25 =	smul.f32 s3, s3;
	s26 =	spop (v2sf)  }
0x261: {  	v61 =	vld [tilespmem:s1+$0xFFFFFFA0];
	s13 =	smul.f32 $1.562500000e-02, s26;
	v49 =	vmov s10;
	v50 =	vmul.f32 v1, v0  }
0x262: {  	v15 =	vmul.f32 v62, v62;
	v53 =	vmul.f32 v58, v58;
	v2 =	vadd.f32 $9.999999740e-06, v49  }
0x263: {  	v48 =	vmul.f32 v60, v60;
	s13 =	ssub.f32 s13, s25;
	v3 =	vmul.f32 v50, v1  }
0x264: {  	v11 =	vadd.f32 v63, v11;
	v45 =	vmul.f32 v10, v10;
	s10 =	smul.f32 $1.562500000e-02, s12;
	s23 =	spop (v2sf);
	v2 =	vbroadcast v2, $0x0  }
0x265: {  	v42 =	vadd.f32 v53, v48;
	v8 =	vmov s13;
	s13 =	smul.f32 $1.562500000e-02, s23;
	v3 =	vsub.f32 $1.500000000e+00, v3  }
0x266: {  	v48 =	vmul.f32 v61, v61;
	s12 =	smul.f32 s10, s10;
	v12 =	vadd.f32 $9.999999740e-06, v8;
	v13 =	vshra.s32 v2, $0x1  }
0x267: {  	v59 =	vld [tilespmem:s1+$0xFFFFFFE0];
	v1 =	vmul.f32 v3, v1;
	v39 =	vsub.s32 $0x5F3759DF, v13;
	v13 =	vadd.f32 v62, v11  }
0x268: {  	v42 =	vadd.f32 v48, v42;
	v8 =	vld [tilespmem:s1+$0xFFFFFFC0];
	s12 =	ssub.f32 s13, s12;
	v3 =	vadd.f32 v15, v51;
	v11 =	vmul.f32 v18, v18  }
0x269: {  	v17 =	vbroadcast v12, $0x0;
	v0 =	vmul.f32 v1, v0;
	v13 =	vadd.f32 v18, v13  }
0x26a: {  	v2 =	vmul.f32 $5.000000000e-01, v2;
	v12 =	vmov s12;
	v3 =	vadd.f32 v11, v3  }
0x26b: {  	v41 =	vmul.f32 $5.000000000e-01, v17;
	v22 =	vadd.f32 $9.999999740e-06, v12;
	v0 =	vmul.f32 v0, v1;
	(xrf2) =	vadd.scan.msk.f32 $0xffff, v13  }
0x26c: {  	v52 =	vshra.s32 v17, $0x1;
	v17 =	vld [tilespmem:s1+$0xFFFFFFF0];
	v51 =	vmul.f32 v59, v59;
	v40 =	vmul.f32 v39, v2;
	(xrf2) =	vadd.scan.msk.f32 $0xffff, v3  }
0x26d: {  	v46 =	vadd.f32 v10, v8;
	v43 =	vbroadcast v22, $0x0;
	v22 =	vld [tilespmem:s1+$0xFFFFFFB0];
	v0 =	vsub.f32 $1.500000000e+00, v0  }
0x26e: {  	v9 =	vld [tilespmem:s1+$0x0];
	v44 =	vmul.f32 v8, v8;
	v3 =	vsub.s32 $0x5F3759DF, v52;
	v52 =	vadd.f32 v58, v60  }
0x26f: {  	v12 =	vld [tilespmem:s1+$0x10];
	v46 =	vadd.f32 v59, v46;
	v40 =	vmul.f32 v39, v40;
	v0 =	vmul.f32 v0, v1  }
0x270: {  	v48 =	vshra.s32 v43, $0x1;
	v43 =	vmul.f32 $5.000000000e-01, v43;
	v1 =	vadd.f32 v61, v52  }
0x271: {  	v44 =	vadd.f32 v45, v44;
	v13 =	vld [tilespmem:s1+$0x20];
	v45 =	vmul.f32 s11, v0;
	v16 =	vmul.f32 v0, v16  }
0x272: {  	v46 =	vadd.f32 v17, v46;
	v48 =	vsub.s32 $0x5F3759DF, v48;
	v1 =	vadd.f32 v22, v1  }
0x273: {  	v40 =	vsub.f32 $1.500000000e+00, v40;
	v53 =	vmul.f32 v48, v43;
	v50 =	vsub.f32 v16, v45;
	v16 =	vld [tilespmem:s1+$0x30]  }
0x274: {  	v47 =	vadd.f32 v12, v9;
	(xrf2) =	vadd.scan.msk.f32 $0xffff, v1  }
0x275: {  	v44 =	vadd.f32 v51, v44;
	v39 =	vmul.f32 v39, v40;
	(xrf2) =	vadd.scan.msk.f32 $0xffff, v46;
	v46 =	vmul.f32 v48, v53;
	v51, _, _ =	vpop (xrf2)  }
0x276: {  	v52 =	vmul.f32 v3, v41;
	v47 =	vadd.f32 v13, v47;
	(v2sf) =	vpush v51, $0xF;
	v51, _, _ =	vpop (xrf2)  }
0x277: {  	v1 =	vmul.f32 v22, v22;
	v40 =	vsub.f32 $1.500000000e+00, v46;
	(v2sf) =	vpush v51, $0xF  }
0x278: {  	v49 =	vmul.f32 v9, v9;
	v51 =	vmul.f32 v3, v52;
	v47 =	vadd.f32 v16, v47  }
0x279: {  	v1 =	vadd.f32 v1, v42;
	v52 =	vmul.f32 v12, v12;
	v40 =	vmul.f32 v48, v40  }
0x27a: {  	v46 =	vmul.f32 v16, v16;
	v42 =	vsub.f32 $1.500000000e+00, v51;
	v51 =	vmul.f32 v17, v17;
	(xrf2) =	vadd.scan.msk.f32 $0xffff, v47  }
0x27b: {  	v53 =	vadd.f32 v52, v49;
	v49 =	vmul.f32 v13, v13;
	v52 =	vmul.f32 v39, v2;
	(xrf2) =	vadd.scan.msk.f32 $0xffff, v1  }
0x27c: {  	v1 =	vmul.f32 v3, v42;
	v51 =	vadd.f32 v51, v44;
	v42 =	vmul.f32 v40, v43  }
0x27d: {  	v44 =	vadd.f32 v49, v53;
	v3 =	vmul.f32 v52, v39;
	v52 =	vmul.f32 v50, v6  }
0x27e: {  	(xrf2) =	vadd.scan.msk.f32 $0xffff, v51;
	v42 =	vmul.f32 v42, v40  }
0x27f: {  	v53 =	vmul.f32 v1, v41;
	v44 =	vadd.f32 v46, v44;
	v3 =	vsub.f32 $1.500000000e+00, v3  }
0x280: {  	v38 =	vmul.f32 v0, v38;
	v37 =	vmul.f32 v0, v37;
	v48 =	vsub.f32 $1.500000000e+00, v42  }
0x281: {  	v47 =	vadd.f32 v52, v57;
	v53 =	vmul.f32 v53, v1;
	v52, _, _ =	vpop (xrf2);
	(xrf2) =	vadd.scan.msk.f32 $0xffff, v44;
	v3 =	vmul.f32 v3, v39  }
0x282: {  	v0 =	vmul.f32 v0, v36;
	v57, _, _ =	vpop (xrf2);
	(v2sf) =	vpush v52, $0xF;
	v39 =	vmul.f32 v48, v40  }
0x283: {  	v53 =	vsub.f32 $1.500000000e+00, v53;
	(v2sf) =	vpush v57, $0xF;
	v2 =	vmul.f32 v3, v2  }
0x284: {  	v38 =	vsub.f32 v38, v45;
	v37 =	vsub.f32 v37, v45;
	v52 =	vmul.f32 v39, v43;
	v49, _, _ =	vpop (xrf2)  }
0x285: {  	v1 =	vmul.f32 v53, v1;
	v2 =	vmul.f32 v2, v3;
	(v2sf) =	vpush v49, $0xF;
	v50, _, _ =	vpop (xrf2);
	s24 =	spop (v2sf)  }
0x286: {  	v0 =	vsub.f32 v0, v45;
	v36 =	vmul.f32 v52, v39;
	s23 =	smul.f32 $1.562500000e-02, s24;
	(v2sf) =	vpush v50, $0xF;
	s25 =	spop (v2sf)  }
0x287: {  	v38 =	vmul.f32 v38, v54;
	v51 =	vmul.f32 v1, v41;
	v2 =	vsub.f32 $1.500000000e+00, v2;
	s11 =	smul.f32 $1.562500000e-02, s25  }
0x288: {  	v37 =	vmul.f32 v37, v4;
	v0 =	vmul.f32 v0, v5;
	v53, _, _ =	vpop (xrf2);
	v57 =	vsub.f32 $1.500000000e+00, v36;
	s26 =	smul.f32 s23, s23  }
0x289: {  	v40 =	vmul.f32 v51, v1;
	v2 =	vmul.f32 v2, v3;
	(v2sf) =	vpush v53, $0xF  }
0x28a: {  	v38 =	vadd.f32 v38, v7;
	v37 =	vadd.f32 v37, v55;
	v3 =	vmul.f32 v57, v39;
	s11 =	ssub.f32 s11, s26  }
0x28b: {  	v40 =	vsub.f32 $1.500000000e+00, v40;
	v44, _, _ =	vpop (xrf2);
	v48 =	vmul.f32 s8, v2;
	v34 =	vmul.f32 v2, v34  }
0x28c: {  	v31 =	vmul.f32 v2, v31;
	(v2sf) =	vpush v44, $0xF;
	v45 =	vmov s11  }
0x28d: {  	v35 =	vmul.f32 v2, v35;
	v2 =	vmul.f32 v2, v33;
	v46 =	vadd.f32 $9.999999740e-06, v45  }
0x28e: {  	v0 =	vadd.f32 v0, v56;
	v1 =	vmul.f32 v40, v1;
	v53 =	vmul.f32 s10, v3  }
0x28f: {  	v34 =	vsub.f32 v34, v48;
	v24 =	vmul.f32 v3, v24;
	v36 =	vbroadcast v46, $0x0  }
0x290: {  	v49 =	vsub.f32 v31, v48;
	v55 =	vmul.f32 v3, v26;
	v25 =	vmul.f32 v3, v25  }
0x291: {  	v3 =	vmul.f32 v3, v27;
	s12 =	spop (v2sf);
	v31 =	vshra.s32 v36, $0x1;
	v39 =	vmul.f32 $5.000000000e-01, v36  }
0x292: {  	v50 =	vmul.f32 s3, v1;
	v29 =	vmul.f32 v1, v29;
	s11 =	smul.f32 $1.562500000e-02, s12;
	s13 =	spop (v2sf);
	v51 =	vsub.s32 $0x5F3759DF, v31  }
0x293: {  	v52 =	vsub.f32 v35, v48;
	v28 =	vmul.f32 v1, v28;
	s3 =	smul.f32 $1.562500000e-02, s13;
	v31 =	vmul.f32 v51, v39  }
0x294: {  	v2 =	vsub.f32 v2, v48;
	v30 =	vmul.f32 v1, v30;
	v1 =	vmul.f32 v1, v32;
	s8 =	smul.f32 s11, s11;
	s24 =	spop (v2sf)  }
0x295: {  	v33 =	vsub.f32 v55, v53;
	v32 =	vsub.f32 v25, v53;
	s12 =	smul.f32 s3, s3;
	v26 =	vmul.f32 v51, v31;
	s25 =	spop (v2sf)  }
0x296: {  	v25 =	vsub.f32 v3, v53;
	v56 =	vsub.f32 v29, v50;
	s26 =	smul.f32 $1.562500000e-02, s25  }
0x297: {  	v35 =	vsub.f32 v28, v50;
	s13 =	smul.f32 $1.562500000e-02, s24;
	v27 =	vsub.f32 $1.500000000e+00, v26  }
0x298: {  	[tilespmem:s0+$0x40] =	vst v38;
	v29 =	vmul.f32 v34, v54;
	v28 =	vsub.f32 v1, v50;
	v34 =	vsub.f32 v24, v53;
	s25 =	spop (v2sf);
	s10 =	ssub.f32 s26, s8  }
0x299: {  	[tilespmem:s0+$0x50] =	vst v37;
	v24 =	vmul.f32 v56, v54;
	v31 =	vsub.f32 v30, v50;
	s26 =	smul.f32 $1.562500000e-02, s25;
	v36 =	vmul.f32 v51, v27  }
0x29a: {  	[tilespmem:s0+$0x60] =	vst v0;
	v30 =	vmul.f32 v52, v5;
	v26 =	vmul.f32 v49, v4;
	s24 =	smul.f32 s13, s13;
	s8 =	simm.s32 $0x4;
	v57 =	vmov s10  }
0x29b: {  	v14 =	vmovc v18;
	[tilespmem:s0+$0x70] =	vst v47;
	v27 =	vmul.f32 v2, v6;
	s25 =	ssub.f32 s26, s12;
	s10 =	simm.s32 $0xA680;
	s26 =	spop (v2sf);
	v37 =	vadd.f32 $9.999999740e-06, v57;
	v38 =	vmul.f32 v36, v39  }
.LBB2_7:
0x29c: {  	v49 =	vld [tilespmem:s10+$0x40]  }
0x29d: {  	[tilespmem:$0x1FF20] =	vst v12;
	v12 =	vmov v10;
	v10 =	vmov v8;
	v8 =	vld [tilespmem:$0x1FFC0]  }
0x29e: {  	v5 =	vld [tilespmem:$0x1FF90]  }
0x29f: {  	v6 =	vld [tilespmem:$0x1FFA0]  }
0x2a0: {  	v7 =	vld [tilespmem:$0x1FFB0];
	v2 =	vmov s25  }
0x2a1: {  	s12 =	smul.f32 $1.562500000e-02, s26;
	v50 =	vld [tilespmem:s10+$0x50];
	v1 =	vbroadcast v37, $0x0;
	v3 =	vmul.f32 v38, v36;
	v2 =	vadd.f32 $9.999999740e-06, v2  }
0x2a2: {  	v4 =	vld [tilespmem:$0x1FF80]  }
0x2a3: {  	v51 =	vld [tilespmem:s10+$0x60];
	s12 =	ssub.f32 s12, s24;
	v47 =	vmul.f32 $5.000000000e-01, v1;
	v40 =	vsub.f32 $1.500000000e+00, v3;
	v2 =	vbroadcast v2, $0x0  }
0x2a4: {  	v38 =	vshra.s32 v1, $0x1;
	v45 =	vmul.f32 v35, v5;
	v44 =	vmul.f32 v31, v6  }
0x2a5: {  	v52 =	vld [tilespmem:s10+$0x70];
	v41 =	vmov s12;
	v46 =	vmul.f32 v28, v7;
	v1 =	vmul.f32 v40, v36  }
0x2a6: {  	v0 =	vadd.f32 v29, v8;
	v48 =	vmul.f32 v49, v49;
	v57 =	vmul.f32 v50, v50  }
0x2a7: {  	v31 =	vld [tilespmem:s10+$0xFFFFFF90];
	v43 =	vmul.f32 v34, v4;
	v3 =	vadd.f32 $9.999999740e-06, v41;
	v42 =	vadd.f32 v50, v49  }
0x2a8: {  	v34 =	vld [tilespmem:s10+$0xFFFFFFC0];
	v40 =	vmul.f32 v51, v51;
	v39 =	vmul.f32 v1, v39;
	v37 =	vadd.f32 v57, v48  }
0x2a9: {  	v35 =	vld [tilespmem:s10+$0xFFFFFFD0];
	v28 =	vshra.s32 v2, $0x1;
	[tilespmem:s0+$0xFFFFFF80] =	vst v0;
	v36 =	vadd.f32 v51, v42;
	v48 =	vmul.f32 $5.000000000e-01, v2  }
0x2aa: {  	v42 =	vld [tilespmem:s10+$0xFFFFFF80];
	v41 =	vmul.f32 v39, v1;
	v2 =	vadd.f32 v40, v37;
	v37 =	vmul.f32 v52, v52  }
0x2ab: {  	v15 =	vmovc v13;
	v13 =	vmov v58;
	v18 =	vmov v16;
	v29 =	vld [tilespmem:s10+$0x0];
	v57 =	vadd.f32 v52, v36  }
0x2ac: {  	v16 =	vmovc v59;
	v19 =	vmovc v17;
	v3 =	vbroadcast v3, $0x0;
	v39 =	vld [tilespmem:s10+$0xFFFFFFA0];
	v40 =	vsub.f32 $1.500000000e+00, v41;
	v2 =	vadd.f32 v37, v2  }
0x2ad: {  	v17 =	vmovc v60;
	v54 =	vsub.s32 $0x5F3759DF, v28;
	v28 =	vld [tilespmem:s10+$0x10];
	v55 =	vmul.f32 v31, v31;
	v56 =	vmul.f32 v34, v34;
	(xrf2) =	vadd.scan.msk.f32 $0xffff, v57  }
0x2ae: {  	v20 =	vmovc v61;
	v0 =	vsub.s32 $0x5F3759DF, v38;
	v59 =	vmul.f32 v35, v35;
	v41 =	vld [tilespmem:s10+$0xFFFFFFB0];
	v1 =	vmul.f32 v40, v1;
	(xrf2) =	vadd.scan.msk.f32 $0xffff, v2  }
0x2af: {  	v21 =	vmovc v62;
	v38 =	vld [tilespmem:s10+$0xFFFFFFE0];
	v58 =	vadd.f32 v35, v34;
	v61 =	vadd.f32 v31, v42;
	v62 =	vmul.f32 v42, v42  }
0x2b0: {  	v23 =	vmovc v22;
	v22 =	vmovc v63;
	v36 =	vld [tilespmem:s10+$0x20];
	v56 =	vadd.f32 v59, v56;
	v2 =	vmul.f32 s23, v1;
	v59 =	vmul.f32 v1, v14  }
0x2b1: {  	v40 =	vld [tilespmem:s10+$0xFFFFFFF0];
	v14 =	vmovc v52;
	v52 =	vadd.f32 v39, v61;
	v55 =	vadd.f32 v55, v62;
	v61 =	vmul.f32 v39, v39  }
0x2b2: {  	v11 =	vmovc v9;
	v9 =	vld [tilespmem:$0x1FFF0];
	v60 =	vmul.f32 v29, v29;
	v57 =	vadd.f32 v28, v29;
	v63 =	vmul.f32 v28, v28  }
0x2b3: {  	v59 =	vsub.f32 v59, v2;
	v55 =	vadd.f32 v61, v55;
	v61 =	vmul.f32 v41, v41  }
0x2b4: {  	v58 =	vadd.f32 v38, v58;
	v60 =	vadd.f32 v63, v60;
	v62 =	vmul.f32 v38, v38  }
0x2b5: {  	v37 =	vld [tilespmem:s10+$0x30];
	v57 =	vadd.f32 v36, v57;
	v52 =	vadd.f32 v41, v52;
	v59 =	vmul.f32 v59, v7  }
0x2b6: {  	v63 =	vmul.f32 v36, v36;
	v56 =	vadd.f32 v62, v56;
	v58 =	vadd.f32 v40, v58  }
0x2b7: {  	v62 =	vmul.f32 v40, v40;
	(xrf2) =	vadd.scan.msk.f32 $0xffff, v52;
	v55 =	vadd.f32 v61, v55;
	v52 =	vadd.f32 v59, v9;
	v61, _, _ =	vpop (xrf2)  }
0x2b8: {  	v53 =	vmul.f32 v0, v47;
	v59 =	vadd.f32 v63, v60;
	(v2sf) =	vpush v61, $0xF;
	v60, _, _ =	vpop (xrf2)  }
0x2b9: {  	v56 =	vadd.f32 v62, v56;
	v62 =	vshra.s32 v3, $0x1;
	(v2sf) =	vpush v60, $0xF  }
0x2ba: {  	v63 =	vmul.f32 v37, v37;
	v60 =	vld [tilespmem:$0x1FF30]  }
0x2bb: {  	v53 =	vmul.f32 v0, v53;
	v57 =	vadd.f32 v37, v57;
	v3 =	vmul.f32 $5.000000000e-01, v3;
	(xrf2) =	vadd.scan.msk.f32 $0xffff, v58  }
0x2bc: {  	v58 =	vmul.f32 v54, v48;
	[tilespmem:s1+$0x70] =	vst v52;
	v52 =	vadd.f32 v63, v59;
	v59 =	vsub.s32 $0x5F3759DF, v62;
	v62 =	vmovc v49  }
0x2bd: {  	(xrf2) =	vadd.scan.msk.f32 $0xffff, v57;
	v57 =	vmul.f32 v1, v22;
	v61 =	vmul.f32 v59, v3  }
0x2be: {  	v58 =	vmul.f32 v54, v58;
	v49 =	vsub.f32 $1.500000000e+00, v53;
	[tilespmem:$0x1FF30] =	vst v62  }
0x2bf: {  	v53 =	vmul.f32 v59, v61;
	v62 =	vmovc v51;
	v51 =	vsub.f32 v57, v2;
	v57 =	vld [tilespmem:$0x1FFD0];
	v60 =	vmul.f32 v1, v60  }
0x2c0: {  	v63 =	vmov v50;
	v50 =	vsub.f32 $1.500000000e+00, v58;
	v0 =	vmul.f32 v0, v49  }
0x2c1: {  	v32 =	vmul.f32 v32, v6;
	v25 =	vmul.f32 v25, v7;
	v49 =	vsub.f32 $1.500000000e+00, v53  }
0x2c2: {  	v24 =	vadd.f32 v24, v8;
	(xrf2) =	vadd.scan.msk.f32 $0xffff, v55;
	v50 =	vmul.f32 v54, v50;
	v61 =	vmul.f32 v0, v47  }
0x2c3: {  	v1 =	vmul.f32 v1, v21;
	v49 =	vmul.f32 v59, v49;
	v58 =	vsub.f32 v60, v2;
	v60, _, _ =	vpop (xrf2);
	(xrf2) =	vadd.scan.msk.f32 $0xffff, v56;
	v56 =	vld [tilespmem:$0x1FFE0]  }
0x2c4: {  	v53 =	vmul.f32 v61, v0;
	v26 =	vadd.f32 v26, v57;
	(v2sf) =	vpush v60, $0xF  }
0x2c5: {  	v55 =	vadd.f32 v46, v9;
	v61 =	vmul.f32 v49, v3;
	v60 =	vmul.f32 v50, v48  }
0x2c6: {  	v1 =	vsub.f32 v1, v2;
	v2 =	vmul.f32 v33, v5;
	[tilespmem:s0+$0xFFFFFF90] =	vst v26;
	v26 =	vadd.f32 v27, v9  }
0x2c7: {  	v27 =	vsub.f32 $1.500000000e+00, v53;
	v33 =	vmul.f32 v60, v50;
	v60 =	vmul.f32 v61, v49;
	s24 =	spop (v2sf)  }
0x2c8: {  	v51 =	vmul.f32 v51, v5;
	v45 =	vadd.f32 v45, v57;
	v59, _, _ =	vpop (xrf2);
	(xrf2) =	vadd.scan.msk.f32 $0xffff, v52;
	v30 =	vadd.f32 v30, v56;
	s23 =	smul.f32 $1.562500000e-02, s24;
	s25 =	spop (v2sf)  }
0x2c9: {  	v2 =	vadd.f32 v2, v57;
	v0 =	vmul.f32 v27, v0;
	v27 =	vsub.f32 $1.500000000e+00, v60;
	s12 =	smul.f32 $1.562500000e-02, s25  }
0x2ca: {  	v1 =	vmul.f32 v1, v6;
	(v2sf) =	vpush v59, $0xF;
	v61, _, _ =	vpop (xrf2);
	[tilespmem:s0+$0xFFFFFFA0] =	vst v30;
	v30 =	vsub.f32 $1.500000000e+00, v33;
	s26 =	smul.f32 s23, s23  }
0x2cb: {  	[tilespmem:s0+$0xFFFFFFC0] =	vst v24;
	(v2sf) =	vpush v61, $0xF;
	v24 =	vadd.f32 v44, v56;
	v27 =	vmul.f32 v27, v49  }
0x2cc: {  	[tilespmem:s0+$0xFFFFFFB0] =	vst v26;
	v54, _, _ =	vpop (xrf2);
	v61 =	vadd.f32 v25, v9;
	v26 =	vmul.f32 v30, v50;
	v30 =	vmul.f32 v0, v47;
	s12 =	ssub.f32 s12, s26  }
0x2cd: {  	(v2sf) =	vpush v54, $0xF;
	[tilespmem:s0+$0xFFFFFFE0] =	vst v24;
	v24 =	vadd.f32 v43, v8;
	v3 =	vmul.f32 v27, v3  }
0x2ce: {  	v48 =	vmul.f32 v26, v48;
	v30 =	vmul.f32 v30, v0;
	v43 =	vmov s12  }
0x2cf: {  	v33 =	vmul.f32 v58, v4;
	v59, _, _ =	vpop (xrf2);
	v3 =	vmul.f32 v3, v27;
	v44 =	vadd.f32 $9.999999740e-06, v43  }
0x2d0: {  	(v2sf) =	vpush v59, $0xF;
	v58 =	vmul.f32 v48, v26;
	v30 =	vsub.f32 $1.500000000e+00, v30  }
0x2d1: {  	[tilespmem:s0+$0x10] =	vst v2;
	v9 =	vld [tilespmem:$0x1FF20];
	v32 =	vadd.f32 v32, v56;
	v3 =	vsub.f32 $1.500000000e+00, v3;
	v2 =	vbroadcast v44, $0x0  }
0x2d2: {  	v1 =	vadd.f32 v1, v56;
	[tilespmem:s0+$0x0] =	vst v24;
	v24, _, _ =	vpop (xrf2);
	v60 =	vsub.f32 $1.500000000e+00, v58;
	v0 =	vmul.f32 v30, v0  }
0x2d3: {  	[tilespmem:s0+$0x30] =	vst v61;
	v61 =	vmovc v39;
	v3 =	vmul.f32 v3, v27;
	s24 =	spop (v2sf);
	(v2sf) =	vpush v24, $0xF;
	v39 =	vmul.f32 $5.000000000e-01, v2  }
0x2d4: {  	[tilespmem:s0+$0xFFFFFFF0] =	vst v55;
	v30 =	vadd.f32 v51, v57;
	v25 =	vmul.f32 v60, v26;
	v24 =	vmul.f32 s11, v0  }
0x2d5: {  	[tilespmem:s0+$0xFFFFFFD0] =	vst v45;
	v46 =	vshra.s32 v2, $0x1;
	v27 =	vmul.f32 v0, v17;
	v45 =	vmul.f32 v0, v20  }
0x2d6: {  	[tilespmem:s0+$0x20] =	vst v32;
	s0 =	smov.u32 s1;
	v26 =	vadd.f32 v33, v8;
	v51 =	vmul.f32 s13, v3;
	v52 =	vmul.f32 v3, v9  }
0x2d7: {  	[tilespmem:s0+$0x60] =	vst v1;
	s11 =	smul.f32 $1.562500000e-02, s24;
	v1 =	vsub.s32 $0x5F3759DF, v46;
	v54 =	vmul.f32 v3, v15;
	v55 =	vmul.f32 v3, v18  }
0x2d8: {  	v49 =	vmul.f32 v1, v39;
	[tilespmem:s0+$0x40] =	vst v26;
	v26 =	vmul.f32 v0, v13  }
0x2d9: {  	[tilespmem:s0+$0x50] =	vst v30;
	s25 =	spop (v2sf);
	s12 =	smul.f32 s11, s11;
	v27 =	vsub.f32 v27, v24;
	v0 =	vmul.f32 v0, v23;
	v30 =	vmul.f32 s3, v25  }
0x2da: {  	v58 =	vmovc v31;
	s3 =	smul.f32 $1.562500000e-02, s25;
	v31 =	vmul.f32 v25, v10;
	v47 =	vmul.f32 v25, v12;
	s26 =	spop (v2sf);
	v50 =	vsub.f32 v45, v24  }
0x2db: {  	v48 =	vmul.f32 v25, v16;
	v33 =	vsub.f32 v52, v51;
	v32 =	vsub.f32 v54, v51;
	s13 =	smul.f32 $1.562500000e-02, s26  }
0x2dc: {  	s8 =	sadd.s32 $0x4, s8;
	v9 =	vmovc v29;
	v29 =	vmul.f32 v1, v49;
	s26 =	spop (v2sf);
	v26 =	vsub.f32 v26, v24;
	s25 =	smul.f32 s3, s3;
	v0 =	vsub.f32 v0, v24  }
0x2dd: {  	p1 =	slt.u32 s8, $0x7C;
	v10 =	vmovc v35;
	v25 =	vmul.f32 v25, v19;
	v53 =	vsub.f32 v31, v30;
	s26 =	smul.f32 $1.562500000e-02, s26;
	v35 =	vsub.f32 v47, v30  }
.Ltmp2:
0x2de: {  	v22 =	vmovc v41;
	v59 =	vmovc v38;
	v24 =	vmul.f32 v3, v11;
	v31 =	vsub.f32 v48, v30;
	v56 =	vsub.f32 $1.500000000e+00, v29;
	(pc) =	sbr.rel @p1 .LBB2_7-.Ltmp2, $4  }
0x2df: {  	v12 =	vmovc v28;
	v28 =	vsub.f32 v25, v30;
	v30 =	vmul.f32 v50, v6;
	v29 =	vmul.f32 v27, v4;
	s12 =	ssub.f32 s26, s12;
	s26 =	spop (v2sf)  }
0x2e0: {  	v13 =	vmovc v36;
	v25 =	vsub.f32 v55, v51;
	v26 =	vmul.f32 v26, v5;
	v36 =	vmul.f32 v1, v56;
	s26 =	smul.f32 $1.562500000e-02, s26  }
0x2e1: {  	s1 =	smov.u32 s10;
	v8 =	vmovc v34;
	v17 =	vmovc v40;
	s24 =	smul.f32 s13, s13;
	v34 =	vsub.f32 v24, v51;
	v27 =	vmul.f32 v0, v7;
	v57 =	vmov s12  }
0x2e2: {  	s10 =	sadd.s32 $0x100, s10;
	v60 =	vmovc v42;
	v16 =	vmovc v37;
	v24 =	vmul.f32 v53, v4;
	v37 =	vadd.f32 $9.999999740e-06, v57;
	v38 =	vmul.f32 v36, v39;
	s25 =	ssub.f32 s26, s25;
	s26 =	spop (v2sf)  }
0x2e3: {  	v4 =	vld [tilespmem:$0x1FF90]  }
0x2e4: {  	v5 =	vld [tilespmem:$0x1FFA0];
	v0 =	vmul.f32 v38, v36  }
0x2e5: {  	s8 =	smul.f32 $1.562500000e-02, s26;
	v6 =	vld [tilespmem:$0x1FFB0];
	v1 =	vmov s25;
	v3 =	vbroadcast v37, $0x0  }
0x2e6: {  	v1 =	vadd.f32 $9.999999740e-06, v1;
	v0 =	vsub.f32 $1.500000000e+00, v0  }
0x2e7: {  	s8 =	ssub.f32 s8, s24;
	v37 =	vshra.s32 v3, $0x1;
	v3 =	vmul.f32 $5.000000000e-01, v3  }
0x2e8: {  	v1 =	vbroadcast v1, $0x0;
	v37 =	vsub.s32 $0x5F3759DF, v37;
	v0 =	vmul.f32 v0, v36  }
0x2e9: {  	v51 =	vmov s8;
	v35 =	vmul.f32 v35, v4;
	v53 =	vmul.f32 v37, v3  }
0x2ea: {  	v36 =	vadd.f32 $9.999999740e-06, v51;
	v31 =	vmul.f32 v31, v5;
	v28 =	vmul.f32 v28, v6  }
0x2eb: {  	v52 =	vshra.s32 v1, $0x1;
	v1 =	vmul.f32 $5.000000000e-01, v1;
	v2 =	vmul.f32 v0, v39  }
0x2ec: {  	v33 =	vmul.f32 v33, v4;
	v38 =	vsub.s32 $0x5F3759DF, v52;
	v39 =	vmul.f32 v37, v53  }
0x2ed: {  	v41 =	vmul.f32 v38, v1;
	v2 =	vmul.f32 v2, v0  }
0x2ee: {  	v32 =	vmul.f32 v32, v5;
	v36 =	vbroadcast v36, $0x0;
	v39 =	vsub.f32 $1.500000000e+00, v39  }
0x2ef: {  	v7 =	vld [tilespmem:$0x1FF30];
	v25 =	vmul.f32 v25, v6;
	v41 =	vmul.f32 v38, v41;
	v2 =	vsub.f32 $1.500000000e+00, v2  }
0x2f0: {  	v54 =	vshra.s32 v36, $0x1;
	v36 =	vmul.f32 $5.000000000e-01, v36;
	v37 =	vmul.f32 v37, v39  }
0x2f1: {  	v57 =	vld [tilespmem:$0x1FFF0];
	v41 =	vsub.f32 $1.500000000e+00, v41;
	v0 =	vmul.f32 v2, v0;
	v2 =	vsub.s32 $0x5F3759DF, v54  }
0x2f2: {  	v39 =	vmul.f32 v37, v3;
	v42 =	vmul.f32 v2, v36  }
0x2f3: {  	v38 =	vmul.f32 v38, v41;
	v40 =	vmul.f32 s23, v0  }
0x2f4: {  	v23 =	vmul.f32 v0, v14;
	v21 =	vmul.f32 v0, v7  }
0x2f5: {  	v54 =	vld [tilespmem:$0x1FF80];
	v19 =	vmul.f32 v39, v37;
	v42 =	vmul.f32 v2, v42  }
0x2f6: {  	v27 =	vadd.f32 v27, v57;
	v20 =	vmul.f32 v0, v63;
	v41 =	vmul.f32 v38, v1  }
0x2f7: {  	v7 =	vld [tilespmem:$0x1FFC0];
	v0 =	vmul.f32 v0, v62;
	v19 =	vsub.f32 $1.500000000e+00, v19;
	v42 =	vsub.f32 $1.500000000e+00, v42  }
0x2f8: {  	v23 =	vsub.f32 v23, v40;
	v21 =	vsub.f32 v21, v40;
	v55 =	vmul.f32 v41, v38  }
0x2f9: {  	v20 =	vsub.f32 v20, v40;
	v19 =	vmul.f32 v19, v37;
	v2 =	vmul.f32 v2, v42  }
0x2fa: {  	v0 =	vsub.f32 v0, v40;
	v34 =	vmul.f32 v34, v54;
	v23 =	vmul.f32 v23, v6  }
0x2fb: {  	v39 =	vsub.f32 $1.500000000e+00, v55;
	v55 =	vld [tilespmem:$0x1FFD0];
	v3 =	vmul.f32 v19, v3;
	v42 =	vmul.f32 v2, v36  }
0x2fc: {  	v21 =	vmul.f32 v21, v54;
	v20 =	vmul.f32 v20, v4;
	v29 =	vadd.f32 v29, v7  }
0x2fd: {  	v24 =	vadd.f32 v24, v7;
	v3 =	vmul.f32 v3, v19;
	v56 =	vmul.f32 v42, v2  }
0x2fe: {  	v23 =	vadd.f32 v23, v57;
	v21 =	vadd.f32 v21, v7;
	v63 =	vmul.f32 v39, v38  }
0x2ff: {  	v0 =	vmul.f32 v0, v5;
	v3 =	vsub.f32 $1.500000000e+00, v3;
	v62 =	vsub.f32 $1.500000000e+00, v56;
	v56 =	vld [tilespmem:$0x1FFE0];
	[tilespmem:s0+$0xFFFFFF80] =	vst v29  }
0x300: {  	v1 =	vmul.f32 v63, v1;
	v26 =	vadd.f32 v26, v55;
	v20 =	vadd.f32 v20, v55;
	[tilespmem:s1+$0x70] =	vst v23  }
0x301: {  	v29 =	vadd.f32 v35, v55;
	v23 =	vadd.f32 v28, v57;
	[tilespmem:s0+$0xFFFFFFB0] =	vst v27;
	v3 =	vmul.f32 v3, v19  }
0x302: {  	v1 =	vmul.f32 v1, v63;
	v27 =	vadd.f32 v33, v55;
	[tilespmem:s0+$0xFFFFFFC0] =	vst v24;
	v2 =	vmul.f32 v62, v2  }
0x303: {  	[tilespmem:s0+$0xFFFFFF90] =	vst v26;
	v26 =	vadd.f32 v34, v7;
	v24 =	vmul.f32 s11, v3;
	v15 =	vmul.f32 v3, v60  }
0x304: {  	v1 =	vsub.f32 $1.500000000e+00, v1;
	v11 =	vmul.f32 v3, v58;
	v18 =	vmul.f32 v3, v61  }
0x305: {  	[tilespmem:s1+$0x40] =	vst v21;
	v19 =	vadd.f32 v25, v57;
	v3 =	vmul.f32 v3, v22;
	v36 =	vmul.f32 v2, v36  }
0x306: {  	[tilespmem:s1+$0x50] =	vst v20;
	v1 =	vmul.f32 v1, v63;
	v30 =	vadd.f32 v30, v56;
	v31 =	vadd.f32 v31, v56  }
0x307: {  	[tilespmem:s0+$0xFFFFFFD0] =	vst v29;
	v0 =	vadd.f32 v0, v56;
	v15 =	vsub.f32 v15, v24;
	v28 =	vmul.f32 v36, v2  }
0x308: {  	[tilespmem:s0+$0xFFFFFFF0] =	vst v23;
	v11 =	vsub.f32 v11, v24;
	v22 =	vmul.f32 s3, v1;
	v8 =	vmul.f32 v1, v8  }
0x309: {  	[tilespmem:s0+$0x10] =	vst v27;
	v3 =	vsub.f32 v3, v24;
	v10 =	vmul.f32 v1, v10;
	v14 =	vmul.f32 v1, v59  }
0x30a: {  	v1 =	vmul.f32 v1, v17;
	v17 =	vsub.f32 v18, v24;
	[tilespmem:s0+$0xFFFFFFA0] =	vst v30;
	v30 =	vadd.f32 v32, v56  }
0x30b: {  	[tilespmem:s0+$0x0] =	vst v26;
	v15 =	vmul.f32 v15, v54;
	v11 =	vmul.f32 v11, v4;
	v28 =	vsub.f32 $1.500000000e+00, v28  }
0x30c: {  	[tilespmem:s0+$0x30] =	vst v19;
	v3 =	vmul.f32 v3, v6;
	v8 =	vsub.f32 v8, v22;
	v10 =	vsub.f32 v10, v22  }
0x30d: {  	[tilespmem:s0+$0xFFFFFFE0] =	vst v31;
	v17 =	vmul.f32 v17, v5;
	v36 =	vsub.f32 v14, v22;
	v1 =	vsub.f32 v1, v22  }
0x30e: {  	[tilespmem:s1+$0x60] =	vst v0;
	v15 =	vadd.f32 v15, v7;
	v2 =	vmul.f32 v28, v2;
	v8 =	vmul.f32 v8, v54  }
0x30f: {  	[tilespmem:s0+$0x20] =	vst v30;
	v11 =	vadd.f32 v11, v55;
	v10 =	vmul.f32 v10, v4;
	v0 =	vmul.f32 v36, v5  }
0x310: {  	v3 =	vadd.f32 v3, v57;
	[tilespmem:s1+$0xFFFFFF80] =	vst v15;
	v18 =	vmul.f32 s13, v2;
	v9 =	vmul.f32 v2, v9  }
0x311: {  	v14 =	vadd.f32 v17, v56;
	v1 =	vmul.f32 v1, v6;
	[tilespmem:s1+$0xFFFFFF90] =	vst v11;
	v12 =	vmul.f32 v2, v12  }
0x312: {  	[tilespmem:s1+$0xFFFFFFB0] =	vst v3;
	v13 =	vmul.f32 v2, v13;
	v8 =	vadd.f32 v8, v7;
	v9 =	vsub.f32 v9, v18  }
0x313: {  	v2 =	vmul.f32 v2, v16;
	[tilespmem:s1+$0xFFFFFFA0] =	vst v14;
	v37 =	vadd.f32 v10, v55;
	v11 =	vsub.f32 v12, v18  }
0x314: {  	v0 =	vadd.f32 v0, v56;
	v10 =	vsub.f32 v13, v18;
	[tilespmem:s1+$0xFFFFFFC0] =	vst v8;
	v9 =	vmul.f32 v9, v54  }
0x315: {  	v1 =	vadd.f32 v1, v57;
	v2 =	vsub.f32 v2, v18;
	[tilespmem:s1+$0xFFFFFFD0] =	vst v37;
	v8 =	vmul.f32 v11, v4  }
0x316: {  	[tilespmem:s1+$0xFFFFFFE0] =	vst v0;
	v38 =	vmul.f32 v10, v5;
	v39 =	vadd.f32 v9, v7  }
0x317: {  	[tilespmem:s1+$0xFFFFFFF0] =	vst v1;
	v2 =	vmul.f32 v2, v6;
	v8 =	vadd.f32 v8, v55  }
0x318: {  	s11 =	sshll.u32 s30, $0xD;
	v40 =	vadd.f32 v38, v56;
	[tilespmem:s1+$0x0] =	vst v39  }
0x319: {  	s0 =	sadd.s32 s6, s11;
	v41 =	vadd.f32 v2, v57;
	[tilespmem:s1+$0x10] =	vst v8  }
0x31a: {  	s0 =	sshrl.u32 s0, $0x3;
	[tilespmem:s1+$0x20] =	vst v40  }
0x31b: {  	s0 =	sadd.s32 s4, s0;
	[tilespmem:s1+$0x30] =	vst v41  }
0x31c: {  	[hbm4b:s0+s5] =	stream.linear.scatter [tilespmem:s17], [sflag:$0x7], $0x2000, $0x38;
	[tilespmem:$0xE480] =	vst v63  }
0x31d: {  	s0 =	simm.s32 @!p0 $0x6  }
0x31e: {  	_ =	swait.ge @!p0 [sflag:s0], $0x2000  }
0x31f: {  	s1 =	simm.s32 @!p0 $0x80;
	[sflag:s0] =	ssyncset.done @!p0 $0x0  }
0x320: {  	[sflag:s0] =	ssyncadd.s32 @!p0 $0xFFFFE000;
	s0 =	sadd.s32 @!p0 $0x280, s2;
	s2 =	simm.s32 @!p0 $0x8400  }
0x321: {  	[tilespmem:s2], [sflag:$0x2] =	stream.indirect.gather @!p0 [hbm4b:s7+s1], $0x40, s0, s1, $0xb8;
	[tilespmem:$0xE480] =	vst v63  }
0x322: {  	_ =	swait.ge [sflag:s22], $0x2000  }
0x323: {  	[sflag:s22] =	ssyncset.done $0x0  }
0x324: {  	s0 =	simm.s32 $0xC480;
	[sflag:s22] =	ssyncadd.s32 $0xFFFFE000  }
0x325: {  	v38 =	vld [tilespmem:s0+$0x40]  }
0x326: {  	v37 =	vld [tilespmem:s0+$0x50];
	_ =	sdelay $0x1  }
0x327: {  	v36 =	vld [tilespmem:s0+$0x60];
	_ =	sdelay $0x1  }
0x328: {  	v16 =	vld [tilespmem:s0+$0x70]  }
0x329: {  	v42 =	vmul.f32 v38, v38;
	v43 =	vmul.f32 v37, v37  }
0x32a: {  	v44 =	vadd.f32 v37, v38  }
0x32b: {  	v45 =	vmul.f32 v36, v36;
	v0 =	vadd.f32 v43, v42  }
0x32c: {  	v2 =	vadd.f32 v36, v44  }
0x32d: {  	v46 =	vmul.f32 v16, v16;
	v0 =	vadd.f32 v45, v0  }
0x32e: {  	v31 =	vld [tilespmem:s0+$0xFFFFFF90];
	v2 =	vadd.f32 v16, v2  }
0x32f: {  	v29 =	vld [tilespmem:s0+$0xFFFFFFC0];
	v0 =	vadd.f32 v46, v0  }
0x330: {  	v28 =	vld [tilespmem:s0+$0xFFFFFFD0];
	(xrf2) =	vadd.scan.msk.f32 $0xffff, v2  }
0x331: {  	v24 =	vld [tilespmem:s0+$0x0];
	(xrf2) =	vadd.scan.msk.f32 $0xffff, v0  }
0x332: {  	v34 =	vld [tilespmem:s0+$0xFFFFFF80]  }
0x333: {  	v26 =	vld [tilespmem:s0+$0x10]  }
0x334: {  	v35 =	vld [tilespmem:s0+$0xFFFFFFA0]  }
0x335: {  	v25 =	vld [tilespmem:s0+$0x20]  }
0x336: {  	v30 =	vld [tilespmem:s0+$0xFFFFFFE0]  }
0x337: {  	v33 =	vld [tilespmem:s0+$0xFFFFFFB0];
	v48 =	vmul.f32 v31, v31;
	v50 =	vmul.f32 v34, v34  }
0x338: {  	v32 =	vld [tilespmem:s0+$0xFFFFFFF0];
	v47 =	vadd.f32 v31, v34;
	v8 =	vadd.f32 v26, v24  }
0x339: {  	v27 =	vld [tilespmem:s0+$0x30];
	v49 =	vadd.f32 v28, v29;
	v1 =	vadd.f32 v48, v50  }
0x33a: {  	v9 =	vmul.f32 v29, v29;
	v8 =	vadd.f32 v25, v8;
	v0 =	vadd.f32 v35, v47;
	v51, _, _ =	vpop (xrf2)  }
0x33b: {  	v10 =	vmul.f32 v35, v35;
	v2 =	vadd.f32 v30, v49;
	(v2sf) =	vpush v51, $0xF;
	v52, _, _ =	vpop (xrf2)  }
0x33c: {  	v11 =	vmul.f32 v28, v28;
	v0 =	vadd.f32 v33, v0;
	(v2sf) =	vpush v52, $0xF  }
0x33d: {  	v53 =	vmul.f32 v33, v33;
	v1 =	vadd.f32 v10, v1;
	v2 =	vadd.f32 v32, v2  }
0x33e: {  	v8 =	vadd.f32 v27, v8;
	(xrf2) =	vadd.scan.msk.f32 $0xffff, v0  }
0x33f: {  	v58 =	vadd.f32 v11, v9;
	v9 =	vmul.f32 v30, v30;
	v1 =	vadd.f32 v53, v1;
	(xrf2) =	vadd.scan.msk.f32 $0xffff, v2  }
0x340: {  	v59 =	vmul.f32 v32, v32;
	(xrf2) =	vadd.scan.msk.f32 $0xffff, v8  }
0x341: {  	v60 =	vmul.f32 v24, v24;
	v61 =	vmul.f32 v26, v26;
	v0 =	vadd.f32 v9, v58;
	(xrf2) =	vadd.scan.msk.f32 $0xffff, v1;
	_ =	sdelay $0x1  }
0x342: {  	v62 =	vmul.f32 v25, v25;
	v0 =	vadd.f32 v59, v0;
	v1 =	vadd.f32 v61, v60;
	_ =	sdelay $0x1  }
0x343: {  	v39 =	vmul.f32 v27, v27;
	(xrf2) =	vadd.scan.msk.f32 $0xffff, v0;
	v63 =	vadd.f32 v62, v1;
	_ =	sdelay $0x1  }
0x344: {  	v0 =	vadd.f32 v39, v63  }
0x345: {  	v40, _, _ =	vpop (xrf2)  }
0x346: {  	(v2sf) =	vpush v40, $0xF;
	v41, _, _ =	vpop (xrf2);
	(xrf2) =	vadd.scan.msk.f32 $0xffff, v0  }
0x347: {  	(v2sf) =	vpush v41, $0xF;
	v42, _, _ =	vpop (xrf2);
	s12 =	spop (v2sf)  }
0x348: {  	v43, _, _ =	vpop (xrf2);
	(v2sf) =	vpush v42, $0xF;
	s10 =	smul.f32 $1.562500000e-02, s12;
	s13 =	spop (v2sf)  }
0x349: {  	(v2sf) =	vpush v43, $0xF;
	s1 =	smul.f32 $1.562500000e-02, s13  }
0x34a: {  	s23 =	smul.f32 s10, s10;
	_ =	sdelay $0x1  }
0x34b: {  	v44, _, _ =	vpop (xrf2);
	s1 =	ssub.f32 s1, s23  }
0x34c: {  	(v2sf) =	vpush v44, $0xF  }
0x34d: {  	v45 =	vmov s1  }
0x34e: {  	v0 =	vadd.f32 $9.999999740e-06, v45  }
0x34f: {  	v46, _, _ =	vpop (xrf2)  }
0x350: {  	(v2sf) =	vpush v46, $0xF;
	v0 =	vbroadcast v0, $0x0;
	_ =	sdelay $0x1  }
0x351: {  	s1 =	simm.s32 $0xC580;
	v47 =	vshra.s32 v0, $0x1;
	v0 =	vmul.f32 $5.000000000e-01, v0  }
0x352: {  	v62 =	vld [tilespmem:s1+$0x40];
	v1 =	vsub.s32 $0x5F3759DF, v47  }
0x353: {  	v21 =	vld [tilespmem:s1+$0x50];
	s24 =	spop (v2sf);
	v48 =	vmul.f32 v1, v0  }
0x354: {  	s3 =	smul.f32 $1.562500000e-02, s24;
	s25 =	spop (v2sf)  }
0x355: {  	s30 =	spop (v2sf);
	v2 =	vmul.f32 v1, v48  }
0x356: {  	v58 =	vld [tilespmem:s1+$0xFFFFFF90];
	s26 =	smul.f32 s3, s3;
	s23 =	spop (v2sf)  }
0x357: {  	v60 =	vld [tilespmem:s1+$0xFFFFFF80];
	s12 =	smul.f32 $1.562500000e-02, s23;
	v2 =	vsub.f32 $1.500000000e+00, v2  }
0x358: {  	s2 =	smul.f32 $1.562500000e-02, s25;
	v9 =	vmul.f32 v62, v62;
	v10 =	vmul.f32 v21, v21  }
0x359: {  	v63 =	vld [tilespmem:s1+$0x60];
	s8 =	ssub.f32 s12, s26;
	v1 =	vmul.f32 v1, v2  }
0x35a: {  	s24 =	smul.f32 s2, s2;
	v51 =	vadd.f32 v10, v9;
	v10 =	vld [tilespmem:s1+$0xFFFFFFD0];
	s25 =	spop (v2sf)  }
0x35b: {  	v14 =	vld [tilespmem:s1+$0x70];
	s12 =	smul.f32 $1.562500000e-02, s25;
	v49 =	vmov s8;
	v50 =	vmul.f32 v1, v0  }
0x35c: {  	v53 =	vmul.f32 v58, v58;
	v48 =	vmul.f32 v60, v60;
	s26 =	smul.f32 $1.562500000e-02, s30;
	v2 =	vadd.f32 $9.999999740e-06, v49  }
0x35d: {  	v11 =	vadd.f32 v21, v62;
	s12 =	ssub.f32 s12, s24;
	v3 =	vmul.f32 v50, v1  }
0x35e: {  	v15 =	vmul.f32 v63, v63;
	v42 =	vadd.f32 v53, v48;
	s11 =	smul.f32 s26, s26;
	s30 =	spop (v2sf);
	v2 =	vbroadcast v2, $0x0  }
0x35f: {  	v9 =	vld [tilespmem:s1+$0x0];
	v45 =	vmul.f32 v10, v10;
	v8 =	vmov s12;
	s12 =	smul.f32 $1.562500000e-02, s30;
	v3 =	vsub.f32 $1.500000000e+00, v3  }
0x360: {  	v12 =	vadd.f32 $9.999999740e-06, v8;
	v8 =	vld [tilespmem:s1+$0xFFFFFFC0];
	[tilespmem:$0x1FF10] =	vst v14;
	v13 =	vshra.s32 v2, $0x1;
	v2 =	vmul.f32 $5.000000000e-01, v2  }
0x361: {  	s11 =	ssub.f32 s12, s11;
	v61 =	vld [tilespmem:s1+$0xFFFFFFA0];
	v1 =	vmul.f32 v3, v1;
	v39 =	vsub.s32 $0x5F3759DF, v13;
	v13 =	vadd.f32 v63, v11  }
0x362: {  	v59 =	vld [tilespmem:s1+$0xFFFFFFE0];
	v17 =	vbroadcast v12, $0x0;
	v3 =	vadd.f32 v15, v51;
	v11 =	vmul.f32 v14, v14  }
0x363: {  	v12 =	vmov s11;
	v0 =	vmul.f32 v1, v0;
	v13 =	vadd.f32 v14, v13  }
0x364: {  	v22 =	vadd.f32 $9.999999740e-06, v12;
	v40 =	vmul.f32 v39, v2;
	v3 =	vadd.f32 v11, v3  }
0x365: {  	v52 =	vshra.s32 v17, $0x1;
	v41 =	vmul.f32 $5.000000000e-01, v17;
	v0 =	vmul.f32 v0, v1;
	(xrf2) =	vadd.scan.msk.f32 $0xffff, v13  }
0x366: {  	v44 =	vmul.f32 v8, v8;
	v46 =	vadd.f32 v10, v8;
	v43 =	vbroadcast v22, $0x0;
	(xrf2) =	vadd.scan.msk.f32 $0xffff, v3  }
0x367: {  	v14 =	vld [tilespmem:s1+$0xFFFFFFB0];
	v48 =	vmul.f32 v61, v61;
	v51 =	vmul.f32 v59, v59;
	v0 =	vsub.f32 $1.500000000e+00, v0  }
0x368: {  	v17 =	vld [tilespmem:s1+$0xFFFFFFF0];
	v40 =	vmul.f32 v39, v40;
	v3 =	vsub.s32 $0x5F3759DF, v52;
	v52 =	vadd.f32 v58, v60  }
0x369: {  	v12 =	vld [tilespmem:s1+$0x10];
	v44 =	vadd.f32 v45, v44;
	v42 =	vadd.f32 v48, v42;
	v0 =	vmul.f32 v0, v1  }
0x36a: {  	v48 =	vshra.s32 v43, $0x1;
	v43 =	vmul.f32 $5.000000000e-01, v43;
	v1 =	vadd.f32 v61, v52  }
0x36b: {  	v13 =	vld [tilespmem:s1+$0x20];
	v46 =	vadd.f32 v59, v46;
	v45 =	vmul.f32 s10, v0;
	v16 =	vmul.f32 v0, v16  }
0x36c: {  	v40 =	vsub.f32 $1.500000000e+00, v40;
	v48 =	vsub.s32 $0x5F3759DF, v48;
	v1 =	vadd.f32 v14, v1  }
0x36d: {  	v46 =	vadd.f32 v17, v46;
	v53 =	vmul.f32 v48, v43;
	v50 =	vsub.f32 v16, v45;
	v16 =	vld [tilespmem:s1+$0x30]  }
0x36e: {  	v47 =	vadd.f32 v12, v9;
	(xrf2) =	vadd.scan.msk.f32 $0xffff, v1  }
0x36f: {  	v44 =	vadd.f32 v51, v44;
	v39 =	vmul.f32 v39, v40;
	(xrf2) =	vadd.scan.msk.f32 $0xffff, v46;
	v46 =	vmul.f32 v48, v53;
	v51, _, _ =	vpop (xrf2)  }
0x370: {  	v52 =	vmul.f32 v3, v41;
	v47 =	vadd.f32 v13, v47;
	(v2sf) =	vpush v51, $0xF;
	v51, _, _ =	vpop (xrf2)  }
0x371: {  	v1 =	vmul.f32 v14, v14;
	v40 =	vsub.f32 $1.500000000e+00, v46;
	(v2sf) =	vpush v51, $0xF  }
0x372: {  	v49 =	vmul.f32 v9, v9;
	v51 =	vmul.f32 v3, v52;
	v47 =	vadd.f32 v16, v47  }
0x373: {  	v1 =	vadd.f32 v1, v42;
	v52 =	vmul.f32 v12, v12;
	v40 =	vmul.f32 v48, v40  }
0x374: {  	v46 =	vmul.f32 v16, v16;
	v42 =	vsub.f32 $1.500000000e+00, v51;
	v51 =	vmul.f32 v17, v17;
	(xrf2) =	vadd.scan.msk.f32 $0xffff, v47  }
0x375: {  	v53 =	vadd.f32 v52, v49;
	v49 =	vmul.f32 v13, v13;
	v52 =	vmul.f32 v39, v2;
	(xrf2) =	vadd.scan.msk.f32 $0xffff, v1  }
0x376: {  	v1 =	vmul.f32 v3, v42;
	v51 =	vadd.f32 v51, v44;
	v42 =	vmul.f32 v40, v43  }
0x377: {  	v44 =	vadd.f32 v49, v53;
	v3 =	vmul.f32 v52, v39;
	v52 =	vmul.f32 v50, v6  }
0x378: {  	(xrf2) =	vadd.scan.msk.f32 $0xffff, v51;
	v42 =	vmul.f32 v42, v40  }
0x379: {  	v53 =	vmul.f32 v1, v41;
	v44 =	vadd.f32 v46, v44;
	v3 =	vsub.f32 $1.500000000e+00, v3  }
0x37a: {  	v38 =	vmul.f32 v0, v38;
	v37 =	vmul.f32 v0, v37;
	v48 =	vsub.f32 $1.500000000e+00, v42  }
0x37b: {  	v47 =	vadd.f32 v52, v57;
	v53 =	vmul.f32 v53, v1;
	v52, _, _ =	vpop (xrf2);
	(xrf2) =	vadd.scan.msk.f32 $0xffff, v44;
	v3 =	vmul.f32 v3, v39  }
0x37c: {  	v0 =	vmul.f32 v0, v36;
	v57, _, _ =	vpop (xrf2);
	(v2sf) =	vpush v52, $0xF;
	v39 =	vmul.f32 v48, v40  }
0x37d: {  	v53 =	vsub.f32 $1.500000000e+00, v53;
	(v2sf) =	vpush v57, $0xF;
	v2 =	vmul.f32 v3, v2  }
0x37e: {  	v38 =	vsub.f32 v38, v45;
	v37 =	vsub.f32 v37, v45;
	v52 =	vmul.f32 v39, v43;
	v49, _, _ =	vpop (xrf2)  }
0x37f: {  	v1 =	vmul.f32 v53, v1;
	v2 =	vmul.f32 v2, v3;
	(v2sf) =	vpush v49, $0xF;
	v50, _, _ =	vpop (xrf2);
	s11 =	spop (v2sf)  }
0x380: {  	v0 =	vsub.f32 v0, v45;
	v36 =	vmul.f32 v52, v39;
	s13 =	smul.f32 $1.562500000e-02, s11;
	(v2sf) =	vpush v50, $0xF;
	s12 =	spop (v2sf)  }
0x381: {  	v38 =	vmul.f32 v38, v54;
	v51 =	vmul.f32 v1, v41;
	v2 =	vsub.f32 $1.500000000e+00, v2;
	s10 =	smul.f32 $1.562500000e-02, s12  }
0x382: {  	v37 =	vmul.f32 v37, v4;
	v0 =	vmul.f32 v0, v5;
	v53, _, _ =	vpop (xrf2);
	v57 =	vsub.f32 $1.500000000e+00, v36;
	s23 =	smul.f32 s13, s13  }
0x383: {  	v40 =	vmul.f32 v51, v1;
	v2 =	vmul.f32 v2, v3;
	(v2sf) =	vpush v53, $0xF  }
0x384: {  	v38 =	vadd.f32 v38, v7;
	v37 =	vadd.f32 v37, v55;
	v3 =	vmul.f32 v57, v39;
	s10 =	ssub.f32 s10, s23  }
0x385: {  	v40 =	vsub.f32 $1.500000000e+00, v40;
	v44, _, _ =	vpop (xrf2);
	v48 =	vmul.f32 s3, v2;
	v34 =	vmul.f32 v2, v34  }
0x386: {  	v31 =	vmul.f32 v2, v31;
	(v2sf) =	vpush v44, $0xF;
	v45 =	vmov s10  }
0x387: {  	v35 =	vmul.f32 v2, v35;
	v2 =	vmul.f32 v2, v33;
	v46 =	vadd.f32 $9.999999740e-06, v45  }
0x388: {  	v0 =	vadd.f32 v0, v56;
	v1 =	vmul.f32 v40, v1;
	v53 =	vmul.f32 s26, v3  }
0x389: {  	v34 =	vsub.f32 v34, v48;
	v24 =	vmul.f32 v3, v24;
	v36 =	vbroadcast v46, $0x0  }
0x38a: {  	v49 =	vsub.f32 v31, v48;
	v55 =	vmul.f32 v3, v26;
	v25 =	vmul.f32 v3, v25  }
0x38b: {  	v3 =	vmul.f32 v3, v27;
	s24 =	spop (v2sf);
	v31 =	vshra.s32 v36, $0x1;
	v39 =	vmul.f32 $5.000000000e-01, v36  }
0x38c: {  	v50 =	vmul.f32 s2, v1;
	v29 =	vmul.f32 v1, v29;
	s3 =	smul.f32 $1.562500000e-02, s24;
	s25 =	spop (v2sf);
	v51 =	vsub.s32 $0x5F3759DF, v31  }
0x38d: {  	v52 =	vsub.f32 v35, v48;
	v28 =	vmul.f32 v1, v28;
	s2 =	smul.f32 $1.562500000e-02, s25;
	v31 =	vmul.f32 v51, v39  }
0x38e: {  	v2 =	vsub.f32 v2, v48;
	v30 =	vmul.f32 v1, v30;
	v1 =	vmul.f32 v1, v32;
	s26 =	smul.f32 s3, s3;
	s30 =	spop (v2sf)  }
0x38f: {  	v33 =	vsub.f32 v55, v53;
	v32 =	vsub.f32 v25, v53;
	s12 =	smul.f32 s2, s2;
	v26 =	vmul.f32 v51, v31;
	s23 =	spop (v2sf)  }
0x390: {  	v25 =	vsub.f32 v3, v53;
	v56 =	vsub.f32 v29, v50;
	s24 =	smul.f32 $1.562500000e-02, s23  }
0x391: {  	v35 =	vsub.f32 v28, v50;
	s11 =	smul.f32 $1.562500000e-02, s30;
	v27 =	vsub.f32 $1.500000000e+00, v26  }
0x392: {  	[tilespmem:s0+$0x40] =	vst v38;
	v28 =	vmul.f32 v34, v54;
	v29 =	vsub.f32 v1, v50;
	v34 =	vsub.f32 v24, v53;
	s25 =	ssub.f32 s24, s26;
	s26 =	spop (v2sf)  }
0x393: {  	[tilespmem:s0+$0x50] =	vst v37;
	v24 =	vmul.f32 v56, v54;
	v31 =	vsub.f32 v30, v50;
	s30 =	smul.f32 $1.562500000e-02, s26;
	v36 =	vmul.f32 v51, v27  }
0x394: {  	s8 =	simm.s32 $0x4;
	[tilespmem:s0+$0x60] =	vst v0;
	v30 =	vmul.f32 v52, v5;
	v26 =	vmul.f32 v49, v4;
	s23 =	smul.f32 s11, s11;
	v57 =	vmov s25  }
0x395: {  	[tilespmem:s0+$0x70] =	vst v47;
	s10 =	simm.s32 $0xC680;
	v27 =	vmul.f32 v2, v6;
	s25 =	spop (v2sf);
	v37 =	vadd.f32 $9.999999740e-06, v57;
	s24 =	ssub.f32 s30, s12;
	v38 =	vmul.f32 v36, v39  }
.LBB2_9:
0x396: {  	v49 =	vld [tilespmem:s10+$0x40]  }
0x397: {  	[tilespmem:$0x1FF00] =	vst v12;
	v12 =	vmov v10;
	v10 =	vmov v8;
	v8 =	vld [tilespmem:$0x1FFC0]  }
0x398: {  	v5 =	vld [tilespmem:$0x1FF90]  }
0x399: {  	v6 =	vld [tilespmem:$0x1FFA0]  }
0x39a: {  	v7 =	vld [tilespmem:$0x1FFB0]  }
0x39b: {  	s12 =	smul.f32 $1.562500000e-02, s25;
	v4 =	vld [tilespmem:$0x1FF80];
	v1 =	vbroadcast v37, $0x0;
	v2 =	vmov s24  }
0x39c: {  	v50 =	vld [tilespmem:s10+$0x50];
	v3 =	vmul.f32 v38, v36;
	v2 =	vadd.f32 $9.999999740e-06, v2  }
0x39d: {  	v51 =	vld [tilespmem:s10+$0x60];
	s12 =	ssub.f32 s12, s23;
	v38 =	vshra.s32 v1, $0x1  }
0x39e: {  	v47 =	vmul.f32 $5.000000000e-01, v1;
	v40 =	vsub.f32 $1.500000000e+00, v3;
	v2 =	vbroadcast v2, $0x0  }
0x39f: {  	v52 =	vld [tilespmem:s10+$0x70];
	v41 =	vmov s12;
	v45 =	vmul.f32 v35, v5;
	v44 =	vmul.f32 v31, v6  }
0x3a0: {  	v0 =	vadd.f32 v28, v8;
	v31 =	vld [tilespmem:s10+$0xFFFFFF90];
	v46 =	vmul.f32 v29, v7;
	v43 =	vmul.f32 v34, v4  }
0x3a1: {  	v34 =	vld [tilespmem:s10+$0xFFFFFFC0];
	v1 =	vmul.f32 v40, v36;
	v42 =	vadd.f32 v50, v49;
	v48 =	vmul.f32 v49, v49  }
0x3a2: {  	v35 =	vld [tilespmem:s10+$0xFFFFFFD0];
	v57 =	vmul.f32 v50, v50;
	v40 =	vmul.f32 v51, v51;
	v28 =	vshra.s32 v2, $0x1  }
0x3a3: {  	v15 =	vmovc v13;
	v29 =	vld [tilespmem:s10+$0x0];
	[tilespmem:s0+$0xFFFFFF80] =	vst v0;
	v0 =	vsub.s32 $0x5F3759DF, v38;
	v54 =	vsub.s32 $0x5F3759DF, v28;
	v39 =	vmul.f32 v1, v39  }
0x3a4: {  	v13 =	vmovc v58;
	v18 =	vmovc v16;
	v28 =	vld [tilespmem:s10+$0x10];
	v36 =	vadd.f32 v51, v42;
	v37 =	vadd.f32 v57, v48;
	v48 =	vmul.f32 $5.000000000e-01, v2  }
0x3a5: {  	v16 =	vmovc v59;
	v19 =	vmovc v17;
	v3 =	vadd.f32 $9.999999740e-06, v41;
	v53 =	vmul.f32 v0, v47;
	v42 =	vld [tilespmem:s10+$0xFFFFFF80];
	v41 =	vmul.f32 v39, v1  }
0x3a6: {  	v17 =	vmovc v60;
	v11 =	vld [tilespmem:$0x1FF10];
	v57 =	vadd.f32 v52, v36;
	v2 =	vadd.f32 v40, v37;
	v37 =	vmul.f32 v52, v52  }
0x3a7: {  	v20 =	vmovc v61;
	v22 =	vmovc v21;
	v39 =	vld [tilespmem:s10+$0xFFFFFFA0];
	v55 =	vmul.f32 v31, v31;
	v56 =	vmul.f32 v34, v34;
	v40 =	vsub.f32 $1.500000000e+00, v41  }
0x3a8: {  	v38 =	vld [tilespmem:s10+$0xFFFFFFE0];
	v59 =	vmul.f32 v35, v35;
	v60 =	vmul.f32 v29, v29;
	(xrf2) =	vadd.scan.msk.f32 $0xffff, v57;
	v2 =	vadd.f32 v37, v2  }
0x3a9: {  	v21 =	vmovc v62;
	v58 =	vadd.f32 v35, v34;
	v53 =	vmul.f32 v0, v53;
	v41 =	vld [tilespmem:s10+$0xFFFFFFB0];
	v1 =	vmul.f32 v40, v1  }
0x3aa: {  	v36 =	vld [tilespmem:s10+$0x20];
	v57 =	vadd.f32 v28, v29;
	v61 =	vadd.f32 v31, v42;
	v62 =	vmul.f32 v42, v42;
	(xrf2) =	vadd.scan.msk.f32 $0xffff, v2  }
0x3ab: {  	v23 =	vmovc v63;
	v63 =	vmul.f32 v28, v28;
	v56 =	vadd.f32 v59, v56;
	v40 =	vld [tilespmem:s10+$0xFFFFFFF0];
	v59 =	vmul.f32 v1, v11  }
0x3ac: {  	v37 =	vld [tilespmem:s10+$0x30];
	v11 =	vmovc v52;
	v52 =	vadd.f32 v39, v61;
	v55 =	vadd.f32 v55, v62;
	v61 =	vmul.f32 v39, v39  }
0x3ad: {  	v58 =	vadd.f32 v38, v58;
	v2 =	vmul.f32 s13, v1;
	v62 =	vmul.f32 v38, v38  }
0x3ae: {  	v52 =	vadd.f32 v41, v52;
	v55 =	vadd.f32 v61, v55;
	v61 =	vmul.f32 v41, v41  }
0x3af: {  	v3 =	vbroadcast v3, $0x0;
	v57 =	vadd.f32 v36, v57;
	v60 =	vadd.f32 v63, v60;
	[tilespmem:$0x1FF10] =	vst v11;
	v11 =	vmovc v9;
	v9 =	vld [tilespmem:$0x1FFF0]  }
0x3b0: {  	v59 =	vsub.f32 v59, v2;
	v56 =	vadd.f32 v62, v56;
	v62 =	vmul.f32 v40, v40;
	(xrf2) =	vadd.scan.msk.f32 $0xffff, v52  }
0x3b1: {  	v63 =	vmul.f32 v36, v36;
	v57 =	vadd.f32 v37, v57;
	v58 =	vadd.f32 v40, v58  }
0x3b2: {  	v59 =	vmul.f32 v59, v7;
	v55 =	vadd.f32 v61, v55;
	v56 =	vadd.f32 v62, v56;
	v61, _, _ =	vpop (xrf2)  }
0x3b3: {  	v62 =	vshra.s32 v3, $0x1;
	(xrf2) =	vadd.scan.msk.f32 $0xffff, v58;
	v58 =	vmul.f32 v54, v48;
	(v2sf) =	vpush v61, $0xF  }
0x3b4: {  	v52 =	vadd.f32 v59, v9;
	v59 =	vadd.f32 v63, v60;
	v63 =	vmul.f32 v37, v37;
	v60, _, _ =	vpop (xrf2)  }
0x3b5: {  	v3 =	vmul.f32 $5.000000000e-01, v3;
	v58 =	vmul.f32 v54, v58;
	(v2sf) =	vpush v60, $0xF  }
0x3b6: {  	v60 =	vmul.f32 v1, v21;
	[tilespmem:s1+$0x70] =	vst v52;
	v52 =	vadd.f32 v63, v59;
	v59 =	vsub.s32 $0x5F3759DF, v62  }
0x3b7: {  	(xrf2) =	vadd.scan.msk.f32 $0xffff, v57;
	v57 =	vmul.f32 v1, v22;
	v61 =	vmul.f32 v59, v3  }
0x3b8: {  	v21 =	vmov v50;
	v62 =	vmov v49;
	v49 =	vsub.f32 $1.500000000e+00, v53  }
0x3b9: {  	(xrf2) =	vadd.scan.msk.f32 $0xffff, v55;
	v50 =	vsub.f32 $1.500000000e+00, v58;
	v63 =	vmovc v51;
	v51 =	vsub.f32 v57, v2;
	v57 =	vld [tilespmem:$0x1FFD0];
	v53 =	vmul.f32 v59, v61  }
0x3ba: {  	v32 =	vmul.f32 v32, v6;
	v58 =	vsub.f32 v60, v2;
	v0 =	vmul.f32 v0, v49;
	v60, _, _ =	vpop (xrf2);
	(xrf2) =	vadd.scan.msk.f32 $0xffff, v56;
	v56 =	vld [tilespmem:$0x1FFE0]  }
0x3bb: {  	v1 =	vmul.f32 v1, v23;
	v50 =	vmul.f32 v54, v50;
	v49 =	vsub.f32 $1.500000000e+00, v53  }
0x3bc: {  	v25 =	vmul.f32 v25, v7;
	v61 =	vmul.f32 v0, v47;
	(v2sf) =	vpush v60, $0xF  }
0x3bd: {  	v1 =	vsub.f32 v1, v2;
	v60 =	vmul.f32 v50, v48;
	v49 =	vmul.f32 v59, v49  }
0x3be: {  	v2 =	vmul.f32 v33, v5;
	v53 =	vmul.f32 v61, v0;
	v26 =	vadd.f32 v26, v57  }
0x3bf: {  	v33 =	vmul.f32 v60, v50;
	v61 =	vmul.f32 v49, v3;
	v30 =	vadd.f32 v30, v56  }
0x3c0: {  	v59, _, _ =	vpop (xrf2);
	(xrf2) =	vadd.scan.msk.f32 $0xffff, v52;
	[tilespmem:s0+$0xFFFFFF90] =	vst v26;
	v26 =	vadd.f32 v27, v9;
	v27 =	vsub.f32 $1.500000000e+00, v53  }
0x3c1: {  	v24 =	vadd.f32 v24, v8;
	v55 =	vadd.f32 v46, v9;
	v60 =	vmul.f32 v61, v49  }
0x3c2: {  	(v2sf) =	vpush v59, $0xF;
	[tilespmem:s0+$0xFFFFFFA0] =	vst v30;
	v30 =	vsub.f32 $1.500000000e+00, v33;
	v0 =	vmul.f32 v27, v0  }
0x3c3: {  	[tilespmem:s0+$0xFFFFFFC0] =	vst v24;
	v1 =	vmul.f32 v1, v6;
	v24 =	vadd.f32 v44, v56;
	s25 =	spop (v2sf);
	v27 =	vsub.f32 $1.500000000e+00, v60  }
0x3c4: {  	v45 =	vadd.f32 v45, v57;
	[tilespmem:s0+$0xFFFFFFB0] =	vst v26;
	v26 =	vmul.f32 v30, v50;
	v30 =	vmul.f32 v0, v47;
	s13 =	smul.f32 $1.562500000e-02, s25;
	s26 =	spop (v2sf)  }
0x3c5: {  	v2 =	vadd.f32 v2, v57;
	[tilespmem:s0+$0xFFFFFFE0] =	vst v24;
	v24 =	vadd.f32 v43, v8;
	v61, _, _ =	vpop (xrf2);
	v27 =	vmul.f32 v27, v49;
	s12 =	smul.f32 $1.562500000e-02, s26  }
0x3c6: {  	(v2sf) =	vpush v61, $0xF;
	v54, _, _ =	vpop (xrf2);
	v48 =	vmul.f32 v26, v48;
	v30 =	vmul.f32 v30, v0;
	s30 =	smul.f32 s13, s13  }
0x3c7: {  	v32 =	vadd.f32 v32, v56;
	(v2sf) =	vpush v54, $0xF;
	v3 =	vmul.f32 v27, v3  }
0x3c8: {  	v33 =	vmul.f32 v58, v4;
	v59, _, _ =	vpop (xrf2);
	v58 =	vmul.f32 v48, v26;
	v30 =	vsub.f32 $1.500000000e+00, v30;
	s12 =	ssub.f32 s12, s30  }
0x3c9: {  	[tilespmem:s0+$0xFFFFFFF0] =	vst v55;
	v61 =	vadd.f32 v25, v9;
	(v2sf) =	vpush v59, $0xF;
	v3 =	vmul.f32 v3, v27  }
0x3ca: {  	[tilespmem:s0+$0x0] =	vst v24;
	v24, _, _ =	vpop (xrf2);
	v60 =	vsub.f32 $1.500000000e+00, v58;
	v0 =	vmul.f32 v30, v0;
	v43 =	vmov s12  }
0x3cb: {  	v51 =	vmul.f32 v51, v5;
	[tilespmem:s0+$0xFFFFFFD0] =	vst v45;
	s23 =	spop (v2sf);
	(v2sf) =	vpush v24, $0xF;
	v44 =	vadd.f32 $9.999999740e-06, v43  }
0x3cc: {  	[tilespmem:s0+$0x10] =	vst v2;
	v3 =	vsub.f32 $1.500000000e+00, v3;
	v25 =	vmul.f32 v60, v26;
	v24 =	vmul.f32 s3, v0  }
0x3cd: {  	[tilespmem:s0+$0x20] =	vst v32;
	v26 =	vadd.f32 v33, v8;
	v45 =	vmul.f32 v0, v20;
	v2 =	vbroadcast v44, $0x0  }
0x3ce: {  	[tilespmem:s0+$0x30] =	vst v61;
	s0 =	smov.u32 s1;
	v30 =	vadd.f32 v51, v57;
	v3 =	vmul.f32 v3, v27;
	v27 =	vmul.f32 v0, v17  }
0x3cf: {  	[tilespmem:s0+$0x40] =	vst v26;
	v26 =	vmul.f32 v0, v13;
	v0 =	vmul.f32 v0, v14  }
0x3d0: {  	v9 =	vld [tilespmem:$0x1FF00];
	[tilespmem:s0+$0x50] =	vst v30;
	v58 =	vmov v31;
	v30 =	vmul.f32 s2, v25;
	v31 =	vmul.f32 v25, v10  }
0x3d1: {  	v1 =	vadd.f32 v1, v56;
	v47 =	vmul.f32 v25, v12;
	v48 =	vmul.f32 v25, v16  }
0x3d2: {  	v61 =	vmovc v39;
	s3 =	smul.f32 $1.562500000e-02, s23;
	s24 =	spop (v2sf);
	v25 =	vmul.f32 v25, v19;
	v46 =	vshra.s32 v2, $0x1;
	v39 =	vmul.f32 $5.000000000e-01, v2  }
0x3d3: {  	[tilespmem:s0+$0x60] =	vst v1;
	v50 =	vsub.f32 v45, v24;
	s2 =	smul.f32 $1.562500000e-02, s24;
	v27 =	vsub.f32 v27, v24;
	v1 =	vsub.s32 $0x5F3759DF, v46  }
0x3d4: {  	s12 =	smul.f32 s3, s3;
	v26 =	vsub.f32 v26, v24;
	v51 =	vmul.f32 s11, v3;
	v49 =	vmul.f32 v1, v39  }
0x3d5: {  	v0 =	vsub.f32 v0, v24;
	v24 =	vmul.f32 v3, v11;
	v52 =	vmul.f32 v3, v9;
	s24 =	smul.f32 s2, s2;
	s25 =	spop (v2sf)  }
0x3d6: {  	s8 =	sadd.s32 $0x4, s8;
	v9 =	vmovc v29;
	v53 =	vsub.f32 v31, v30;
	v54 =	vmul.f32 v3, v15;
	v29 =	vmul.f32 v1, v49;
	s11 =	smul.f32 $1.562500000e-02, s25;
	s26 =	spop (v2sf)  }
0x3d7: {  	p0 =	slt.u32 s8, $0x7C;
	v10 =	vmovc v35;
	v35 =	vsub.f32 v47, v30;
	v31 =	vsub.f32 v48, v30;
	v55 =	vmul.f32 v3, v18;
	s25 =	smul.f32 $1.562500000e-02, s26  }
.Ltmp3:
0x3d8: {  	v59 =	vmovc v38;
	v12 =	vmovc v28;
	v28 =	vmul.f32 v27, v4;
	v26 =	vmul.f32 v26, v5;
	v56 =	vsub.f32 $1.500000000e+00, v29;
	(pc) =	sbr.rel @p0 .LBB2_9-.Ltmp3, $4  }
0x3d9: {  	v8 =	vmovc v34;
	v34 =	vsub.f32 v24, v51;
	v33 =	vsub.f32 v52, v51;
	v27 =	vmul.f32 v0, v7;
	s30 =	spop (v2sf);
	s12 =	ssub.f32 s25, s12  }
0x3da: {  	v13 =	vmovc v36;
	v32 =	vsub.f32 v54, v51;
	v24 =	vmul.f32 v53, v4;
	v36 =	vmul.f32 v1, v56;
	s25 =	smul.f32 $1.562500000e-02, s30  }
0x3db: {  	s1 =	smov.u32 s10;
	v60 =	vmovc v42;
	v14 =	vmovc v41;
	v29 =	vsub.f32 v25, v30;
	v25 =	vsub.f32 v55, v51;
	s23 =	smul.f32 s11, s11;
	v57 =	vmov s12  }
0x3dc: {  	s10 =	sadd.s32 $0x100, s10;
	v17 =	vmovc v40;
	v16 =	vmovc v37;
	v30 =	vmul.f32 v50, v6;
	v38 =	vmul.f32 v36, v39;
	s24 =	ssub.f32 s25, s24;
	s25 =	spop (v2sf);
	v37 =	vadd.f32 $9.999999740e-06, v57  }
0x3dd: {  	v5 =	vld [tilespmem:$0x1FF90]  }
0x3de: {  	v6 =	vld [tilespmem:$0x1FFA0]  }
0x3df: {  	v7 =	vld [tilespmem:$0x1FFB0];
	v0 =	vmul.f32 v38, v36;
	v1 =	vmov s24  }
0x3e0: {  	s8 =	smul.f32 $1.562500000e-02, s25;
	v4 =	vld [tilespmem:$0x1FF80];
	v3 =	vbroadcast v37, $0x0;
	v1 =	vadd.f32 $9.999999740e-06, v1  }
0x3e1: {  	v0 =	vsub.f32 $1.500000000e+00, v0  }
0x3e2: {  	s8 =	ssub.f32 s8, s23;
	v37 =	vshra.s32 v3, $0x1;
	v3 =	vmul.f32 $5.000000000e-01, v3;
	v1 =	vbroadcast v1, $0x0  }
0x3e3: {  	v42 =	vld [tilespmem:$0x1FFC0];
	v37 =	vsub.s32 $0x5F3759DF, v37;
	v0 =	vmul.f32 v0, v36;
	v2 =	vmul.f32 v35, v5  }
0x3e4: {  	v46 =	vmov s8;
	v31 =	vmul.f32 v31, v6;
	v48 =	vmul.f32 v37, v3  }
0x3e5: {  	v35 =	vadd.f32 $9.999999740e-06, v46;
	v29 =	vmul.f32 v29, v7;
	v34 =	vmul.f32 v34, v4  }
0x3e6: {  	v33 =	vmul.f32 v33, v5;
	v47 =	vshra.s32 v1, $0x1;
	v1 =	vmul.f32 $5.000000000e-01, v1  }
0x3e7: {  	v36 =	vmul.f32 v0, v39;
	v35 =	vbroadcast v35, $0x0;
	v38 =	vsub.s32 $0x5F3759DF, v47  }
0x3e8: {  	v43 =	vld [tilespmem:$0x1FFE0];
	v28 =	vadd.f32 v28, v42;
	v39 =	vmul.f32 v37, v48;
	v50 =	vmul.f32 v38, v1  }
0x3e9: {  	v44 =	vld [tilespmem:$0x1FFF0];
	v36 =	vmul.f32 v36, v0;
	v40 =	vshra.s32 v35, $0x1;
	v35 =	vmul.f32 $5.000000000e-01, v35  }
0x3ea: {  	v11 =	vld [tilespmem:$0x1FF10];
	v39 =	vsub.f32 $1.500000000e+00, v39;
	v49 =	vsub.s32 $0x5F3759DF, v40;
	v40 =	vmul.f32 v38, v50  }
0x3eb: {  	v32 =	vmul.f32 v32, v6;
	v36 =	vsub.f32 $1.500000000e+00, v36;
	v41 =	vmul.f32 v49, v35  }
0x3ec: {  	v25 =	vmul.f32 v25, v7;
	v37 =	vmul.f32 v37, v39;
	v40 =	vsub.f32 $1.500000000e+00, v40  }
0x3ed: {  	v30 =	vadd.f32 v30, v43;
	v0 =	vmul.f32 v36, v0;
	v41 =	vmul.f32 v49, v41  }
0x3ee: {  	v27 =	vadd.f32 v27, v44;
	v52 =	vmul.f32 v37, v3;
	v38 =	vmul.f32 v38, v40  }
0x3ef: {  	v51 =	vmul.f32 s13, v0;
	v23 =	vmul.f32 v0, v11;
	v41 =	vsub.f32 $1.500000000e+00, v41  }
0x3f0: {  	v24 =	vadd.f32 v24, v42;
	v20 =	vmul.f32 v0, v21;
	v21 =	vmul.f32 v52, v37  }
0x3f1: {  	v56 =	vadd.f32 v31, v43;
	v40 =	vmul.f32 v38, v1;
	v36 =	vmul.f32 v49, v41  }
0x3f2: {  	v19 =	vmul.f32 v0, v62;
	v0 =	vmul.f32 v0, v63;
	v21 =	vsub.f32 $1.500000000e+00, v21  }
0x3f3: {  	v57 =	vadd.f32 v29, v44;
	v53 =	vmul.f32 v40, v38;
	v41 =	vmul.f32 v36, v35  }
0x3f4: {  	v63 =	vadd.f32 v34, v42;
	v23 =	vsub.f32 v23, v51;
	v21 =	vmul.f32 v21, v37  }
0x3f5: {  	v19 =	vsub.f32 v19, v51;
	v39 =	vsub.f32 $1.500000000e+00, v53;
	v54 =	vmul.f32 v41, v36  }
0x3f6: {  	v0 =	vsub.f32 v0, v51;
	v23 =	vmul.f32 v23, v7;
	v3 =	vmul.f32 v21, v3  }
0x3f7: {  	v19 =	vmul.f32 v19, v4;
	v41 =	vld [tilespmem:$0x1FFD0];
	v55 =	vmul.f32 v39, v38;
	v40 =	vsub.f32 $1.500000000e+00, v54  }
0x3f8: {  	v20 =	vsub.f32 v20, v51;
	v0 =	vmul.f32 v0, v6;
	v3 =	vmul.f32 v3, v21  }
0x3f9: {  	v23 =	vadd.f32 v23, v44;
	[tilespmem:s0+$0xFFFFFF80] =	vst v28;
	v1 =	vmul.f32 v55, v1;
	v36 =	vmul.f32 v40, v36  }
0x3fa: {  	v20 =	vmul.f32 v20, v5;
	[tilespmem:s0+$0xFFFFFFA0] =	vst v30;
	v0 =	vadd.f32 v0, v43;
	v3 =	vsub.f32 $1.500000000e+00, v3  }
0x3fb: {  	[tilespmem:s0+$0xFFFFFFB0] =	vst v27;
	v38 =	vadd.f32 v25, v44;
	v1 =	vmul.f32 v1, v55;
	v35 =	vmul.f32 v36, v35  }
0x3fc: {  	[tilespmem:s0+$0xFFFFFFC0] =	vst v24;
	v40 =	vadd.f32 v19, v42;
	v26 =	vadd.f32 v26, v41;
	v3 =	vmul.f32 v3, v21  }
0x3fd: {  	[tilespmem:s0+$0xFFFFFFE0] =	vst v56;
	v2 =	vadd.f32 v2, v41;
	v1 =	vsub.f32 $1.500000000e+00, v1;
	v62 =	vmul.f32 v35, v36  }
0x3fe: {  	[tilespmem:s0+$0xFFFFFFF0] =	vst v57;
	v34 =	vadd.f32 v33, v41;
	v45 =	vmul.f32 s3, v3;
	v15 =	vmul.f32 v3, v60  }
0x3ff: {  	[tilespmem:s0+$0x0] =	vst v63;
	v20 =	vadd.f32 v20, v41;
	v46 =	vmul.f32 v3, v58;
	v1 =	vmul.f32 v1, v55  }
0x400: {  	[tilespmem:s1+$0x70] =	vst v23;
	v35 =	vadd.f32 v32, v43;
	v18 =	vmul.f32 v3, v61;
	v3 =	vmul.f32 v3, v14  }
0x401: {  	[tilespmem:s1+$0x60] =	vst v0;
	v29 =	vsub.f32 $1.500000000e+00, v62;
	v15 =	vsub.f32 v15, v45;
	v22 =	vmul.f32 s2, v1  }
0x402: {  	[tilespmem:s0+$0x30] =	vst v38;
	v11 =	vsub.f32 v46, v45;
	v8 =	vmul.f32 v1, v8;
	v10 =	vmul.f32 v1, v10  }
0x403: {  	[tilespmem:s1+$0x40] =	vst v40;
	v48 =	vsub.f32 v18, v45;
	v47 =	vmul.f32 v1, v59;
	v1 =	vmul.f32 v1, v17  }
0x404: {  	[tilespmem:s0+$0xFFFFFF90] =	vst v26;
	v3 =	vsub.f32 v3, v45;
	v39 =	vmul.f32 v29, v36;
	v15 =	vmul.f32 v15, v4  }
0x405: {  	[tilespmem:s0+$0xFFFFFFD0] =	vst v2;
	v11 =	vmul.f32 v11, v5;
	v52 =	vmul.f32 v48, v6;
	v50 =	vsub.f32 v8, v22  }
0x406: {  	[tilespmem:s0+$0x10] =	vst v34;
	v3 =	vmul.f32 v3, v7;
	v10 =	vsub.f32 v10, v22;
	v53 =	vsub.f32 v47, v22  }
0x407: {  	[tilespmem:s1+$0x50] =	vst v20;
	v1 =	vsub.f32 v1, v22;
	v49 =	vmul.f32 s11, v39;
	v15 =	vadd.f32 v15, v42  }
0x408: {  	[tilespmem:s0+$0x20] =	vst v35;
	v9 =	vmul.f32 v39, v9;
	v12 =	vmul.f32 v39, v12;
	v11 =	vadd.f32 v11, v41  }
0x409: {  	v51 =	vmul.f32 v39, v13;
	v13 =	vadd.f32 v52, v43;
	v2 =	vmul.f32 v50, v4;
	[tilespmem:s1+$0xFFFFFF80] =	vst v15  }
0x40a: {  	v54 =	vmul.f32 v39, v16;
	v3 =	vadd.f32 v3, v44;
	v10 =	vmul.f32 v10, v5;
	[tilespmem:s1+$0xFFFFFF90] =	vst v11  }
0x40b: {  	v0 =	vmul.f32 v53, v6;
	v9 =	vsub.f32 v9, v49;
	[tilespmem:s1+$0xFFFFFFA0] =	vst v13;
	v2 =	vadd.f32 v2, v42  }
0x40c: {  	v1 =	vmul.f32 v1, v7;
	v55 =	vsub.f32 v12, v49;
	[tilespmem:s1+$0xFFFFFFB0] =	vst v3;
	v56 =	vadd.f32 v10, v41  }
0x40d: {  	v8 =	vsub.f32 v51, v49;
	v0 =	vadd.f32 v0, v43;
	v9 =	vmul.f32 v9, v4;
	[tilespmem:s1+$0xFFFFFFC0] =	vst v2  }
0x40e: {  	v57 =	vsub.f32 v54, v49;
	v1 =	vadd.f32 v1, v44;
	v58 =	vmul.f32 v55, v5;
	[tilespmem:s1+$0xFFFFFFD0] =	vst v56  }
0x40f: {  	s29 =	sadd.s32 $0x1, s29;
	v59 =	vmul.f32 v8, v6;
	[tilespmem:s1+$0xFFFFFFE0] =	vst v0;
	v60 =	vadd.f32 v9, v42  }
0x410: {  	p0 =	sne.s32 s29, $0x32;
	v2 =	vmul.f32 v57, v7;
	[tilespmem:s1+$0xFFFFFFF0] =	vst v1;
	v61 =	vadd.f32 v58, v41  }
.Ltmp4:
0x411: {  	s31 =	sshll.u32 s31, $0xD;
	v62 =	vadd.f32 v59, v43;
	[tilespmem:s1+$0x0] =	vst v60;
	(pc) =	sbr.rel @p0 .LBB2_2-.Ltmp4, $4  }
0x412: {  	s0 =	sadd.s32 s6, s31;
	v63 =	vadd.f32 v2, v44;
	[tilespmem:s1+$0x10] =	vst v61  }
0x413: {  	s0 =	sshrl.u32 s0, $0x3;
	[tilespmem:s1+$0x20] =	vst v62  }
0x414: {  	s0 =	sadd.s32 s4, s0;
	[tilespmem:s1+$0x30] =	vst v63  }
0x415: {  	[hbm4b:s0+s5] =	stream.linear.scatter [tilespmem:s19], [sflag:$0x8], $0x2000, $0x38;
	[tilespmem:$0xE480] =	vst v63  }
0x416: {  	s0 =	simm.s32 $0x5  }
0x417: {  	_ =	swait.ge [sflag:s0], $0x2000  }
0x418: {  	[sflag:s0] =	ssyncset.done $0x0  }
0x419: {  	s29 =	simm.s32 $0x6;
	[sflag:s0] =	ssyncadd.s32 $0xFFFFE000  }
0x41a: {  	_ =	swait.ge [sflag:s29], $0x2000  }
0x41b: {  	[sflag:s29] =	ssyncset.done $0x0  }
0x41c: {  	s30 =	simm.s32 $0x7;
	[sflag:s29] =	ssyncadd.s32 $0xFFFFE000  }
0x41d: {  	_ =	swait.ge [sflag:s30], $0x2000  }
0x41e: {  	[sflag:s30] =	ssyncset.done $0x0  }
0x41f: {  	s1 =	simm.s32 $0x8;
	[sflag:s30] =	ssyncadd.s32 $0xFFFFE000  }
0x420: {  	_ =	swait.ge [sflag:s1], $0x2000  }
0x421: {  	s28 =	sadd.s32 $0x1, s28;
	s31 =	rddreg [dreg:$0x6]  }
0x422: {  	p0 =	sne.s32 s28, s31  }
.Ltmp5:
0x423: {  	_ = 	snop;
	(pc) =	sbr.rel @p0 .LBB2_1-.Ltmp5, $3  }
0x424: {  	_ =	sdelay $0x1  }
0x425: {  	[sflag:s1] =	ssyncset.done $0x0  }
0x426: {  	[sflag:s1] =	ssyncadd.s32 $0xFFFFE000  }
0x427: {  	_ =	sfence.sel $0x180000  }
0x428: {  	[bflag:$0x0] =	sbarrier.arrive $0xFFFF  }
0x429: {  	_ =	strace $0x90000047  }
0x42a: {  	s0 =	stileid.u32;
	[bflag:$0x2] =	sbarrier.arrive $0xFFFF  }
0x42b: {  	p0 =	sne.s32 s0, $0x0;
	s0 =	rddreg [dreg:$0x4]  }
0x42c: {  	s0 =	sadd.s32 @!p0 $0x100000, s0  }
0x42d: {  	[sflag:s0] =	ssyncadd.tile.s32 @!p0 $0x1;
	_ =	shalt  }
.Lfunc_end2:
_tile_overlayer_lowered:
.L_overlay_start_2:
0x42e: {  	(tag) =	ssettag $0x2  }
0x42f: {  	s0 =	rddreg [dreg:$0x0];
	s2 =	stileid.u32  }
0x430: {  	s1 =	rddreg [dreg:$0x1];
	p0 =	sne.s32 s2, $0x0  }
0x431: {  	s3 =	rddreg [dreg:$0x2];
	[bflag:$0x3] =	sbarrier.arrive $0xFFFF;
	s2 =	simm.s32 @!p0 $0x1C09  }
0x432: {  	[timem:s3], [sflag:s2] =	dma.local @!p0 [hbm:s0], s1  }
0x433: {  	s0 =	simm.s32 @!p0 $0x9  }
0x434: {  	_ =	swait.ge @!p0 [sflag:s0], s1  }
0x435: {  	s1 =	ssub.s32 @!p0 $0x0, s1;
	[sflag:s0] =	ssyncset.done @!p0 $0x0  }
0x436: {  	[sflag:s0] =	ssyncadd.s32 @!p0 s1  }
0x437: {  	[bflag:$0x3] =	sbarrier.arrive $0xFFFF  }
0x438: {  	_ =	shalt  }

// kernel: sparse-core-data-format-call.cloned.1.call-start
scs
called_computation_lowered:
.L_overlay_start_0:
0x0: {  	s2 =	sld [smem:$0x3FD9]  }
0x1: {  	s3 =	sld [smem:$0x3FFE];
	_ =	sdelay $0x1  }
0x2: {  	s1 =	srdreg.scid  }
0x3: {  	s0 =	sand.u32 $0x1, s1  }
0x4: {  	s18 =	sshll.u32 s0, $0xA;
	s2 =	sadd.s32 s3, s2  }
0x5: {  	s2 =	sadd.s32 s2, s18  }
0x6: {  	[smem:$0x3FC4] =	sst s2  }
0x7: {  	_ = 	snop  }
0x8: {  	s2 =	sld [smem:$0x3FD0];
	(tm) =	ssettm $0x1  }
0x9: {  	s19 =	sld [smem:$0x3FFB];
	_ =	sdelay $0x3  }
0xa: {  	_ =	strace s19  }
0xb: {  	s3 =	sld [smem:$0x3FFC];
	_ =	sdelay $0x3  }
0xc: {  	_ =	strace s3  }
0xd: {  	s3 =	sld [smem:$0x3FFD];
	_ =	sdelay $0x3  }
0xe: {  	_ =	strace s3  }
0xf: {  	_ =	strace $0x8FFFFFFF  }
0x10: {  	s20 =	sld [smem:$0x3FDB];
	_ =	sdelay $0x1  }
0x11: {  	s4 =	simm.s32 $_scs_section_size  }
0x12: {  	s5 =	simm.s32 $_size__tile_overlayer_lowered;
	s6 =	simm.s32 $_tile_overlayer_lowered  }
0x13: {  	s23 =	simm.s32 $0x1BFF;
	s22 =	sshll.u32 s6, $0x1;
	s3 =	sadd.s32 s4, s20  }
0x14: {  	s7 =	simm.s32 $0x0;
	s21 =	sshll.u32 s5, $0x1;
	s5 =	sadd.s32 s22, s3  }
0x15: {  	[timem:s7], [sflag:s23] =	dma.local [hbm:s5], s21  }
0x16: {  	_ =	swait.ge [sflag:s23], s21  }
0x17: {  	s4 =	ssub.s32 $0x0, s21;
	[sflag:s23] =	ssyncset.done $0x0  }
0x18: {  	[sflag:s23] =	ssyncadd.s32 s4;
	_ =	sdelay $0x1  }
0x19: {  	s24 =	simm.s32 $0x1B8B  }
0x1a: {  	_ =	swait.ge [sflag:s24], $0x1  }
0x1b: {  	[sflag:s24] =	ssyncset.done $0x0  }
0x1c: {  	s26 =	simm.s32 $0x1B8E;
	s25 =	sld [smem:$0x3FFE];
	[sflag:s24] =	ssyncadd.s32 $0xFFFFFFFF  }
0x1d: {  	s27 =	simm.s32 $execute0_lowered;
	[smem:$0x3FD2] =	sst s26  }
0x1e: {  	s5 =	sshll.u32 s27, $0x1;
	_ =	strace $0x80000049;
	[dreg:$0x1] =	wrdreg $0xFFFFFFFF  }
0x1f: {  	s28 =	simm.s32 $_size_execute0_lowered;
	s3 =	sadd.s32 s3, s5;
	[dreg:$0x0] =	wrdreg $0x0  }
0x20: {  	s5 =	sshll.u32 s28, $0x1;
	[dreg:$0x2] =	wrdreg s3  }
0x21: {  	[dreg:$0x3] =	wrdreg s5  }
0x22: {  	[dreg:$0x4] =	wrdreg $0xC0  }
0x23: {  	_ =	task [dreg:s7], $0x5FFFF  }
0x24: {  	[dreg:$0x1] =	wrdreg $0xFFFFFFFF  }
0x25: {  	[dreg:$0x0] =	wrdreg $0x60  }
0x26: {  	[dreg:$0x2] =	wrdreg s25  }
0x27: {  	[dreg:$0x3] =	wrdreg s2  }
0x28: {  	[dreg:$0x4] =	wrdreg $0x9  }
0x29: {  	_ =	task.clear_ibuf [dreg:s7], $0x5FFFF;
	_ =	strace $0x90000049  }
0x2a: {  	s29 =	simm.s32 $0x9;
	_ =	strace $0x8000004B  }
0x2b: {  	_ =	swait.ge [sflag:s29], $0x1  }
0x2c: {  	[sflag:s29] =	ssyncadd.s32 $0xFFFFFFFF  }
0x2d: {  	_ =	strace $0x9000004B  }
0x2e: {  	_ =	sfence  }
0x2f: {  	s30 =	sld [smem:$0x0];
	_ =	sdelay $0x2  }
0x30: {  	s31 =	sshll.u32 s1, $0xD;
	s1 =	sshrl.u32 s1, $0x2  }
0x31: {  	s3 =	sand.u32 $0x4000, s31;
	s1 =	sadd.s32 s1, s30  }
0x32: {  	s0 =	sor.u32 s3, s0;
	s1 =	sshll.u32 s1, $0x11  }
0x33: {  	s0 =	sor.u32 s1, s0  }
0x34: {  	s0 =	sadd.s32 $0x8F2B, s0  }
0x35: {  	[sflag:s0] =	ssyncadd.remote.s32 $0x1  }
0x36: {  	_ =	sfence.sel $0xFFFF  }
0x37: {  	[dreg:$0x0] =	wrdreg $0xFFFFFFFF;
	(pc) =	sbr.abs _section_cstart, $3  }
0x38: {  	[dreg:$0x1] =	wrdreg $0xFFFFFFFF  }
0x39: {  	_ =	task.clear_ibuf [dreg:s7], $0x2FFFF;
	_ =	strace $0x9FFFFFFF  }
0x3a: {  	(tm) =	ssettm $0x7FFFFFFF  }
0x3b: {  	_ =	shalt  }
tec
execute0_lowered:
.L_overlay_start_1:
0x0: {  	(tag) =	ssettag $0x1  }
0x1: {  	s0 =	srdreg.scid  }
0x2: {  	s1 =	sshll.u32 s0, $0x4  }
0x3: {  	s0 =	stileid.u32;
	s1 =	sand.u32 $0x10, s1  }
0x4: {  	s1 =	sor.u32 s0, s1  }
0x5: {  	s6 =	rddreg [dreg:$0x0];
	s4 =	simm.s32 $0x1;
	s2 =	sshll.u32 s1, $0x7  }
0x6: {  	s7 =	simm.s32 $0x2;
	s12 =	simm.s32 $0x0;
	s1 =	ssub.s32 $0x4000, s2  }
0x7: {  	s8 =	simm.s32 $0x20000;
	s13 =	simm.s32 $0x0;
	s3 =	sand.u32 $0xF80, s1  }
0x8: {  	s9 =	simm.s32 $0x0;
	s5 =	sshrl.u32 s1, $0xC;
	p0 =	sne.s32 s3, $0x0  }
.Ltmp0:
0x9: {  	s1 =	rddreg [dreg:$0x2];
	s4 =	simm.s32 @!p0 $0x0;
	(pc) =	sbr.rel .LBB1_1-.Ltmp0, $4  }
0xa: {  	s11 =	simm.s32 $0x0;
	s3 =	rddreg [dreg:$0x1];
	s5 =	sadd.s32 s4, s5  }
0xb: {  	_ =	strace $0x8000004A;
	s4 =	simm.s32 $0x1;
	s5 =	smul.u32 $0x32, s5  }
0xc: {  	s6 =	sadd.s32 $0xA00, s6;
	s10 =	smov.u32 s2;
	[sflag:s4] =	ssyncpa.u1 $0x0  }
0xd: {  	p0 =	por $0x0, $0x0;
	[sflag:s7] =	ssyncpa.u1 $0x0;
	s7 =	sor.u32 $0x1, s5  }
.LBB1_4:
0xe: {  	s16 =	sshll.u32 s13, $0x3;
	s17 =	sand.u32 $0x78, s13  }
0xf: {  	s30 =	sand.u32 $0x1F800, s13;
	s12 =	sshll.u32 s12, $0x11;
	s16 =	sand.u32 $0x3C00, s16  }
0x10: {  	[tilespmem:s15+$0x810 ss:$0x81] =	vst.msk $0xffff, v2;
	s31 =	sand.u32 $0x7, s13;
	s16 =	sor.u32 s17, s16;
	s17 =	sadd.s32 s3, s30  }
0x11: {  	[tilespmem:s15+$0x1020 ss:$0x81] =	vst.msk $0xffff, v0;
	s13 =	sshll.u32 s31, $0x12;
	s12 =	sadd.s32 s12, s17;
	s16 =	sshrl.u32 s16, $0x3  }
0x12: {  	[tilespmem:s15+$0x0 ss:$0x81] =	vst.msk $0xffff, v1;
	s13 =	sor.u32 $0x400, s13;
	s12 =	sadd.s32 s16, s12  }
0x13: {  	[hbm4b:s12+s13] =	stream.strided.scatter [tilespmem:s14], [sflag:$0x2], $0x2000, s8, s13, $0x20;
	[tilespmem:$0x8080] =	vst v63  }
.LBB1_5:
0x14: {  	s14 =	sadd.s32 $0x1, s9  }
0x15: {  	s12 =	sadd.s32 $0x1000, s10;
	s16 =	smov.u32 s10;
	p2 =	sgt.s32 s14, $0x31  }
0x16: {  	s16 =	smov.u32 @p2 s12  }
0x17: {  	s14 =	simm.s32 @p2 $0x0;
	p2 =	sgt.s32 s16, $0x3FFF  }
0x18: {  	s16 =	smov.u32 @p2 s2;
	p2 =	sne.s32 s11, s7  }
.Ltmp1:
0x19: {  	p1 =	slt.u32 s11, $0x2;
	(pc) =	sbr.rel @!p2 .LBB1_6-.Ltmp1, $4  }
0x1a: {  	s15 =	simm.s32 @!p1 $0x2  }
0x1b: {  	s13 =	smov.u32 s10;
	p0 =	por !p0, !p0;
	_ =	swait.ge @!p1 [sflag:s15], $0x2000  }
0x1c: {  	s12 =	smov.u32 s9;
	[sflag:s15] =	ssyncset.done @!p1 $0x0;
	s9 =	smov.u32 s14  }
0x1d: {  	s11 =	sadd.s32 $0x1, s11;
	[sflag:s15] =	ssyncadd.s32 @!p1 $0xFFFFE000;
	s10 =	smov.u32 s16  }
.LBB1_1:
0x1e: {  	p1 =	sge.u32 s11, s5  }
0x1f: {  	s14 =	sand.u32 @!p1 $0x1FFFFFF, s9  }
0x20: {  	s15 =	smulhi.u32 @!p1 $0x4924925, s14;
	_ =	sdelay $0x1  }
0x21: {  	s15 =	smul.u32 @!p1 $0x38, s15  }
0x22: {  	s16 =	sxor.u32 @!p1 $0xFFFFFFFF, s11;
	s17 =	smul.u32 @!p1 $0x380, s10  }
0x23: {  	s31 =	sadd.s32 $0xFFFFFFFF, s11;
	s16 =	sshll.u32 @!p1 s16, $0xD;
	s14 =	ssub.s32 @!p1 s14, s15  }
0x24: {  	s15 =	sand.u32 @!p1 $0x2000, s16;
	s16 =	sadd.s32 @!p1 s6, s17;
	s14 =	sshll.u32 @!p1 s14, $0x4  }
0x25: {  	s17 =	simm.s32 @!p1 $0x1C00;
	s14 =	sadd.s32 @!p1 s14, s16;
	s16 =	simm.s32 @!p1 $0x40  }
0x26: {  	[tilespmem:s15], [sflag:$0x1] =	stream.strided.gather @!p1 [hbm4b:s14+s16], $0x2000, s17, s16, $0x38;
	[tilespmem:$0x8080] =	vst v63  }
0x27: {  	p1 =	sge.u32 s31, s5  }
.Ltmp2:
0x28: {  	_ = 	snop;
	(pc) =	sbr.rel @p1 .LBB1_5-.Ltmp2, $1  }
0x29: {  	_ =	sdelay $0x3  }
0x2a: {  	s14 =	simm.s32 $0x1  }
0x2b: {  	_ =	swait.ge [sflag:s4], $0x2000;
	s14 =	simm.s32 @!p0 $0x0  }
0x2c: {  	[sflag:s4] =	ssyncset.done $0x0;
	s15 =	sshll.u32 s14, $0xD  }
0x2d: {  	[sflag:s4] =	ssyncadd.s32 $0xFFFFE000;
	s18 =	sor.u32 $0x20, s15  }
0x2e: {  	s14 =	smul.u32 $0x8100, s14;
	v3 =	vld [tilespmem:s18+$0x10]  }
0x2f: {  	s30 =	sand.u32 $0x1, s11;
	v2 =	vld [tilespmem:s18+$0xFFFFFFF0]  }
0x30: {  	s15 =	smul.u32 $0x8100, s30;
	s14 =	sshrl.u32 s14, $0x2;
	v0 =	vld [tilespmem:s18+$0x0]  }
0x31: {  	v1 =	vld [tilespmem:s18+$0xFFFFFFE0];
	s16 =	sor.u32 $0x4000, s14  }
0x32: {  	s31 =	sshrl.u32 s15, $0x2;
	s15 =	sadd.s32 $0x0, s16  }
0x33: {  	s17 =	simm.s32 $0x4;
	s18 =	sadd.s32 $0x40, s18;
	s14 =	sor.u32 $0x4000, s31;
	[tilespmem:s15+$0x1830 ss:$0x81] =	vst.msk $0xffff, v3  }
.LBB1_3:
0x34: {  	v3 =	vld [tilespmem:s18+$0x10];
	p1 =	sne.s32 s17, $0x1FC;
	[tilespmem:s15+$0x810 ss:$0x81] =	vst.msk $0xffff, v2;
	s19 =	smov.u32 s17;
	s17 =	sadd.s32 $0x4, s17  }
.Ltmp3:
0x35: {  	v2 =	vld [tilespmem:s18+$0xFFFFFFF0];
	[tilespmem:s15+$0x1020 ss:$0x81] =	vst.msk $0xffff, v0;
	(pc) =	sbr.rel @p1 .LBB1_3-.Ltmp3, $4  }
0x36: {  	v0 =	vld [tilespmem:s18+$0x0];
	[tilespmem:s15+$0x0 ss:$0x81] =	vst.msk $0xffff, v1  }
0x37: {  	s15 =	sshra.s32 s19, $0x2;
	v1 =	vld [tilespmem:s18+$0xFFFFFFE0]  }
0x38: {  	s15 =	sadd.s32 s15, s16  }
0x39: {  	s18 =	sadd.s32 $0x40, s18;
	[tilespmem:s15+$0x1830 ss:$0x81] =	vst.msk $0xffff, v3  }
.Ltmp4:
0x3a: {  	_ = 	snop;
	(pc) =	sbr.rel .LBB1_4-.Ltmp4, $1  }
0x3b: {  	_ =	sdelay $0x3  }
.LBB1_6:
0x3c: {  	_ =	sfence.sel $0x180000  }
0x3d: {  	s2 =	simm.s32 $0x1;
	[bflag:$0x0] =	sbarrier.arrive $0xFFFF  }
0x3e: {  	s31 =	simm.s32 $0x2;
	[sflag:s2] =	ssyncpa.u1 $0x1  }
0x3f: {  	[sflag:s31] =	ssyncpa.u1 $0x1  }
0x40: {  	p0 =	sne.s32 s0, $0x0;
	_ =	strace $0x9000004A  }
0x41: {  	s0 =	sadd.s32 @!p0 $0x100000, s1;
	[bflag:$0x2] =	sbarrier.arrive $0xFFFF  }
0x42: {  	[sflag:s0] =	ssyncadd.tile.s32 @!p0 $0x1;
	_ =	shalt  }
.Lfunc_end1:
_tile_overlayer_lowered:
.L_overlay_start_2:
0x43: {  	(tag) =	ssettag $0x2  }
0x44: {  	s0 =	rddreg [dreg:$0x0];
	s2 =	stileid.u32  }
0x45: {  	s1 =	rddreg [dreg:$0x1];
	p0 =	sne.s32 s2, $0x0  }
0x46: {  	s3 =	rddreg [dreg:$0x2];
	[bflag:$0x3] =	sbarrier.arrive $0xFFFF;
	s2 =	simm.s32 @!p0 $0x1C01  }
0x47: {  	[timem:s3], [sflag:s2] =	dma.local @!p0 [hbm:s0], s1  }
0x48: {  	s0 =	simm.s32 @!p0 $0x1  }
0x49: {  	_ =	swait.ge @!p0 [sflag:s0], s1  }
0x4a: {  	s1 =	ssub.s32 @!p0 $0x0, s1;
	[sflag:s0] =	ssyncset.done @!p0 $0x0  }
0x4b: {  	[sflag:s0] =	ssyncadd.s32 @!p0 s1  }
0x4c: {  	[bflag:$0x3] =	sbarrier.arrive $0xFFFF  }
0x4d: {  	_ =	shalt  }

</sc_bundles>
